<compile_context>
chip_gen: v7x
topology: tpu7x:2x2x1
jax: 0.10.2.dev20260603
libtpu: 0.0.44.dev20260713+nightly
codegen_flags: <defaults>
</compile_context>

<pallas_src>
import jax
import jax.numpy as jnp
from jax import lax
from jax.experimental import pallas as pl
from jax.experimental.pallas import tpu as pltpu
from jax.experimental.pallas import tpu_sc as plsc

NC = 2
NS = 16
NW = NC * NS
DEG_W = 16
K = 80
NB = 1


def _zero_rows(ref, nrows, ncols):
    zeros16 = jnp.zeros((16,), jnp.float32)

    def body(i, carry):
        for c in range(ncols // 16):
            ref[i, pl.ds(c * 16, 16)] = zeros16
        return carry

    lax.fori_loop(0, nrows, body, 0)


def _deg_body(refB_hbm, degp_hbm, idx_v, ones_v, zbuf_v, deg_sp):
    cid = lax.axis_index("c")
    sid = lax.axis_index("s")
    n_pad = deg_sp.shape[0]
    stripe = n_pad // NS
    n_chunks = idx_v.shape[0]

    ones16 = jnp.ones((16,), jnp.float32)

    def fill_ones(i, carry):
        ones_v[i, :] = ones16
        return carry

    lax.fori_loop(0, ones_v.shape[0], fill_ones, 0)
    _zero_rows(zbuf_v, zbuf_v.shape[0], DEG_W)

    pltpu.sync_copy(zbuf_v, deg_sp.at[pl.ds(sid * stripe, stripe)])
    plsc.subcore_barrier()

    wid = cid * NS + sid
    pltpu.sync_copy(refB_hbm.at[wid], idx_v)

    def chunk(j, carry):
        pltpu.sync_copy(ones_v, deg_sp.at[idx_v.at[j]], add=True)
        return carry

    lax.fori_loop(0, n_chunks, chunk, 0)
    plsc.subcore_barrier()

    pltpu.sync_copy(
        deg_sp.at[pl.ds(sid * stripe, stripe)],
        degp_hbm.at[cid, pl.ds(sid * stripe, stripe)],
    )


def _conv_body(x_hbm, degp_hbm, refA_hbm, refB_hbm,
               p0_hbm, p1_hbm, xn0_hbm, xn1_hbm,
               idxa_v, idxb_v, rows_v, zbuf_v, xbuf_v, d0_v, d1_v,
               xn0buf_v, xn1buf_v, acc_sp, *semgs):
    cid = lax.axis_index("c")
    sid = lax.axis_index("s")
    n_pad = acc_sp.shape[0]
    dh = acc_sp.shape[1]
    stripe = n_pad // NS
    zrows = zbuf_v.shape[0]
    n_chunks = idxa_v.shape[0]
    nblk = xbuf_v.shape[0]
    d = xbuf_v.shape[1]
    n_nodes = x_hbm.shape[0]
    node0 = sid * (n_nodes // NS)

    _zero_rows(zbuf_v, zrows, dh)

    wid = cid * NS + sid
    pltpu.sync_copy(refA_hbm.at[wid], idxa_v)
    pltpu.sync_copy(refB_hbm.at[wid], idxb_v)

    for blk in range(n_nodes // NS // nblk):
        base = node0 + blk * nblk
        pltpu.sync_copy(x_hbm.at[pl.ds(base, nblk)], xbuf_v)
        pltpu.sync_copy(degp_hbm.at[0, pl.ds(base, nblk)], d0_v)
        pltpu.sync_copy(degp_hbm.at[1, pl.ds(base, nblk)], d1_v)

        def nrow(i, carry):
            dv = d0_v[i, :] + d1_v[i, :]
            bits = lax.bitcast_convert_type(dv, jnp.int32)
            y = lax.bitcast_convert_type(
                jnp.int32(0x5F3759DF) - (bits >> 1), jnp.float32)
            for _ in range(3):
                y = y * (1.5 - 0.5 * dv * y * y)
            rv = jnp.where(dv > 0, y, 1.0)
            for c in range(dh // 16):
                xn0buf_v[i, pl.ds(c * 16, 16)] = (
                    xbuf_v[i, pl.ds(c * 16, 16)] * rv)
            for c in range(dh // 16):
                xn1buf_v[i, pl.ds(c * 16, 16)] = (
                    xbuf_v[i, pl.ds(dh + c * 16, 16)] * rv)
            return carry

        lax.fori_loop(0, nblk, nrow, 0)
        pltpu.sync_copy(xn0buf_v, xn0_hbm.at[pl.ds(base, nblk)])
        pltpu.sync_copy(xn1buf_v, xn1_hbm.at[pl.ds(base, nblk)])

    for h, (xn_hbm, p_hbm) in enumerate(((xn0_hbm, p0_hbm), (xn1_hbm, p1_hbm))):
        for j in range(stripe // zrows):
            pltpu.sync_copy(
                zbuf_v, acc_sp.at[pl.ds(sid * stripe + j * zrows, zrows)])
        plsc.subcore_barrier()

        def visit(i0, carry):
            gathers = []
            for b in range(NB):
                j = i0 * NB + b
                gathers.append(pltpu.async_copy(
                    xn_hbm.at[idxa_v.at[j]], rows_v.at[b], semgs[b]))
            for b in range(NB):
                j = i0 * NB + b
                gathers[b].wait()
                pltpu.sync_copy(
                    rows_v.at[b], acc_sp.at[idxb_v.at[j]], add=True)
            return carry

        lax.fori_loop(0, n_chunks // NB, visit, 0)
        plsc.subcore_barrier()

        pltpu.sync_copy(
            acc_sp.at[pl.ds(sid * stripe, stripe)],
            p_hbm.at[cid, pl.ds(sid * stripe, stripe)],
        )


def _out_body(x_ref, p0_ref, p1_ref, degp_ref, w_ref, b_ref, o_ref):
    deg = degp_ref[0, :, 0:1] + degp_ref[1, :, 0:1]
    r = jnp.where(deg > 0, lax.rsqrt(jnp.maximum(deg, 1.0)), 1.0)
    conv = jnp.concatenate(
        [p0_ref[0] + p0_ref[1], p1_ref[0] + p1_ref[1]], axis=-1)
    s = r * (x_ref[...] + conv)
    y = jnp.dot(s, w_ref[...], preferred_element_type=jnp.float32) + b_ref[...]
    o_ref[...] = jnp.maximum(y, 0.0)


def kernel(X, ref_A, ref_B, W, b):
    N, D = X.shape
    U = W.shape[1]
    E = ref_A.shape[0]
    DH = D // 2
    e_tile = ((E // NW + K * NB - 1) // (K * NB)) * (K * NB)
    n_chunks = e_tile // K
    e_pad = NW * e_tile - E
    n_pad = ((N + NS * DEG_W - 1) // (NS * DEG_W)) * (NS * DEG_W)

    refA3 = jnp.concatenate(
        [ref_A.astype(jnp.int32), jnp.zeros((e_pad,), jnp.int32)]
    ).reshape(NW, n_chunks, K)
    pad_dst = N + (jnp.arange(e_pad, dtype=jnp.int32) % (n_pad - N))
    refB3 = jnp.concatenate(
        [ref_B.astype(jnp.int32), pad_dst]
    ).reshape(NW, n_chunks, K)

    mesh = plsc.VectorSubcoreMesh(core_axis_name="c", subcore_axis_name="s")

    degp = pl.kernel(
        _deg_body,
        out_type=jax.ShapeDtypeStruct((NC, n_pad, DEG_W), jnp.float32),
        mesh=mesh,
        compiler_params=pltpu.CompilerParams(use_tc_tiling_on_sc=False),
        scratch_types=[
            pltpu.VMEM((n_chunks, K), jnp.int32),
            pltpu.VMEM((K, DEG_W), jnp.float32),
            pltpu.VMEM((n_pad // NS, DEG_W), jnp.float32),
            pltpu.VMEM_SHARED((n_pad, DEG_W), jnp.float32),
        ],
    )(refB3)

    grid = 10
    br = N // grid
    nblk = 125
    p0, p1, _, _ = pl.kernel(
        _conv_body,
        out_type=[
            jax.ShapeDtypeStruct((NC, n_pad, DH), jnp.float32),
            jax.ShapeDtypeStruct((NC, n_pad, DH), jnp.float32),
            jax.ShapeDtypeStruct((N, DH), jnp.float32),
            jax.ShapeDtypeStruct((N, DH), jnp.float32),
        ],
        mesh=mesh,
        compiler_params=pltpu.CompilerParams(use_tc_tiling_on_sc=False),
        scratch_types=[
            pltpu.VMEM((n_chunks, K), jnp.int32),
            pltpu.VMEM((n_chunks, K), jnp.int32),
            pltpu.VMEM((NB, K, DH), jnp.float32),
            pltpu.VMEM((128, DH), jnp.float32),
            pltpu.VMEM((nblk, D), jnp.float32),
            pltpu.VMEM((nblk, DEG_W), jnp.float32),
            pltpu.VMEM((nblk, DEG_W), jnp.float32),
            pltpu.VMEM((nblk, DH), jnp.float32),
            pltpu.VMEM((nblk, DH), jnp.float32),
            pltpu.VMEM_SHARED((n_pad, DH), jnp.float32),
        ] + [pltpu.SemaphoreType.DMA] * NB,
    )(X, degp, refA3, refB3)

    b2 = b.reshape(1, U)
    out = pl.pallas_call(
        _out_body,
        grid=(grid,),
        in_specs=[
            pl.BlockSpec((br, D), lambda i: (i, 0)),
            pl.BlockSpec((NC, br, DH), lambda i: (0, i, 0)),
            pl.BlockSpec((NC, br, DH), lambda i: (0, i, 0)),
            pl.BlockSpec((NC, br, DEG_W), lambda i: (0, i, 0)),
            pl.BlockSpec((D, U), lambda i: (0, 0)),
            pl.BlockSpec((1, U), lambda i: (0, 0)),
        ],
        out_specs=pl.BlockSpec((br, U), lambda i: (i, 0)),
        out_shape=jax.ShapeDtypeStruct((N, U), jnp.float32),
    )(X, p0, p1, degp, W, b2)
    return out

# --- scband reference (transcript-rebuilt; emitter-appended) ---
"""Pipeline reference for scband-convolution-layer-26156350832641 (READ-ONLY COPY).

The authoritative reference and input builder live on the scoring server;
editing this copy changes nothing except your own understanding.
"""

import jax, jax.numpy as jnp
import numpy as np

N_NODES = 10000
N_EDGES = 320000
D_FEAT = 128
UNITS = 128


def setup_inputs(seed: int = 0) -> dict:
    key = jax.random.key(seed)
    k1, k2, k3, k4, k5 = jax.random.split(key, 5)
    X = jax.random.normal(k1, (N_NODES, D_FEAT), dtype=jnp.float32)
    ref_A = jax.random.randint(k2, (N_EDGES,), 0, N_NODES, dtype=jnp.int64 if jax.config.jax_enable_x64 else jnp.int32)
    ref_B = jax.random.randint(k3, (N_EDGES,), 0, N_NODES, dtype=jnp.int64 if jax.config.jax_enable_x64 else jnp.int32)
    # GlorotUniform init for w (and, matching the original code, for b as well)
    limit_w = np.sqrt(6.0 / (D_FEAT + UNITS))
    W = jax.random.uniform(k4, (D_FEAT, UNITS), dtype=jnp.float32, minval=-limit_w, maxval=limit_w)
    limit_b = np.sqrt(6.0 / (UNITS + 1))
    b = jax.random.uniform(k5, (UNITS,), dtype=jnp.float32, minval=-limit_b, maxval=limit_b)
    return {"X": X, "ref_A": ref_A, "ref_B": ref_B, "W": W, "b": b}


def reference(X, ref_A, ref_B, W, b):
    # ref_A: edge source node indices, ref_B: edge destination node indices.
    N = X.shape[0]
    # Degree-based symmetric normalization (GCN-style D^{-1/2} scaling per application)
    deg = jax.ops.segment_sum(jnp.ones(ref_B.shape[0], dtype=X.dtype), ref_B, num_segments=N)
    inv_sqrt_deg = jnp.where(deg > 0, 1.0 / jnp.sqrt(jnp.maximum(deg, 1.0)), 1.0)

    def normalization(h):
        return h * inv_sqrt_deg[:, None]

    def convolution(h):
        # gather messages from source nodes, scatter-add into destination nodes
        messages = jnp.take(h, ref_A, axis=0)
        return jax.ops.segment_sum(messages, ref_B, num_segments=N)

    # conv_X = norm(X + conv(norm(X)))  (residual GCN propagation)
    conv_X = normalization(X + convolution(normalization(X)))
    result = jax.nn.relu(conv_X @ W + b)
    return result

if __name__ == "__main__":
    import jax
    _d = setup_inputs()
    print(jax.jit(kernel)(*tuple(_d.values())))

</pallas_src>

<mosaic_0001>
#map = affine_map<(d0, d1) -> (0, 0)>
#map1 = affine_map<(d0, d1) -> (0, 0, 0)>
module attributes {stable_mosaic.version = 14 : i64} {
  func.func @_conv_body(%arg0: i32, %arg1: i32, %arg2: memref<10000x128xf32, #tpu.memory_space<hbm>>, %arg3: memref<2x10240x16xf32, #tpu.memory_space<hbm>>, %arg4: memref<32x125x80xi32, #tpu.memory_space<hbm>>, %arg5: memref<32x125x80xi32, #tpu.memory_space<hbm>>, %arg6: memref<2x10240x64xf32, #tpu.memory_space<hbm>>, %arg7: memref<2x10240x64xf32, #tpu.memory_space<hbm>>, %arg8: memref<10000x64xf32, #tpu.memory_space<hbm>>, %arg9: memref<10000x64xf32, #tpu.memory_space<hbm>>, %arg10: memref<125x80xi32, #tpu.memory_space<vmem>>, %arg11: memref<125x80xi32, #tpu.memory_space<vmem>>, %arg12: memref<1x80x64xf32, #tpu.memory_space<vmem>>, %arg13: memref<128x64xf32, #tpu.memory_space<vmem>>, %arg14: memref<125x128xf32, #tpu.memory_space<vmem>>, %arg15: memref<125x16xf32, #tpu.memory_space<vmem>>, %arg16: memref<125x16xf32, #tpu.memory_space<vmem>>, %arg17: memref<125x64xf32, #tpu.memory_space<vmem>>, %arg18: memref<125x64xf32, #tpu.memory_space<vmem>>, %arg19: memref<10240x64xf32, #tpu.memory_space<vmem_shared>>, %arg20: memref<!tpu.dma_semaphore, #tpu.memory_space<semaphore_mem>>) attributes {dimension_semantics = [#tpu.dimension_semantics<core_parallel>, #tpu.dimension_semantics<subcore_parallel>], iteration_bounds = array<i64: 2, 16>, scalar_prefetch = 0 : i64, scratch_operands = 11 : i64, tpu.core_type = #tpu.core_type<sc_vector_subcore>, window_params = [{transform_indices = #map}, {transform_indices = #map1}, {transform_indices = #map1}, {transform_indices = #map1}, {transform_indices = #map1}, {transform_indices = #map1}, {transform_indices = #map}, {transform_indices = #map}]} {
    %mul3A = arith.constant 625 : i32
    %mul3A_0 = arith.muli %arg1, %mul3A : i32
    %broadcast_in_dim3A = arith.constant 0.000000e+00 : f32
    %broadcast_in_dim3A_1 = vector.broadcast %broadcast_in_dim3A : f32 to vector<16xf32>
    %scan3A = arith.constant 0 : i32
    %scan3A_2 = arith.constant 0 : i32
    %scan3A_3 = arith.constant 128 : i32
    %scan3A_4 = arith.addi %scan3A_2, %scan3A_3 : i32
    %scan3A_5 = arith.constant 1 : i32
    scf.for %scan3A_121 = %scan3A_2 to %scan3A_4 step %scan3A_5  : i32 {
      %swap3A = arith.index_cast %scan3A_121 : i32 to index
      %swap3A_122 = arith.constant 0 : index
      %swap3A_123 = tpu.vector_load %arg13[%swap3A, %swap3A_122] {strides = array<i32>} : memref<128x64xf32, #tpu.memory_space<vmem>>, vector<1x16xf32>,
      %swap3A_124 = vector.shape_cast %swap3A_123 : vector<1x16xf32> to vector<16xf32>
      %swap3A_125 = vector.shape_cast %broadcast_in_dim3A_1 : vector<16xf32> to vector<1x16xf32>
      tpu.vector_store %arg13[%swap3A, %swap3A_122], %swap3A_125 {strides = array<i32>} : memref<128x64xf32, #tpu.memory_space<vmem>>, vector<1x16xf32>,
      %swap3A_126 = arith.index_cast %scan3A_121 : i32 to index
      %swap3A_127 = arith.constant 16 : index
      %swap3A_128 = tpu.vector_load %arg13[%swap3A_126, %swap3A_127] {strides = array<i32>} : memref<128x64xf32, #tpu.memory_space<vmem>>, vector<1x16xf32>,
      %swap3A_129 = vector.shape_cast %swap3A_128 : vector<1x16xf32> to vector<16xf32>
      %swap3A_130 = vector.shape_cast %broadcast_in_dim3A_1 : vector<16xf32> to vector<1x16xf32>
      tpu.vector_store %arg13[%swap3A_126, %swap3A_127], %swap3A_130 {strides = array<i32>} : memref<128x64xf32, #tpu.memory_space<vmem>>, vector<1x16xf32>,
      %swap3A_131 = arith.index_cast %scan3A_121 : i32 to index
      %swap3A_132 = arith.constant 32 : index
      %swap3A_133 = tpu.vector_load %arg13[%swap3A_131, %swap3A_132] {strides = array<i32>} : memref<128x64xf32, #tpu.memory_space<vmem>>, vector<1x16xf32>,
      %swap3A_134 = vector.shape_cast %swap3A_133 : vector<1x16xf32> to vector<16xf32>
      %swap3A_135 = vector.shape_cast %broadcast_in_dim3A_1 : vector<16xf32> to vector<1x16xf32>
      tpu.vector_store %arg13[%swap3A_131, %swap3A_132], %swap3A_135 {strides = array<i32>} : memref<128x64xf32, #tpu.memory_space<vmem>>, vector<1x16xf32>,
      %swap3A_136 = arith.index_cast %scan3A_121 : i32 to index
      %swap3A_137 = arith.constant 48 : index
      %swap3A_138 = tpu.vector_load %arg13[%swap3A_136, %swap3A_137] {strides = array<i32>} : memref<128x64xf32, #tpu.memory_space<vmem>>, vector<1x16xf32>,
      %swap3A_139 = vector.shape_cast %swap3A_138 : vector<1x16xf32> to vector<16xf32>
      %swap3A_140 = vector.shape_cast %broadcast_in_dim3A_1 : vector<16xf32> to vector<1x16xf32>
      tpu.vector_store %arg13[%swap3A_136, %swap3A_137], %swap3A_140 {strides = array<i32>} : memref<128x64xf32, #tpu.memory_space<vmem>>, vector<1x16xf32>,
    }
    %scan3A_6 = arith.constant 128 : i32
    %mul3A_7 = arith.constant 16 : i32
    %mul3A_8 = arith.muli %arg0, %mul3A_7 : i32
    %add3A = arith.addi %mul3A_8, %arg1 : i32
    "tpu.region"() ({
      %run_scoped3A_121 = tpu.sem_alloc : memref<!tpu.dma_semaphore, #tpu.memory_space<semaphore_mem>>
      %dma_start3A = arith.constant 0 : i32
      %dma_start3A_122 = arith.constant 0 : i32
      %dma_start3A_123 = tpu.memref_slice %arg4[%add3A, %dma_start3A, %dma_start3A_122] : memref<32x125x80xi32, #tpu.memory_space<hbm>> -> memref<1x125x80xi32, #tpu.memory_space<hbm>>
      %dma_start3A_124 = tpu.memref_squeeze %dma_start3A_123 : memref<1x125x80xi32, #tpu.memory_space<hbm>> -> memref<125x80xi32, #tpu.memory_space<hbm>>
      %dma_start3A_125 = arith.constant 0 : i32
      %dma_start3A_126 = arith.constant 0 : i32
      %dma_start3A_127 = tpu.memref_slice %arg4[%add3A, %dma_start3A_125, %dma_start3A_126] : memref<32x125x80xi32, #tpu.memory_space<hbm>> -> memref<1x125x80xi32, #tpu.memory_space<hbm>>
      %dma_start3A_128 = tpu.memref_squeeze %dma_start3A_127 : memref<1x125x80xi32, #tpu.memory_space<hbm>> -> memref<125x80xi32, #tpu.memory_space<hbm>>
      tpu.enqueue_dma source(%dma_start3A_128 : memref<125x80xi32, #tpu.memory_space<hbm>>) target(%arg10 : memref<125x80xi32, #tpu.memory_space<vmem>>) target_semaphore(%run_scoped3A_121 : memref<!tpu.dma_semaphore, #tpu.memory_space<semaphore_mem>>)
      %dma_wait3A = arith.constant 0 : i32
      %dma_wait3A_129 = arith.constant 0 : i32
      %dma_wait3A_130 = tpu.memref_slice %arg4[%add3A, %dma_wait3A, %dma_wait3A_129] : memref<32x125x80xi32, #tpu.memory_space<hbm>> -> memref<1x125x80xi32, #tpu.memory_space<hbm>>
      %dma_wait3A_131 = tpu.memref_squeeze %dma_wait3A_130 : memref<1x125x80xi32, #tpu.memory_space<hbm>> -> memref<125x80xi32, #tpu.memory_space<hbm>>
      %dma_wait3A_132 = arith.constant 0 : i32
      %dma_wait3A_133 = arith.constant 0 : i32
      %dma_wait3A_134 = tpu.memref_slice %arg4[%add3A, %dma_wait3A_132, %dma_wait3A_133] : memref<32x125x80xi32, #tpu.memory_space<hbm>> -> memref<1x125x80xi32, #tpu.memory_space<hbm>>
      %dma_wait3A_135 = tpu.memref_squeeze %dma_wait3A_134 : memref<1x125x80xi32, #tpu.memory_space<hbm>> -> memref<125x80xi32, #tpu.memory_space<hbm>>
      tpu.wait_dma2 semaphore(%run_scoped3A_121 : memref<!tpu.dma_semaphore, #tpu.memory_space<semaphore_mem>>) src(%dma_wait3A_135 : memref<125x80xi32, #tpu.memory_space<hbm>>) dst(%arg10 : memref<125x80xi32, #tpu.memory_space<vmem>>)
      tpu.yield
    }) : () -> ()
    "tpu.region"() ({
      %run_scoped3A_121 = tpu.sem_alloc : memref<!tpu.dma_semaphore, #tpu.memory_space<semaphore_mem>>
      %dma_start3A = arith.constant 0 : i32
      %dma_start3A_122 = arith.constant 0 : i32
      %dma_start3A_123 = tpu.memref_slice %arg5[%add3A, %dma_start3A, %dma_start3A_122] : memref<32x125x80xi32, #tpu.memory_space<hbm>> -> memref<1x125x80xi32, #tpu.memory_space<hbm>>
      %dma_start3A_124 = tpu.memref_squeeze %dma_start3A_123 : memref<1x125x80xi32, #tpu.memory_space<hbm>> -> memref<125x80xi32, #tpu.memory_space<hbm>>
      %dma_start3A_125 = arith.constant 0 : i32
      %dma_start3A_126 = arith.constant 0 : i32
      %dma_start3A_127 = tpu.memref_slice %arg5[%add3A, %dma_start3A_125, %dma_start3A_126] : memref<32x125x80xi32, #tpu.memory_space<hbm>> -> memref<1x125x80xi32, #tpu.memory_space<hbm>>
      %dma_start3A_128 = tpu.memref_squeeze %dma_start3A_127 : memref<1x125x80xi32, #tpu.memory_space<hbm>> -> memref<125x80xi32, #tpu.memory_space<hbm>>
      tpu.enqueue_dma source(%dma_start3A_128 : memref<125x80xi32, #tpu.memory_space<hbm>>) target(%arg11 : memref<125x80xi32, #tpu.memory_space<vmem>>) target_semaphore(%run_scoped3A_121 : memref<!tpu.dma_semaphore, #tpu.memory_space<semaphore_mem>>)
      %dma_wait3A = arith.constant 0 : i32
      %dma_wait3A_129 = arith.constant 0 : i32
      %dma_wait3A_130 = tpu.memref_slice %arg5[%add3A, %dma_wait3A, %dma_wait3A_129] : memref<32x125x80xi32, #tpu.memory_space<hbm>> -> memref<1x125x80xi32, #tpu.memory_space<hbm>>
      %dma_wait3A_131 = tpu.memref_squeeze %dma_wait3A_130 : memref<1x125x80xi32, #tpu.memory_space<hbm>> -> memref<125x80xi32, #tpu.memory_space<hbm>>
      %dma_wait3A_132 = arith.constant 0 : i32
      %dma_wait3A_133 = arith.constant 0 : i32
      %dma_wait3A_134 = tpu.memref_slice %arg5[%add3A, %dma_wait3A_132, %dma_wait3A_133] : memref<32x125x80xi32, #tpu.memory_space<hbm>> -> memref<1x125x80xi32, #tpu.memory_space<hbm>>
      %dma_wait3A_135 = tpu.memref_squeeze %dma_wait3A_134 : memref<1x125x80xi32, #tpu.memory_space<hbm>> -> memref<125x80xi32, #tpu.memory_space<hbm>>
      tpu.wait_dma2 semaphore(%run_scoped3A_121 : memref<!tpu.dma_semaphore, #tpu.memory_space<semaphore_mem>>) src(%dma_wait3A_135 : memref<125x80xi32, #tpu.memory_space<hbm>>) dst(%arg11 : memref<125x80xi32, #tpu.memory_space<vmem>>)
      tpu.yield
    }) : () -> ()
    %add3A_9 = arith.constant 0 : i32
    %add3A_10 = arith.addi %mul3A_0, %add3A_9 : i32
    "tpu.region"() ({
      %run_scoped3A_121 = tpu.sem_alloc : memref<!tpu.dma_semaphore, #tpu.memory_space<semaphore_mem>>
      %dma_start3A = arith.constant 0 : i32
      %dma_start3A_122 = tpu.memref_slice %arg2[%add3A_10, %dma_start3A] : memref<10000x128xf32, #tpu.memory_space<hbm>> -> memref<125x128xf32, #tpu.memory_space<hbm>>
      %dma_start3A_123 = arith.constant 0 : i32
      %dma_start3A_124 = tpu.memref_slice %arg2[%add3A_10, %dma_start3A_123] : memref<10000x128xf32, #tpu.memory_space<hbm>> -> memref<125x128xf32, #tpu.memory_space<hbm>>
      tpu.enqueue_dma source(%dma_start3A_124 : memref<125x128xf32, #tpu.memory_space<hbm>>) target(%arg14 : memref<125x128xf32, #tpu.memory_space<vmem>>) target_semaphore(%run_scoped3A_121 : memref<!tpu.dma_semaphore, #tpu.memory_space<semaphore_mem>>)
      %dma_wait3A = arith.constant 0 : i32
      %dma_wait3A_125 = tpu.memref_slice %arg2[%add3A_10, %dma_wait3A] : memref<10000x128xf32, #tpu.memory_space<hbm>> -> memref<125x128xf32, #tpu.memory_space<hbm>>
      %dma_wait3A_126 = arith.constant 0 : i32
      %dma_wait3A_127 = tpu.memref_slice %arg2[%add3A_10, %dma_wait3A_126] : memref<10000x128xf32, #tpu.memory_space<hbm>> -> memref<125x128xf32, #tpu.memory_space<hbm>>
      tpu.wait_dma2 semaphore(%run_scoped3A_121 : memref<!tpu.dma_semaphore, #tpu.memory_space<semaphore_mem>>) src(%dma_wait3A_127 : memref<125x128xf32, #tpu.memory_space<hbm>>) dst(%arg14 : memref<125x128xf32, #tpu.memory_space<vmem>>)
      tpu.yield
    }) : () -> ()
    %run_scoped3A = arith.constant 0 : i32
    "tpu.region"() ({
      %run_scoped3A_121 = tpu.sem_alloc : memref<!tpu.dma_semaphore, #tpu.memory_space<semaphore_mem>>
      %dma_start3A = arith.constant 0 : i32
      %dma_start3A_122 = tpu.memref_slice %arg3[%run_scoped3A, %add3A_10, %dma_start3A] : memref<2x10240x16xf32, #tpu.memory_space<hbm>> -> memref<1x125x16xf32, #tpu.memory_space<hbm>>
      %dma_start3A_123 = tpu.memref_squeeze %dma_start3A_122 : memref<1x125x16xf32, #tpu.memory_space<hbm>> -> memref<125x16xf32, #tpu.memory_space<hbm>>
      %dma_start3A_124 = arith.constant 0 : i32
      %dma_start3A_125 = tpu.memref_slice %arg3[%run_scoped3A, %add3A_10, %dma_start3A_124] : memref<2x10240x16xf32, #tpu.memory_space<hbm>> -> memref<1x125x16xf32, #tpu.memory_space<hbm>>
      %dma_start3A_126 = tpu.memref_squeeze %dma_start3A_125 : memref<1x125x16xf32, #tpu.memory_space<hbm>> -> memref<125x16xf32, #tpu.memory_space<hbm>>
      tpu.enqueue_dma source(%dma_start3A_126 : memref<125x16xf32, #tpu.memory_space<hbm>>) target(%arg15 : memref<125x16xf32, #tpu.memory_space<vmem>>) target_semaphore(%run_scoped3A_121 : memref<!tpu.dma_semaphore, #tpu.memory_space<semaphore_mem>>)
      %dma_wait3A = arith.constant 0 : i32
      %dma_wait3A_127 = tpu.memref_slice %arg3[%run_scoped3A, %add3A_10, %dma_wait3A] : memref<2x10240x16xf32, #tpu.memory_space<hbm>> -> memref<1x125x16xf32, #tpu.memory_space<hbm>>
      %dma_wait3A_128 = tpu.memref_squeeze %dma_wait3A_127 : memref<1x125x16xf32, #tpu.memory_space<hbm>> -> memref<125x16xf32, #tpu.memory_space<hbm>>
      %dma_wait3A_129 = arith.constant 0 : i32
      %dma_wait3A_130 = tpu.memref_slice %arg3[%run_scoped3A, %add3A_10, %dma_wait3A_129] : memref<2x10240x16xf32, #tpu.memory_space<hbm>> -> memref<1x125x16xf32, #tpu.memory_space<hbm>>
      %dma_wait3A_131 = tpu.memref_squeeze %dma_wait3A_130 : memref<1x125x16xf32, #tpu.memory_space<hbm>> -> memref<125x16xf32, #tpu.memory_space<hbm>>
      tpu.wait_dma2 semaphore(%run_scoped3A_121 : memref<!tpu.dma_semaphore, #tpu.memory_space<semaphore_mem>>) src(%dma_wait3A_131 : memref<125x16xf32, #tpu.memory_space<hbm>>) dst(%arg15 : memref<125x16xf32, #tpu.memory_space<vmem>>)
      tpu.yield
    }) : () -> ()
    %run_scoped3A_11 = arith.constant 1 : i32
    "tpu.region"() ({
      %run_scoped3A_121 = tpu.sem_alloc : memref<!tpu.dma_semaphore, #tpu.memory_space<semaphore_mem>>
      %dma_start3A = arith.constant 0 : i32
      %dma_start3A_122 = tpu.memref_slice %arg3[%run_scoped3A_11, %add3A_10, %dma_start3A] : memref<2x10240x16xf32, #tpu.memory_space<hbm>> -> memref<1x125x16xf32, #tpu.memory_space<hbm>>
      %dma_start3A_123 = tpu.memref_squeeze %dma_start3A_122 : memref<1x125x16xf32, #tpu.memory_space<hbm>> -> memref<125x16xf32, #tpu.memory_space<hbm>>
      %dma_start3A_124 = arith.constant 0 : i32
      %dma_start3A_125 = tpu.memref_slice %arg3[%run_scoped3A_11, %add3A_10, %dma_start3A_124] : memref<2x10240x16xf32, #tpu.memory_space<hbm>> -> memref<1x125x16xf32, #tpu.memory_space<hbm>>
      %dma_start3A_126 = tpu.memref_squeeze %dma_start3A_125 : memref<1x125x16xf32, #tpu.memory_space<hbm>> -> memref<125x16xf32, #tpu.memory_space<hbm>>
      tpu.enqueue_dma source(%dma_start3A_126 : memref<125x16xf32, #tpu.memory_space<hbm>>) target(%arg16 : memref<125x16xf32, #tpu.memory_space<vmem>>) target_semaphore(%run_scoped3A_121 : memref<!tpu.dma_semaphore, #tpu.memory_space<semaphore_mem>>)
      %dma_wait3A = arith.constant 0 : i32
      %dma_wait3A_127 = tpu.memref_slice %arg3[%run_scoped3A_11, %add3A_10, %dma_wait3A] : memref<2x10240x16xf32, #tpu.memory_space<hbm>> -> memref<1x125x16xf32, #tpu.memory_space<hbm>>
      %dma_wait3A_128 = tpu.memref_squeeze %dma_wait3A_127 : memref<1x125x16xf32, #tpu.memory_space<hbm>> -> memref<125x16xf32, #tpu.memory_space<hbm>>
      %dma_wait3A_129 = arith.constant 0 : i32
      %dma_wait3A_130 = tpu.memref_slice %arg3[%run_scoped3A_11, %add3A_10, %dma_wait3A_129] : memref<2x10240x16xf32, #tpu.memory_space<hbm>> -> memref<1x125x16xf32, #tpu.memory_space<hbm>>
      %dma_wait3A_131 = tpu.memref_squeeze %dma_wait3A_130 : memref<1x125x16xf32, #tpu.memory_space<hbm>> -> memref<125x16xf32, #tpu.memory_space<hbm>>
      tpu.wait_dma2 semaphore(%run_scoped3A_121 : memref<!tpu.dma_semaphore, #tpu.memory_space<semaphore_mem>>) src(%dma_wait3A_131 : memref<125x16xf32, #tpu.memory_space<hbm>>) dst(%arg16 : memref<125x16xf32, #tpu.memory_space<vmem>>)
      tpu.yield
    }) : () -> ()
    %scan3A_12 = arith.constant 0 : i32
    %scan3A_13 = arith.constant 0 : i32
    %scan3A_14 = arith.constant 125 : i32
    %scan3A_15 = arith.addi %scan3A_13, %scan3A_14 : i32
    %scan3A_16 = arith.constant 1 : i32
    scf.for %scan3A_121 = %scan3A_13 to %scan3A_15 step %scan3A_16  : i32 {
      %get3A = arith.index_cast %scan3A_121 : i32 to index
      %get3A_122 = arith.constant 0 : index
      %get3A_123 = tpu.vector_load %arg15[%get3A, %get3A_122] {strides = array<i32>} : memref<125x16xf32, #tpu.memory_space<vmem>>, vector<1x16xf32>,
      %get3A_124 = vector.shape_cast %get3A_123 : vector<1x16xf32> to vector<16xf32>
      %get3A_125 = arith.index_cast %scan3A_121 : i32 to index
      %get3A_126 = arith.constant 0 : index
      %get3A_127 = tpu.vector_load %arg16[%get3A_125, %get3A_126] {strides = array<i32>} : memref<125x16xf32, #tpu.memory_space<vmem>>, vector<1x16xf32>,
      %get3A_128 = vector.shape_cast %get3A_127 : vector<1x16xf32> to vector<16xf32>
      %add3A_129 = arith.addf %get3A_124, %get3A_128 : vector<16xf32>
      %bitcast_convert_type3A = tpu.bitcast %add3A_129 : vector<16xf32> -> vector<16xi32>
      %shift_right_arithmetic3A = arith.constant 1 : i32
      %shift_right_arithmetic3A_130 = vector.broadcast %shift_right_arithmetic3A : i32 to vector<16xi32>
      %shift_right_arithmetic3A_131 = arith.shrsi %bitcast_convert_type3A, %shift_right_arithmetic3A_130 : vector<16xi32>
      %sub3A = arith.constant 1597463007 : i32
      %sub3A_132 = vector.broadcast %sub3A : i32 to vector<16xi32>
      %sub3A_133 = arith.subi %sub3A_132, %shift_right_arithmetic3A_131 : vector<16xi32>
      %bitcast_convert_type3A_134 = tpu.bitcast %sub3A_133 : vector<16xi32> -> vector<16xf32>
      %mul3A_135 = arith.constant 5.000000e-01 : f32
      %mul3A_136 = vector.broadcast %mul3A_135 : f32 to vector<16xf32>
      %mul3A_137 = arith.mulf %mul3A_136, %add3A_129 : vector<16xf32>
      %mul3A_138 = arith.mulf %mul3A_137, %bitcast_convert_type3A_134 : vector<16xf32>
      %mul3A_139 = arith.mulf %mul3A_138, %bitcast_convert_type3A_134 : vector<16xf32>
      %sub3A_140 = arith.constant 1.500000e+00 : f32
      %sub3A_141 = vector.broadcast %sub3A_140 : f32 to vector<16xf32>
      %sub3A_142 = arith.subf %sub3A_141, %mul3A_139 : vector<16xf32>
      %mul3A_143 = arith.mulf %bitcast_convert_type3A_134, %sub3A_142 : vector<16xf32>
      %mul3A_144 = arith.constant 5.000000e-01 : f32
      %mul3A_145 = vector.broadcast %mul3A_144 : f32 to vector<16xf32>
      %mul3A_146 = arith.mulf %mul3A_145, %add3A_129 : vector<16xf32>
      %mul3A_147 = arith.mulf %mul3A_146, %mul3A_143 : vector<16xf32>
      %mul3A_148 = arith.mulf %mul3A_147, %mul3A_143 : vector<16xf32>
      %sub3A_149 = arith.constant 1.500000e+00 : f32
      %sub3A_150 = vector.broadcast %sub3A_149 : f32 to vector<16xf32>
      %sub3A_151 = arith.subf %sub3A_150, %mul3A_148 : vector<16xf32>
      %mul3A_152 = arith.mulf %mul3A_143, %sub3A_151 : vector<16xf32>
      %mul3A_153 = arith.constant 5.000000e-01 : f32
      %mul3A_154 = vector.broadcast %mul3A_153 : f32 to vector<16xf32>
      %mul3A_155 = arith.mulf %mul3A_154, %add3A_129 : vector<16xf32>
      %mul3A_156 = arith.mulf %mul3A_155, %mul3A_152 : vector<16xf32>
      %mul3A_157 = arith.mulf %mul3A_156, %mul3A_152 : vector<16xf32>
      %sub3A_158 = arith.constant 1.500000e+00 : f32
      %sub3A_159 = vector.broadcast %sub3A_158 : f32 to vector<16xf32>
      %sub3A_160 = arith.subf %sub3A_159, %mul3A_157 : vector<16xf32>
      %mul3A_161 = arith.mulf %mul3A_152, %sub3A_160 : vector<16xf32>
      %gt3A = arith.constant 0.000000e+00 : f32
      %gt3A_162 = vector.broadcast %gt3A : f32 to vector<16xf32>
      %gt3A_163 = arith.cmpf ogt, %add3A_129, %gt3A_162 : vector<16xf32>
      %jit3A = arith.constant 1.000000e+00 : f32
      %broadcast_in_dim3A_164 = vector.broadcast %jit3A : f32 to vector<16xf32>
      %select_n3A = arith.select %gt3A_163, %mul3A_161, %broadcast_in_dim3A_164 : vector<16xi1>, vector<16xf32>
      %get3A_165 = arith.index_cast %scan3A_121 : i32 to index
      %get3A_166 = arith.constant 0 : index
      %get3A_167 = tpu.vector_load %arg14[%get3A_165, %get3A_166] {strides = array<i32>} : memref<125x128xf32, #tpu.memory_space<vmem>>, vector<1x16xf32>,
      %get3A_168 = vector.shape_cast %get3A_167 : vector<1x16xf32> to vector<16xf32>
      %mul3A_169 = arith.mulf %get3A_168, %select_n3A : vector<16xf32>
      %swap3A = arith.index_cast %scan3A_121 : i32 to index
      %swap3A_170 = arith.constant 0 : index
      %swap3A_171 = tpu.vector_load %arg17[%swap3A, %swap3A_170] {strides = array<i32>} : memref<125x64xf32, #tpu.memory_space<vmem>>, vector<1x16xf32>,
      %swap3A_172 = vector.shape_cast %swap3A_171 : vector<1x16xf32> to vector<16xf32>
      %swap3A_173 = vector.shape_cast %mul3A_169 : vector<16xf32> to vector<1x16xf32>
      tpu.vector_store %arg17[%swap3A, %swap3A_170], %swap3A_173 {strides = array<i32>} : memref<125x64xf32, #tpu.memory_space<vmem>>, vector<1x16xf32>,
      %get3A_174 = arith.index_cast %scan3A_121 : i32 to index
      %get3A_175 = arith.constant 16 : index
      %get3A_176 = tpu.vector_load %arg14[%get3A_174, %get3A_175] {strides = array<i32>} : memref<125x128xf32, #tpu.memory_space<vmem>>, vector<1x16xf32>,
      %get3A_177 = vector.shape_cast %get3A_176 : vector<1x16xf32> to vector<16xf32>
      %mul3A_178 = arith.mulf %get3A_177, %select_n3A : vector<16xf32>
      %swap3A_179 = arith.index_cast %scan3A_121 : i32 to index
      %swap3A_180 = arith.constant 16 : index
      %swap3A_181 = tpu.vector_load %arg17[%swap3A_179, %swap3A_180] {strides = array<i32>} : memref<125x64xf32, #tpu.memory_space<vmem>>, vector<1x16xf32>,
      %swap3A_182 = vector.shape_cast %swap3A_181 : vector<1x16xf32> to vector<16xf32>
      %swap3A_183 = vector.shape_cast %mul3A_178 : vector<16xf32> to vector<1x16xf32>
      tpu.vector_store %arg17[%swap3A_179, %swap3A_180], %swap3A_183 {strides = array<i32>} : memref<125x64xf32, #tpu.memory_space<vmem>>, vector<1x16xf32>,
      %get3A_184 = arith.index_cast %scan3A_121 : i32 to index
      %get3A_185 = arith.constant 32 : index
      %get3A_186 = tpu.vector_load %arg14[%get3A_184, %get3A_185] {strides = array<i32>} : memref<125x128xf32, #tpu.memory_space<vmem>>, vector<1x16xf32>,
      %get3A_187 = vector.shape_cast %get3A_186 : vector<1x16xf32> to vector<16xf32>
      %mul3A_188 = arith.mulf %get3A_187, %select_n3A : vector<16xf32>
      %swap3A_189 = arith.index_cast %scan3A_121 : i32 to index
      %swap3A_190 = arith.constant 32 : index
      %swap3A_191 = tpu.vector_load %arg17[%swap3A_189, %swap3A_190] {strides = array<i32>} : memref<125x64xf32, #tpu.memory_space<vmem>>, vector<1x16xf32>,
      %swap3A_192 = vector.shape_cast %swap3A_191 : vector<1x16xf32> to vector<16xf32>
      %swap3A_193 = vector.shape_cast %mul3A_188 : vector<16xf32> to vector<1x16xf32>
      tpu.vector_store %arg17[%swap3A_189, %swap3A_190], %swap3A_193 {strides = array<i32>} : memref<125x64xf32, #tpu.memory_space<vmem>>, vector<1x16xf32>,
      %get3A_194 = arith.index_cast %scan3A_121 : i32 to index
      %get3A_195 = arith.constant 48 : index
      %get3A_196 = tpu.vector_load %arg14[%get3A_194, %get3A_195] {strides = array<i32>} : memref<125x128xf32, #tpu.memory_space<vmem>>, vector<1x16xf32>,
      %get3A_197 = vector.shape_cast %get3A_196 : vector<1x16xf32> to vector<16xf32>
      %mul3A_198 = arith.mulf %get3A_197, %select_n3A : vector<16xf32>
      %swap3A_199 = arith.index_cast %scan3A_121 : i32 to index
      %swap3A_200 = arith.constant 48 : index
      %swap3A_201 = tpu.vector_load %arg17[%swap3A_199, %swap3A_200] {strides = array<i32>} : memref<125x64xf32, #tpu.memory_space<vmem>>, vector<1x16xf32>,
      %swap3A_202 = vector.shape_cast %swap3A_201 : vector<1x16xf32> to vector<16xf32>
      %swap3A_203 = vector.shape_cast %mul3A_198 : vector<16xf32> to vector<1x16xf32>
      tpu.vector_store %arg17[%swap3A_199, %swap3A_200], %swap3A_203 {strides = array<i32>} : memref<125x64xf32, #tpu.memory_space<vmem>>, vector<1x16xf32>,
      %get3A_204 = arith.index_cast %scan3A_121 : i32 to index
      %get3A_205 = arith.constant 64 : index
      %get3A_206 = tpu.vector_load %arg14[%get3A_204, %get3A_205] {strides = array<i32>} : memref<125x128xf32, #tpu.memory_space<vmem>>, vector<1x16xf32>,
      %get3A_207 = vector.shape_cast %get3A_206 : vector<1x16xf32> to vector<16xf32>
      %mul3A_208 = arith.mulf %get3A_207, %select_n3A : vector<16xf32>
      %swap3A_209 = arith.index_cast %scan3A_121 : i32 to index
      %swap3A_210 = arith.constant 0 : index
      %swap3A_211 = tpu.vector_load %arg18[%swap3A_209, %swap3A_210] {strides = array<i32>} : memref<125x64xf32, #tpu.memory_space<vmem>>, vector<1x16xf32>,
      %swap3A_212 = vector.shape_cast %swap3A_211 : vector<1x16xf32> to vector<16xf32>
      %swap3A_213 = vector.shape_cast %mul3A_208 : vector<16xf32> to vector<1x16xf32>
      tpu.vector_store %arg18[%swap3A_209, %swap3A_210], %swap3A_213 {strides = array<i32>} : memref<125x64xf32, #tpu.memory_space<vmem>>, vector<1x16xf32>,
      %get3A_214 = arith.index_cast %scan3A_121 : i32 to index
      %get3A_215 = arith.constant 80 : index
      %get3A_216 = tpu.vector_load %arg14[%get3A_214, %get3A_215] {strides = array<i32>} : memref<125x128xf32, #tpu.memory_space<vmem>>, vector<1x16xf32>,
      %get3A_217 = vector.shape_cast %get3A_216 : vector<1x16xf32> to vector<16xf32>
      %mul3A_218 = arith.mulf %get3A_217, %select_n3A : vector<16xf32>
      %swap3A_219 = arith.index_cast %scan3A_121 : i32 to index
      %swap3A_220 = arith.constant 16 : index
      %swap3A_221 = tpu.vector_load %arg18[%swap3A_219, %swap3A_220] {strides = array<i32>} : memref<125x64xf32, #tpu.memory_space<vmem>>, vector<1x16xf32>,
      %swap3A_222 = vector.shape_cast %swap3A_221 : vector<1x16xf32> to vector<16xf32>
      %swap3A_223 = vector.shape_cast %mul3A_218 : vector<16xf32> to vector<1x16xf32>
      tpu.vector_store %arg18[%swap3A_219, %swap3A_220], %swap3A_223 {strides = array<i32>} : memref<125x64xf32, #tpu.memory_space<vmem>>, vector<1x16xf32>,
      %get3A_224 = arith.index_cast %scan3A_121 : i32 to index
      %get3A_225 = arith.constant 96 : index
      %get3A_226 = tpu.vector_load %arg14[%get3A_224, %get3A_225] {strides = array<i32>} : memref<125x128xf32, #tpu.memory_space<vmem>>, vector<1x16xf32>,
      %get3A_227 = vector.shape_cast %get3A_226 : vector<1x16xf32> to vector<16xf32>
      %mul3A_228 = arith.mulf %get3A_227, %select_n3A : vector<16xf32>
      %swap3A_229 = arith.index_cast %scan3A_121 : i32 to index
      %swap3A_230 = arith.constant 32 : index
      %swap3A_231 = tpu.vector_load %arg18[%swap3A_229, %swap3A_230] {strides = array<i32>} : memref<125x64xf32, #tpu.memory_space<vmem>>, vector<1x16xf32>,
      %swap3A_232 = vector.shape_cast %swap3A_231 : vector<1x16xf32> to vector<16xf32>
      %swap3A_233 = vector.shape_cast %mul3A_228 : vector<16xf32> to vector<1x16xf32>
      tpu.vector_store %arg18[%swap3A_229, %swap3A_230], %swap3A_233 {strides = array<i32>} : memref<125x64xf32, #tpu.memory_space<vmem>>, vector<1x16xf32>,
      %get3A_234 = arith.index_cast %scan3A_121 : i32 to index
      %get3A_235 = arith.constant 112 : index
      %get3A_236 = tpu.vector_load %arg14[%get3A_234, %get3A_235] {strides = array<i32>} : memref<125x128xf32, #tpu.memory_space<vmem>>, vector<1x16xf32>,
      %get3A_237 = vector.shape_cast %get3A_236 : vector<1x16xf32> to vector<16xf32>
      %mul3A_238 = arith.mulf %get3A_237, %select_n3A : vector<16xf32>
      %swap3A_239 = arith.index_cast %scan3A_121 : i32 to index
      %swap3A_240 = arith.constant 48 : index
      %swap3A_241 = tpu.vector_load %arg18[%swap3A_239, %swap3A_240] {strides = array<i32>} : memref<125x64xf32, #tpu.memory_space<vmem>>, vector<1x16xf32>,
      %swap3A_242 = vector.shape_cast %swap3A_241 : vector<1x16xf32> to vector<16xf32>
      %swap3A_243 = vector.shape_cast %mul3A_238 : vector<16xf32> to vector<1x16xf32>
      tpu.vector_store %arg18[%swap3A_239, %swap3A_240], %swap3A_243 {strides = array<i32>} : memref<125x64xf32, #tpu.memory_space<vmem>>, vector<1x16xf32>,
    }
    %scan3A_17 = arith.constant 125 : i32
    "tpu.region"() ({
      %run_scoped3A_121 = tpu.sem_alloc : memref<!tpu.dma_semaphore, #tpu.memory_space<semaphore_mem>>
      %dma_start3A = arith.constant 0 : i32
      %dma_start3A_122 = tpu.memref_slice %arg8[%add3A_10, %dma_start3A] : memref<10000x64xf32, #tpu.memory_space<hbm>> -> memref<125x64xf32, #tpu.memory_space<hbm>>
      %dma_start3A_123 = arith.constant 0 : i32
      %dma_start3A_124 = tpu.memref_slice %arg8[%add3A_10, %dma_start3A_123] : memref<10000x64xf32, #tpu.memory_space<hbm>> -> memref<125x64xf32, #tpu.memory_space<hbm>>
      tpu.enqueue_dma source(%arg17 : memref<125x64xf32, #tpu.memory_space<vmem>>) target(%dma_start3A_124 : memref<125x64xf32, #tpu.memory_space<hbm>>) target_semaphore(%run_scoped3A_121 : memref<!tpu.dma_semaphore, #tpu.memory_space<semaphore_mem>>)
      %dma_wait3A = arith.constant 0 : i32
      %dma_wait3A_125 = tpu.memref_slice %arg8[%add3A_10, %dma_wait3A] : memref<10000x64xf32, #tpu.memory_space<hbm>> -> memref<125x64xf32, #tpu.memory_space<hbm>>
      %dma_wait3A_126 = arith.constant 0 : i32
      %dma_wait3A_127 = tpu.memref_slice %arg8[%add3A_10, %dma_wait3A_126] : memref<10000x64xf32, #tpu.memory_space<hbm>> -> memref<125x64xf32, #tpu.memory_space<hbm>>
      tpu.wait_dma2 semaphore(%run_scoped3A_121 : memref<!tpu.dma_semaphore, #tpu.memory_space<semaphore_mem>>) src(%arg17 : memref<125x64xf32, #tpu.memory_space<vmem>>) dst(%dma_wait3A_127 : memref<125x64xf32, #tpu.memory_space<hbm>>)
      tpu.yield
    }) : () -> ()
    "tpu.region"() ({
      %run_scoped3A_121 = tpu.sem_alloc : memref<!tpu.dma_semaphore, #tpu.memory_space<semaphore_mem>>
      %dma_start3A = arith.constant 0 : i32
      %dma_start3A_122 = tpu.memref_slice %arg9[%add3A_10, %dma_start3A] : memref<10000x64xf32, #tpu.memory_space<hbm>> -> memref<125x64xf32, #tpu.memory_space<hbm>>
      %dma_start3A_123 = arith.constant 0 : i32
      %dma_start3A_124 = tpu.memref_slice %arg9[%add3A_10, %dma_start3A_123] : memref<10000x64xf32, #tpu.memory_space<hbm>> -> memref<125x64xf32, #tpu.memory_space<hbm>>
      tpu.enqueue_dma source(%arg18 : memref<125x64xf32, #tpu.memory_space<vmem>>) target(%dma_start3A_124 : memref<125x64xf32, #tpu.memory_space<hbm>>) target_semaphore(%run_scoped3A_121 : memref<!tpu.dma_semaphore, #tpu.memory_space<semaphore_mem>>)
      %dma_wait3A = arith.constant 0 : i32
      %dma_wait3A_125 = tpu.memref_slice %arg9[%add3A_10, %dma_wait3A] : memref<10000x64xf32, #tpu.memory_space<hbm>> -> memref<125x64xf32, #tpu.memory_space<hbm>>
      %dma_wait3A_126 = arith.constant 0 : i32
      %dma_wait3A_127 = tpu.memref_slice %arg9[%add3A_10, %dma_wait3A_126] : memref<10000x64xf32, #tpu.memory_space<hbm>> -> memref<125x64xf32, #tpu.memory_space<hbm>>
      tpu.wait_dma2 semaphore(%run_scoped3A_121 : memref<!tpu.dma_semaphore, #tpu.memory_space<semaphore_mem>>) src(%arg18 : memref<125x64xf32, #tpu.memory_space<vmem>>) dst(%dma_wait3A_127 : memref<125x64xf32, #tpu.memory_space<hbm>>)
      tpu.yield
    }) : () -> ()
    %add3A_18 = arith.constant 125 : i32
    %add3A_19 = arith.addi %mul3A_0, %add3A_18 : i32
    "tpu.region"() ({
      %run_scoped3A_121 = tpu.sem_alloc : memref<!tpu.dma_semaphore, #tpu.memory_space<semaphore_mem>>
      %dma_start3A = arith.constant 0 : i32
      %dma_start3A_122 = tpu.memref_slice %arg2[%add3A_19, %dma_start3A] : memref<10000x128xf32, #tpu.memory_space<hbm>> -> memref<125x128xf32, #tpu.memory_space<hbm>>
      %dma_start3A_123 = arith.constant 0 : i32
      %dma_start3A_124 = tpu.memref_slice %arg2[%add3A_19, %dma_start3A_123] : memref<10000x128xf32, #tpu.memory_space<hbm>> -> memref<125x128xf32, #tpu.memory_space<hbm>>
      tpu.enqueue_dma source(%dma_start3A_124 : memref<125x128xf32, #tpu.memory_space<hbm>>) target(%arg14 : memref<125x128xf32, #tpu.memory_space<vmem>>) target_semaphore(%run_scoped3A_121 : memref<!tpu.dma_semaphore, #tpu.memory_space<semaphore_mem>>)
      %dma_wait3A = arith.constant 0 : i32
      %dma_wait3A_125 = tpu.memref_slice %arg2[%add3A_19, %dma_wait3A] : memref<10000x128xf32, #tpu.memory_space<hbm>> -> memref<125x128xf32, #tpu.memory_space<hbm>>
      %dma_wait3A_126 = arith.constant 0 : i32
      %dma_wait3A_127 = tpu.memref_slice %arg2[%add3A_19, %dma_wait3A_126] : memref<10000x128xf32, #tpu.memory_space<hbm>> -> memref<125x128xf32, #tpu.memory_space<hbm>>
      tpu.wait_dma2 semaphore(%run_scoped3A_121 : memref<!tpu.dma_semaphore, #tpu.memory_space<semaphore_mem>>) src(%dma_wait3A_127 : memref<125x128xf32, #tpu.memory_space<hbm>>) dst(%arg14 : memref<125x128xf32, #tpu.memory_space<vmem>>)
      tpu.yield
    }) : () -> ()
    %run_scoped3A_20 = arith.constant 0 : i32
    "tpu.region"() ({
      %run_scoped3A_121 = tpu.sem_alloc : memref<!tpu.dma_semaphore, #tpu.memory_space<semaphore_mem>>
      %dma_start3A = arith.constant 0 : i32
      %dma_start3A_122 = tpu.memref_slice %arg3[%run_scoped3A_20, %add3A_19, %dma_start3A] : memref<2x10240x16xf32, #tpu.memory_space<hbm>> -> memref<1x125x16xf32, #tpu.memory_space<hbm>>
      %dma_start3A_123 = tpu.memref_squeeze %dma_start3A_122 : memref<1x125x16xf32, #tpu.memory_space<hbm>> -> memref<125x16xf32, #tpu.memory_space<hbm>>
      %dma_start3A_124 = arith.constant 0 : i32
      %dma_start3A_125 = tpu.memref_slice %arg3[%run_scoped3A_20, %add3A_19, %dma_start3A_124] : memref<2x10240x16xf32, #tpu.memory_space<hbm>> -> memref<1x125x16xf32, #tpu.memory_space<hbm>>
      %dma_start3A_126 = tpu.memref_squeeze %dma_start3A_125 : memref<1x125x16xf32, #tpu.memory_space<hbm>> -> memref<125x16xf32, #tpu.memory_space<hbm>>
      tpu.enqueue_dma source(%dma_start3A_126 : memref<125x16xf32, #tpu.memory_space<hbm>>) target(%arg15 : memref<125x16xf32, #tpu.memory_space<vmem>>) target_semaphore(%run_scoped3A_121 : memref<!tpu.dma_semaphore, #tpu.memory_space<semaphore_mem>>)
      %dma_wait3A = arith.constant 0 : i32
      %dma_wait3A_127 = tpu.memref_slice %arg3[%run_scoped3A_20, %add3A_19, %dma_wait3A] : memref<2x10240x16xf32, #tpu.memory_space<hbm>> -> memref<1x125x16xf32, #tpu.memory_space<hbm>>
      %dma_wait3A_128 = tpu.memref_squeeze %dma_wait3A_127 : memref<1x125x16xf32, #tpu.memory_space<hbm>> -> memref<125x16xf32, #tpu.memory_space<hbm>>
      %dma_wait3A_129 = arith.constant 0 : i32
      %dma_wait3A_130 = tpu.memref_slice %arg3[%run_scoped3A_20, %add3A_19, %dma_wait3A_129] : memref<2x10240x16xf32, #tpu.memory_space<hbm>> -> memref<1x125x16xf32, #tpu.memory_space<hbm>>
      %dma_wait3A_131 = tpu.memref_squeeze %dma_wait3A_130 : memref<1x125x16xf32, #tpu.memory_space<hbm>> -> memref<125x16xf32, #tpu.memory_space<hbm>>
      tpu.wait_dma2 semaphore(%run_scoped3A_121 : memref<!tpu.dma_semaphore, #tpu.memory_space<semaphore_mem>>) src(%dma_wait3A_131 : memref<125x16xf32, #tpu.memory_space<hbm>>) dst(%arg15 : memref<125x16xf32, #tpu.memory_space<vmem>>)
      tpu.yield
    }) : () -> ()
    %run_scoped3A_21 = arith.constant 1 : i32
    "tpu.region"() ({
      %run_scoped3A_121 = tpu.sem_alloc : memref<!tpu.dma_semaphore, #tpu.memory_space<semaphore_mem>>
      %dma_start3A = arith.constant 0 : i32
      %dma_start3A_122 = tpu.memref_slice %arg3[%run_scoped3A_21, %add3A_19, %dma_start3A] : memref<2x10240x16xf32, #tpu.memory_space<hbm>> -> memref<1x125x16xf32, #tpu.memory_space<hbm>>
      %dma_start3A_123 = tpu.memref_squeeze %dma_start3A_122 : memref<1x125x16xf32, #tpu.memory_space<hbm>> -> memref<125x16xf32, #tpu.memory_space<hbm>>
      %dma_start3A_124 = arith.constant 0 : i32
      %dma_start3A_125 = tpu.memref_slice %arg3[%run_scoped3A_21, %add3A_19, %dma_start3A_124] : memref<2x10240x16xf32, #tpu.memory_space<hbm>> -> memref<1x125x16xf32, #tpu.memory_space<hbm>>
      %dma_start3A_126 = tpu.memref_squeeze %dma_start3A_125 : memref<1x125x16xf32, #tpu.memory_space<hbm>> -> memref<125x16xf32, #tpu.memory_space<hbm>>
      tpu.enqueue_dma source(%dma_start3A_126 : memref<125x16xf32, #tpu.memory_space<hbm>>) target(%arg16 : memref<125x16xf32, #tpu.memory_space<vmem>>) target_semaphore(%run_scoped3A_121 : memref<!tpu.dma_semaphore, #tpu.memory_space<semaphore_mem>>)
      %dma_wait3A = arith.constant 0 : i32
      %dma_wait3A_127 = tpu.memref_slice %arg3[%run_scoped3A_21, %add3A_19, %dma_wait3A] : memref<2x10240x16xf32, #tpu.memory_space<hbm>> -> memref<1x125x16xf32, #tpu.memory_space<hbm>>
      %dma_wait3A_128 = tpu.memref_squeeze %dma_wait3A_127 : memref<1x125x16xf32, #tpu.memory_space<hbm>> -> memref<125x16xf32, #tpu.memory_space<hbm>>
      %dma_wait3A_129 = arith.constant 0 : i32
      %dma_wait3A_130 = tpu.memref_slice %arg3[%run_scoped3A_21, %add3A_19, %dma_wait3A_129] : memref<2x10240x16xf32, #tpu.memory_space<hbm>> -> memref<1x125x16xf32, #tpu.memory_space<hbm>>
      %dma_wait3A_131 = tpu.memref_squeeze %dma_wait3A_130 : memref<1x125x16xf32, #tpu.memory_space<hbm>> -> memref<125x16xf32, #tpu.memory_space<hbm>>
      tpu.wait_dma2 semaphore(%run_scoped3A_121 : memref<!tpu.dma_semaphore, #tpu.memory_space<semaphore_mem>>) src(%dma_wait3A_131 : memref<125x16xf32, #tpu.memory_space<hbm>>) dst(%arg16 : memref<125x16xf32, #tpu.memory_space<vmem>>)
      tpu.yield
    }) : () -> ()
    %scan3A_22 = arith.constant 0 : i32
    %scan3A_23 = arith.constant 0 : i32
    %scan3A_24 = arith.constant 125 : i32
    %scan3A_25 = arith.addi %scan3A_23, %scan3A_24 : i32
    %scan3A_26 = arith.constant 1 : i32
    scf.for %scan3A_121 = %scan3A_23 to %scan3A_25 step %scan3A_26  : i32 {
      %get3A = arith.index_cast %scan3A_121 : i32 to index
      %get3A_122 = arith.constant 0 : index
      %get3A_123 = tpu.vector_load %arg15[%get3A, %get3A_122] {strides = array<i32>} : memref<125x16xf32, #tpu.memory_space<vmem>>, vector<1x16xf32>,
      %get3A_124 = vector.shape_cast %get3A_123 : vector<1x16xf32> to vector<16xf32>
      %get3A_125 = arith.index_cast %scan3A_121 : i32 to index
      %get3A_126 = arith.constant 0 : index
      %get3A_127 = tpu.vector_load %arg16[%get3A_125, %get3A_126] {strides = array<i32>} : memref<125x16xf32, #tpu.memory_space<vmem>>, vector<1x16xf32>,
      %get3A_128 = vector.shape_cast %get3A_127 : vector<1x16xf32> to vector<16xf32>
      %add3A_129 = arith.addf %get3A_124, %get3A_128 : vector<16xf32>
      %bitcast_convert_type3A = tpu.bitcast %add3A_129 : vector<16xf32> -> vector<16xi32>
      %shift_right_arithmetic3A = arith.constant 1 : i32
      %shift_right_arithmetic3A_130 = vector.broadcast %shift_right_arithmetic3A : i32 to vector<16xi32>
      %shift_right_arithmetic3A_131 = arith.shrsi %bitcast_convert_type3A, %shift_right_arithmetic3A_130 : vector<16xi32>
      %sub3A = arith.constant 1597463007 : i32
      %sub3A_132 = vector.broadcast %sub3A : i32 to vector<16xi32>
      %sub3A_133 = arith.subi %sub3A_132, %shift_right_arithmetic3A_131 : vector<16xi32>
      %bitcast_convert_type3A_134 = tpu.bitcast %sub3A_133 : vector<16xi32> -> vector<16xf32>
      %mul3A_135 = arith.constant 5.000000e-01 : f32
      %mul3A_136 = vector.broadcast %mul3A_135 : f32 to vector<16xf32>
      %mul3A_137 = arith.mulf %mul3A_136, %add3A_129 : vector<16xf32>
      %mul3A_138 = arith.mulf %mul3A_137, %bitcast_convert_type3A_134 : vector<16xf32>
      %mul3A_139 = arith.mulf %mul3A_138, %bitcast_convert_type3A_134 : vector<16xf32>
      %sub3A_140 = arith.constant 1.500000e+00 : f32
      %sub3A_141 = vector.broadcast %sub3A_140 : f32 to vector<16xf32>
      %sub3A_142 = arith.subf %sub3A_141, %mul3A_139 : vector<16xf32>
      %mul3A_143 = arith.mulf %bitcast_convert_type3A_134, %sub3A_142 : vector<16xf32>
      %mul3A_144 = arith.constant 5.000000e-01 : f32
      %mul3A_145 = vector.broadcast %mul3A_144 : f32 to vector<16xf32>
      %mul3A_146 = arith.mulf %mul3A_145, %add3A_129 : vector<16xf32>
      %mul3A_147 = arith.mulf %mul3A_146, %mul3A_143 : vector<16xf32>
      %mul3A_148 = arith.mulf %mul3A_147, %mul3A_143 : vector<16xf32>
      %sub3A_149 = arith.constant 1.500000e+00 : f32
      %sub3A_150 = vector.broadcast %sub3A_149 : f32 to vector<16xf32>
      %sub3A_151 = arith.subf %sub3A_150, %mul3A_148 : vector<16xf32>
      %mul3A_152 = arith.mulf %mul3A_143, %sub3A_151 : vector<16xf32>
      %mul3A_153 = arith.constant 5.000000e-01 : f32
      %mul3A_154 = vector.broadcast %mul3A_153 : f32 to vector<16xf32>
      %mul3A_155 = arith.mulf %mul3A_154, %add3A_129 : vector<16xf32>
      %mul3A_156 = arith.mulf %mul3A_155, %mul3A_152 : vector<16xf32>
      %mul3A_157 = arith.mulf %mul3A_156, %mul3A_152 : vector<16xf32>
      %sub3A_158 = arith.constant 1.500000e+00 : f32
      %sub3A_159 = vector.broadcast %sub3A_158 : f32 to vector<16xf32>
      %sub3A_160 = arith.subf %sub3A_159, %mul3A_157 : vector<16xf32>
      %mul3A_161 = arith.mulf %mul3A_152, %sub3A_160 : vector<16xf32>
      %gt3A = arith.constant 0.000000e+00 : f32
      %gt3A_162 = vector.broadcast %gt3A : f32 to vector<16xf32>
      %gt3A_163 = arith.cmpf ogt, %add3A_129, %gt3A_162 : vector<16xf32>
      %jit3A = arith.constant 1.000000e+00 : f32
      %broadcast_in_dim3A_164 = vector.broadcast %jit3A : f32 to vector<16xf32>
      %select_n3A = arith.select %gt3A_163, %mul3A_161, %broadcast_in_dim3A_164 : vector<16xi1>, vector<16xf32>
      %get3A_165 = arith.index_cast %scan3A_121 : i32 to index
      %get3A_166 = arith.constant 0 : index
      %get3A_167 = tpu.vector_load %arg14[%get3A_165, %get3A_166] {strides = array<i32>} : memref<125x128xf32, #tpu.memory_space<vmem>>, vector<1x16xf32>,
      %get3A_168 = vector.shape_cast %get3A_167 : vector<1x16xf32> to vector<16xf32>
      %mul3A_169 = arith.mulf %get3A_168, %select_n3A : vector<16xf32>
      %swap3A = arith.index_cast %scan3A_121 : i32 to index
      %swap3A_170 = arith.constant 0 : index
      %swap3A_171 = tpu.vector_load %arg17[%swap3A, %swap3A_170] {strides = array<i32>} : memref<125x64xf32, #tpu.memory_space<vmem>>, vector<1x16xf32>,
      %swap3A_172 = vector.shape_cast %swap3A_171 : vector<1x16xf32> to vector<16xf32>
      %swap3A_173 = vector.shape_cast %mul3A_169 : vector<16xf32> to vector<1x16xf32>
      tpu.vector_store %arg17[%swap3A, %swap3A_170], %swap3A_173 {strides = array<i32>} : memref<125x64xf32, #tpu.memory_space<vmem>>, vector<1x16xf32>,
      %get3A_174 = arith.index_cast %scan3A_121 : i32 to index
      %get3A_175 = arith.constant 16 : index
      %get3A_176 = tpu.vector_load %arg14[%get3A_174, %get3A_175] {strides = array<i32>} : memref<125x128xf32, #tpu.memory_space<vmem>>, vector<1x16xf32>,
      %get3A_177 = vector.shape_cast %get3A_176 : vector<1x16xf32> to vector<16xf32>
      %mul3A_178 = arith.mulf %get3A_177, %select_n3A : vector<16xf32>
      %swap3A_179 = arith.index_cast %scan3A_121 : i32 to index
      %swap3A_180 = arith.constant 16 : index
      %swap3A_181 = tpu.vector_load %arg17[%swap3A_179, %swap3A_180] {strides = array<i32>} : memref<125x64xf32, #tpu.memory_space<vmem>>, vector<1x16xf32>,
      %swap3A_182 = vector.shape_cast %swap3A_181 : vector<1x16xf32> to vector<16xf32>
      %swap3A_183 = vector.shape_cast %mul3A_178 : vector<16xf32> to vector<1x16xf32>
      tpu.vector_store %arg17[%swap3A_179, %swap3A_180], %swap3A_183 {strides = array<i32>} : memref<125x64xf32, #tpu.memory_space<vmem>>, vector<1x16xf32>,
      %get3A_184 = arith.index_cast %scan3A_121 : i32 to index
      %get3A_185 = arith.constant 32 : index
      %get3A_186 = tpu.vector_load %arg14[%get3A_184, %get3A_185] {strides = array<i32>} : memref<125x128xf32, #tpu.memory_space<vmem>>, vector<1x16xf32>,
      %get3A_187 = vector.shape_cast %get3A_186 : vector<1x16xf32> to vector<16xf32>
      %mul3A_188 = arith.mulf %get3A_187, %select_n3A : vector<16xf32>
      %swap3A_189 = arith.index_cast %scan3A_121 : i32 to index
      %swap3A_190 = arith.constant 32 : index
      %swap3A_191 = tpu.vector_load %arg17[%swap3A_189, %swap3A_190] {strides = array<i32>} : memref<125x64xf32, #tpu.memory_space<vmem>>, vector<1x16xf32>,
      %swap3A_192 = vector.shape_cast %swap3A_191 : vector<1x16xf32> to vector<16xf32>
      %swap3A_193 = vector.shape_cast %mul3A_188 : vector<16xf32> to vector<1x16xf32>
      tpu.vector_store %arg17[%swap3A_189, %swap3A_190], %swap3A_193 {strides = array<i32>} : memref<125x64xf32, #tpu.memory_space<vmem>>, vector<1x16xf32>,
      %get3A_194 = arith.index_cast %scan3A_121 : i32 to index
      %get3A_195 = arith.constant 48 : index
      %get3A_196 = tpu.vector_load %arg14[%get3A_194, %get3A_195] {strides = array<i32>} : memref<125x128xf32, #tpu.memory_space<vmem>>, vector<1x16xf32>,
      %get3A_197 = vector.shape_cast %get3A_196 : vector<1x16xf32> to vector<16xf32>
      %mul3A_198 = arith.mulf %get3A_197, %select_n3A : vector<16xf32>
      %swap3A_199 = arith.index_cast %scan3A_121 : i32 to index
      %swap3A_200 = arith.constant 48 : index
      %swap3A_201 = tpu.vector_load %arg17[%swap3A_199, %swap3A_200] {strides = array<i32>} : memref<125x64xf32, #tpu.memory_space<vmem>>, vector<1x16xf32>,
      %swap3A_202 = vector.shape_cast %swap3A_201 : vector<1x16xf32> to vector<16xf32>
      %swap3A_203 = vector.shape_cast %mul3A_198 : vector<16xf32> to vector<1x16xf32>
      tpu.vector_store %arg17[%swap3A_199, %swap3A_200], %swap3A_203 {strides = array<i32>} : memref<125x64xf32, #tpu.memory_space<vmem>>, vector<1x16xf32>,
      %get3A_204 = arith.index_cast %scan3A_121 : i32 to index
      %get3A_205 = arith.constant 64 : index
      %get3A_206 = tpu.vector_load %arg14[%get3A_204, %get3A_205] {strides = array<i32>} : memref<125x128xf32, #tpu.memory_space<vmem>>, vector<1x16xf32>,
      %get3A_207 = vector.shape_cast %get3A_206 : vector<1x16xf32> to vector<16xf32>
      %mul3A_208 = arith.mulf %get3A_207, %select_n3A : vector<16xf32>
      %swap3A_209 = arith.index_cast %scan3A_121 : i32 to index
      %swap3A_210 = arith.constant 0 : index
      %swap3A_211 = tpu.vector_load %arg18[%swap3A_209, %swap3A_210] {strides = array<i32>} : memref<125x64xf32, #tpu.memory_space<vmem>>, vector<1x16xf32>,
      %swap3A_212 = vector.shape_cast %swap3A_211 : vector<1x16xf32> to vector<16xf32>
      %swap3A_213 = vector.shape_cast %mul3A_208 : vector<16xf32> to vector<1x16xf32>
      tpu.vector_store %arg18[%swap3A_209, %swap3A_210], %swap3A_213 {strides = array<i32>} : memref<125x64xf32, #tpu.memory_space<vmem>>, vector<1x16xf32>,
      %get3A_214 = arith.index_cast %scan3A_121 : i32 to index
      %get3A_215 = arith.constant 80 : index
      %get3A_216 = tpu.vector_load %arg14[%get3A_214, %get3A_215] {strides = array<i32>} : memref<125x128xf32, #tpu.memory_space<vmem>>, vector<1x16xf32>,
      %get3A_217 = vector.shape_cast %get3A_216 : vector<1x16xf32> to vector<16xf32>
      %mul3A_218 = arith.mulf %get3A_217, %select_n3A : vector<16xf32>
      %swap3A_219 = arith.index_cast %scan3A_121 : i32 to index
      %swap3A_220 = arith.constant 16 : index
      %swap3A_221 = tpu.vector_load %arg18[%swap3A_219, %swap3A_220] {strides = array<i32>} : memref<125x64xf32, #tpu.memory_space<vmem>>, vector<1x16xf32>,
      %swap3A_222 = vector.shape_cast %swap3A_221 : vector<1x16xf32> to vector<16xf32>
      %swap3A_223 = vector.shape_cast %mul3A_218 : vector<16xf32> to vector<1x16xf32>
      tpu.vector_store %arg18[%swap3A_219, %swap3A_220], %swap3A_223 {strides = array<i32>} : memref<125x64xf32, #tpu.memory_space<vmem>>, vector<1x16xf32>,
      %get3A_224 = arith.index_cast %scan3A_121 : i32 to index
      %get3A_225 = arith.constant 96 : index
      %get3A_226 = tpu.vector_load %arg14[%get3A_224, %get3A_225] {strides = array<i32>} : memref<125x128xf32, #tpu.memory_space<vmem>>, vector<1x16xf32>,
      %get3A_227 = vector.shape_cast %get3A_226 : vector<1x16xf32> to vector<16xf32>
      %mul3A_228 = arith.mulf %get3A_227, %select_n3A : vector<16xf32>
      %swap3A_229 = arith.index_cast %scan3A_121 : i32 to index
      %swap3A_230 = arith.constant 32 : index
      %swap3A_231 = tpu.vector_load %arg18[%swap3A_229, %swap3A_230] {strides = array<i32>} : memref<125x64xf32, #tpu.memory_space<vmem>>, vector<1x16xf32>,
      %swap3A_232 = vector.shape_cast %swap3A_231 : vector<1x16xf32> to vector<16xf32>
      %swap3A_233 = vector.shape_cast %mul3A_228 : vector<16xf32> to vector<1x16xf32>
      tpu.vector_store %arg18[%swap3A_229, %swap3A_230], %swap3A_233 {strides = array<i32>} : memref<125x64xf32, #tpu.memory_space<vmem>>, vector<1x16xf32>,
      %get3A_234 = arith.index_cast %scan3A_121 : i32 to index
      %get3A_235 = arith.constant 112 : index
      %get3A_236 = tpu.vector_load %arg14[%get3A_234, %get3A_235] {strides = array<i32>} : memref<125x128xf32, #tpu.memory_space<vmem>>, vector<1x16xf32>,
      %get3A_237 = vector.shape_cast %get3A_236 : vector<1x16xf32> to vector<16xf32>
      %mul3A_238 = arith.mulf %get3A_237, %select_n3A : vector<16xf32>
      %swap3A_239 = arith.index_cast %scan3A_121 : i32 to index
      %swap3A_240 = arith.constant 48 : index
      %swap3A_241 = tpu.vector_load %arg18[%swap3A_239, %swap3A_240] {strides = array<i32>} : memref<125x64xf32, #tpu.memory_space<vmem>>, vector<1x16xf32>,
      %swap3A_242 = vector.shape_cast %swap3A_241 : vector<1x16xf32> to vector<16xf32>
      %swap3A_243 = vector.shape_cast %mul3A_238 : vector<16xf32> to vector<1x16xf32>
      tpu.vector_store %arg18[%swap3A_239, %swap3A_240], %swap3A_243 {strides = array<i32>} : memref<125x64xf32, #tpu.memory_space<vmem>>, vector<1x16xf32>,
    }
    %scan3A_27 = arith.constant 125 : i32
    "tpu.region"() ({
      %run_scoped3A_121 = tpu.sem_alloc : memref<!tpu.dma_semaphore, #tpu.memory_space<semaphore_mem>>
      %dma_start3A = arith.constant 0 : i32
      %dma_start3A_122 = tpu.memref_slice %arg8[%add3A_19, %dma_start3A] : memref<10000x64xf32, #tpu.memory_space<hbm>> -> memref<125x64xf32, #tpu.memory_space<hbm>>
      %dma_start3A_123 = arith.constant 0 : i32
      %dma_start3A_124 = tpu.memref_slice %arg8[%add3A_19, %dma_start3A_123] : memref<10000x64xf32, #tpu.memory_space<hbm>> -> memref<125x64xf32, #tpu.memory_space<hbm>>
      tpu.enqueue_dma source(%arg17 : memref<125x64xf32, #tpu.memory_space<vmem>>) target(%dma_start3A_124 : memref<125x64xf32, #tpu.memory_space<hbm>>) target_semaphore(%run_scoped3A_121 : memref<!tpu.dma_semaphore, #tpu.memory_space<semaphore_mem>>)
      %dma_wait3A = arith.constant 0 : i32
      %dma_wait3A_125 = tpu.memref_slice %arg8[%add3A_19, %dma_wait3A] : memref<10000x64xf32, #tpu.memory_space<hbm>> -> memref<125x64xf32, #tpu.memory_space<hbm>>
      %dma_wait3A_126 = arith.constant 0 : i32
      %dma_wait3A_127 = tpu.memref_slice %arg8[%add3A_19, %dma_wait3A_126] : memref<10000x64xf32, #tpu.memory_space<hbm>> -> memref<125x64xf32, #tpu.memory_space<hbm>>
      tpu.wait_dma2 semaphore(%run_scoped3A_121 : memref<!tpu.dma_semaphore, #tpu.memory_space<semaphore_mem>>) src(%arg17 : memref<125x64xf32, #tpu.memory_space<vmem>>) dst(%dma_wait3A_127 : memref<125x64xf32, #tpu.memory_space<hbm>>)
      tpu.yield
    }) : () -> ()
    "tpu.region"() ({
      %run_scoped3A_121 = tpu.sem_alloc : memref<!tpu.dma_semaphore, #tpu.memory_space<semaphore_mem>>
      %dma_start3A = arith.constant 0 : i32
      %dma_start3A_122 = tpu.memref_slice %arg9[%add3A_19, %dma_start3A] : memref<10000x64xf32, #tpu.memory_space<hbm>> -> memref<125x64xf32, #tpu.memory_space<hbm>>
      %dma_start3A_123 = arith.constant 0 : i32
      %dma_start3A_124 = tpu.memref_slice %arg9[%add3A_19, %dma_start3A_123] : memref<10000x64xf32, #tpu.memory_space<hbm>> -> memref<125x64xf32, #tpu.memory_space<hbm>>
      tpu.enqueue_dma source(%arg18 : memref<125x64xf32, #tpu.memory_space<vmem>>) target(%dma_start3A_124 : memref<125x64xf32, #tpu.memory_space<hbm>>) target_semaphore(%run_scoped3A_121 : memref<!tpu.dma_semaphore, #tpu.memory_space<semaphore_mem>>)
      %dma_wait3A = arith.constant 0 : i32
      %dma_wait3A_125 = tpu.memref_slice %arg9[%add3A_19, %dma_wait3A] : memref<10000x64xf32, #tpu.memory_space<hbm>> -> memref<125x64xf32, #tpu.memory_space<hbm>>
      %dma_wait3A_126 = arith.constant 0 : i32
      %dma_wait3A_127 = tpu.memref_slice %arg9[%add3A_19, %dma_wait3A_126] : memref<10000x64xf32, #tpu.memory_space<hbm>> -> memref<125x64xf32, #tpu.memory_space<hbm>>
      tpu.wait_dma2 semaphore(%run_scoped3A_121 : memref<!tpu.dma_semaphore, #tpu.memory_space<semaphore_mem>>) src(%arg18 : memref<125x64xf32, #tpu.memory_space<vmem>>) dst(%dma_wait3A_127 : memref<125x64xf32, #tpu.memory_space<hbm>>)
      tpu.yield
    }) : () -> ()
    %add3A_28 = arith.constant 250 : i32
    %add3A_29 = arith.addi %mul3A_0, %add3A_28 : i32
    "tpu.region"() ({
      %run_scoped3A_121 = tpu.sem_alloc : memref<!tpu.dma_semaphore, #tpu.memory_space<semaphore_mem>>
      %dma_start3A = arith.constant 0 : i32
      %dma_start3A_122 = tpu.memref_slice %arg2[%add3A_29, %dma_start3A] : memref<10000x128xf32, #tpu.memory_space<hbm>> -> memref<125x128xf32, #tpu.memory_space<hbm>>
      %dma_start3A_123 = arith.constant 0 : i32
      %dma_start3A_124 = tpu.memref_slice %arg2[%add3A_29, %dma_start3A_123] : memref<10000x128xf32, #tpu.memory_space<hbm>> -> memref<125x128xf32, #tpu.memory_space<hbm>>
      tpu.enqueue_dma source(%dma_start3A_124 : memref<125x128xf32, #tpu.memory_space<hbm>>) target(%arg14 : memref<125x128xf32, #tpu.memory_space<vmem>>) target_semaphore(%run_scoped3A_121 : memref<!tpu.dma_semaphore, #tpu.memory_space<semaphore_mem>>)
      %dma_wait3A = arith.constant 0 : i32
      %dma_wait3A_125 = tpu.memref_slice %arg2[%add3A_29, %dma_wait3A] : memref<10000x128xf32, #tpu.memory_space<hbm>> -> memref<125x128xf32, #tpu.memory_space<hbm>>
      %dma_wait3A_126 = arith.constant 0 : i32
      %dma_wait3A_127 = tpu.memref_slice %arg2[%add3A_29, %dma_wait3A_126] : memref<10000x128xf32, #tpu.memory_space<hbm>> -> memref<125x128xf32, #tpu.memory_space<hbm>>
      tpu.wait_dma2 semaphore(%run_scoped3A_121 : memref<!tpu.dma_semaphore, #tpu.memory_space<semaphore_mem>>) src(%dma_wait3A_127 : memref<125x128xf32, #tpu.memory_space<hbm>>) dst(%arg14 : memref<125x128xf32, #tpu.memory_space<vmem>>)
      tpu.yield
    }) : () -> ()
    %run_scoped3A_30 = arith.constant 0 : i32
    "tpu.region"() ({
      %run_scoped3A_121 = tpu.sem_alloc : memref<!tpu.dma_semaphore, #tpu.memory_space<semaphore_mem>>
      %dma_start3A = arith.constant 0 : i32
      %dma_start3A_122 = tpu.memref_slice %arg3[%run_scoped3A_30, %add3A_29, %dma_start3A] : memref<2x10240x16xf32, #tpu.memory_space<hbm>> -> memref<1x125x16xf32, #tpu.memory_space<hbm>>
      %dma_start3A_123 = tpu.memref_squeeze %dma_start3A_122 : memref<1x125x16xf32, #tpu.memory_space<hbm>> -> memref<125x16xf32, #tpu.memory_space<hbm>>
      %dma_start3A_124 = arith.constant 0 : i32
      %dma_start3A_125 = tpu.memref_slice %arg3[%run_scoped3A_30, %add3A_29, %dma_start3A_124] : memref<2x10240x16xf32, #tpu.memory_space<hbm>> -> memref<1x125x16xf32, #tpu.memory_space<hbm>>
      %dma_start3A_126 = tpu.memref_squeeze %dma_start3A_125 : memref<1x125x16xf32, #tpu.memory_space<hbm>> -> memref<125x16xf32, #tpu.memory_space<hbm>>
      tpu.enqueue_dma source(%dma_start3A_126 : memref<125x16xf32, #tpu.memory_space<hbm>>) target(%arg15 : memref<125x16xf32, #tpu.memory_space<vmem>>) target_semaphore(%run_scoped3A_121 : memref<!tpu.dma_semaphore, #tpu.memory_space<semaphore_mem>>)
      %dma_wait3A = arith.constant 0 : i32
      %dma_wait3A_127 = tpu.memref_slice %arg3[%run_scoped3A_30, %add3A_29, %dma_wait3A] : memref<2x10240x16xf32, #tpu.memory_space<hbm>> -> memref<1x125x16xf32, #tpu.memory_space<hbm>>
      %dma_wait3A_128 = tpu.memref_squeeze %dma_wait3A_127 : memref<1x125x16xf32, #tpu.memory_space<hbm>> -> memref<125x16xf32, #tpu.memory_space<hbm>>
      %dma_wait3A_129 = arith.constant 0 : i32
      %dma_wait3A_130 = tpu.memref_slice %arg3[%run_scoped3A_30, %add3A_29, %dma_wait3A_129] : memref<2x10240x16xf32, #tpu.memory_space<hbm>> -> memref<1x125x16xf32, #tpu.memory_space<hbm>>
      %dma_wait3A_131 = tpu.memref_squeeze %dma_wait3A_130 : memref<1x125x16xf32, #tpu.memory_space<hbm>> -> memref<125x16xf32, #tpu.memory_space<hbm>>
      tpu.wait_dma2 semaphore(%run_scoped3A_121 : memref<!tpu.dma_semaphore, #tpu.memory_space<semaphore_mem>>) src(%dma_wait3A_131 : memref<125x16xf32, #tpu.memory_space<hbm>>) dst(%arg15 : memref<125x16xf32, #tpu.memory_space<vmem>>)
      tpu.yield
    }) : () -> ()
    %run_scoped3A_31 = arith.constant 1 : i32
    "tpu.region"() ({
      %run_scoped3A_121 = tpu.sem_alloc : memref<!tpu.dma_semaphore, #tpu.memory_space<semaphore_mem>>
      %dma_start3A = arith.constant 0 : i32
      %dma_start3A_122 = tpu.memref_slice %arg3[%run_scoped3A_31, %add3A_29, %dma_start3A] : memref<2x10240x16xf32, #tpu.memory_space<hbm>> -> memref<1x125x16xf32, #tpu.memory_space<hbm>>
      %dma_start3A_123 = tpu.memref_squeeze %dma_start3A_122 : memref<1x125x16xf32, #tpu.memory_space<hbm>> -> memref<125x16xf32, #tpu.memory_space<hbm>>
      %dma_start3A_124 = arith.constant 0 : i32
      %dma_start3A_125 = tpu.memref_slice %arg3[%run_scoped3A_31, %add3A_29, %dma_start3A_124] : memref<2x10240x16xf32, #tpu.memory_space<hbm>> -> memref<1x125x16xf32, #tpu.memory_space<hbm>>
      %dma_start3A_126 = tpu.memref_squeeze %dma_start3A_125 : memref<1x125x16xf32, #tpu.memory_space<hbm>> -> memref<125x16xf32, #tpu.memory_space<hbm>>
      tpu.enqueue_dma source(%dma_start3A_126 : memref<125x16xf32, #tpu.memory_space<hbm>>) target(%arg16 : memref<125x16xf32, #tpu.memory_space<vmem>>) target_semaphore(%run_scoped3A_121 : memref<!tpu.dma_semaphore, #tpu.memory_space<semaphore_mem>>)
      %dma_wait3A = arith.constant 0 : i32
      %dma_wait3A_127 = tpu.memref_slice %arg3[%run_scoped3A_31, %add3A_29, %dma_wait3A] : memref<2x10240x16xf32, #tpu.memory_space<hbm>> -> memref<1x125x16xf32, #tpu.memory_space<hbm>>
      %dma_wait3A_128 = tpu.memref_squeeze %dma_wait3A_127 : memref<1x125x16xf32, #tpu.memory_space<hbm>> -> memref<125x16xf32, #tpu.memory_space<hbm>>
      %dma_wait3A_129 = arith.constant 0 : i32
      %dma_wait3A_130 = tpu.memref_slice %arg3[%run_scoped3A_31, %add3A_29, %dma_wait3A_129] : memref<2x10240x16xf32, #tpu.memory_space<hbm>> -> memref<1x125x16xf32, #tpu.memory_space<hbm>>
      %dma_wait3A_131 = tpu.memref_squeeze %dma_wait3A_130 : memref<1x125x16xf32, #tpu.memory_space<hbm>> -> memref<125x16xf32, #tpu.memory_space<hbm>>
      tpu.wait_dma2 semaphore(%run_scoped3A_121 : memref<!tpu.dma_semaphore, #tpu.memory_space<semaphore_mem>>) src(%dma_wait3A_131 : memref<125x16xf32, #tpu.memory_space<hbm>>) dst(%arg16 : memref<125x16xf32, #tpu.memory_space<vmem>>)
      tpu.yield
    }) : () -> ()
    %scan3A_32 = arith.constant 0 : i32
    %scan3A_33 = arith.constant 0 : i32
    %scan3A_34 = arith.constant 125 : i32
    %scan3A_35 = arith.addi %scan3A_33, %scan3A_34 : i32
    %scan3A_36 = arith.constant 1 : i32
    scf.for %scan3A_121 = %scan3A_33 to %scan3A_35 step %scan3A_36  : i32 {
      %get3A = arith.index_cast %scan3A_121 : i32 to index
      %get3A_122 = arith.constant 0 : index
      %get3A_123 = tpu.vector_load %arg15[%get3A, %get3A_122] {strides = array<i32>} : memref<125x16xf32, #tpu.memory_space<vmem>>, vector<1x16xf32>,
      %get3A_124 = vector.shape_cast %get3A_123 : vector<1x16xf32> to vector<16xf32>
      %get3A_125 = arith.index_cast %scan3A_121 : i32 to index
      %get3A_126 = arith.constant 0 : index
      %get3A_127 = tpu.vector_load %arg16[%get3A_125, %get3A_126] {strides = array<i32>} : memref<125x16xf32, #tpu.memory_space<vmem>>, vector<1x16xf32>,
      %get3A_128 = vector.shape_cast %get3A_127 : vector<1x16xf32> to vector<16xf32>
      %add3A_129 = arith.addf %get3A_124, %get3A_128 : vector<16xf32>
      %bitcast_convert_type3A = tpu.bitcast %add3A_129 : vector<16xf32> -> vector<16xi32>
      %shift_right_arithmetic3A = arith.constant 1 : i32
      %shift_right_arithmetic3A_130 = vector.broadcast %shift_right_arithmetic3A : i32 to vector<16xi32>
      %shift_right_arithmetic3A_131 = arith.shrsi %bitcast_convert_type3A, %shift_right_arithmetic3A_130 : vector<16xi32>
      %sub3A = arith.constant 1597463007 : i32
      %sub3A_132 = vector.broadcast %sub3A : i32 to vector<16xi32>
      %sub3A_133 = arith.subi %sub3A_132, %shift_right_arithmetic3A_131 : vector<16xi32>
      %bitcast_convert_type3A_134 = tpu.bitcast %sub3A_133 : vector<16xi32> -> vector<16xf32>
      %mul3A_135 = arith.constant 5.000000e-01 : f32
      %mul3A_136 = vector.broadcast %mul3A_135 : f32 to vector<16xf32>
      %mul3A_137 = arith.mulf %mul3A_136, %add3A_129 : vector<16xf32>
      %mul3A_138 = arith.mulf %mul3A_137, %bitcast_convert_type3A_134 : vector<16xf32>
      %mul3A_139 = arith.mulf %mul3A_138, %bitcast_convert_type3A_134 : vector<16xf32>
      %sub3A_140 = arith.constant 1.500000e+00 : f32
      %sub3A_141 = vector.broadcast %sub3A_140 : f32 to vector<16xf32>
      %sub3A_142 = arith.subf %sub3A_141, %mul3A_139 : vector<16xf32>
      %mul3A_143 = arith.mulf %bitcast_convert_type3A_134, %sub3A_142 : vector<16xf32>
      %mul3A_144 = arith.constant 5.000000e-01 : f32
      %mul3A_145 = vector.broadcast %mul3A_144 : f32 to vector<16xf32>
      %mul3A_146 = arith.mulf %mul3A_145, %add3A_129 : vector<16xf32>
      %mul3A_147 = arith.mulf %mul3A_146, %mul3A_143 : vector<16xf32>
      %mul3A_148 = arith.mulf %mul3A_147, %mul3A_143 : vector<16xf32>
      %sub3A_149 = arith.constant 1.500000e+00 : f32
      %sub3A_150 = vector.broadcast %sub3A_149 : f32 to vector<16xf32>
      %sub3A_151 = arith.subf %sub3A_150, %mul3A_148 : vector<16xf32>
      %mul3A_152 = arith.mulf %mul3A_143, %sub3A_151 : vector<16xf32>
      %mul3A_153 = arith.constant 5.000000e-01 : f32
      %mul3A_154 = vector.broadcast %mul3A_153 : f32 to vector<16xf32>
      %mul3A_155 = arith.mulf %mul3A_154, %add3A_129 : vector<16xf32>
      %mul3A_156 = arith.mulf %mul3A_155, %mul3A_152 : vector<16xf32>
      %mul3A_157 = arith.mulf %mul3A_156, %mul3A_152 : vector<16xf32>
      %sub3A_158 = arith.constant 1.500000e+00 : f32
      %sub3A_159 = vector.broadcast %sub3A_158 : f32 to vector<16xf32>
      %sub3A_160 = arith.subf %sub3A_159, %mul3A_157 : vector<16xf32>
      %mul3A_161 = arith.mulf %mul3A_152, %sub3A_160 : vector<16xf32>
      %gt3A = arith.constant 0.000000e+00 : f32
      %gt3A_162 = vector.broadcast %gt3A : f32 to vector<16xf32>
      %gt3A_163 = arith.cmpf ogt, %add3A_129, %gt3A_162 : vector<16xf32>
      %jit3A = arith.constant 1.000000e+00 : f32
      %broadcast_in_dim3A_164 = vector.broadcast %jit3A : f32 to vector<16xf32>
      %select_n3A = arith.select %gt3A_163, %mul3A_161, %broadcast_in_dim3A_164 : vector<16xi1>, vector<16xf32>
      %get3A_165 = arith.index_cast %scan3A_121 : i32 to index
      %get3A_166 = arith.constant 0 : index
      %get3A_167 = tpu.vector_load %arg14[%get3A_165, %get3A_166] {strides = array<i32>} : memref<125x128xf32, #tpu.memory_space<vmem>>, vector<1x16xf32>,
      %get3A_168 = vector.shape_cast %get3A_167 : vector<1x16xf32> to vector<16xf32>
      %mul3A_169 = arith.mulf %get3A_168, %select_n3A : vector<16xf32>
      %swap3A = arith.index_cast %scan3A_121 : i32 to index
      %swap3A_170 = arith.constant 0 : index
      %swap3A_171 = tpu.vector_load %arg17[%swap3A, %swap3A_170] {strides = array<i32>} : memref<125x64xf32, #tpu.memory_space<vmem>>, vector<1x16xf32>,
      %swap3A_172 = vector.shape_cast %swap3A_171 : vector<1x16xf32> to vector<16xf32>
      %swap3A_173 = vector.shape_cast %mul3A_169 : vector<16xf32> to vector<1x16xf32>
      tpu.vector_store %arg17[%swap3A, %swap3A_170], %swap3A_173 {strides = array<i32>} : memref<125x64xf32, #tpu.memory_space<vmem>>, vector<1x16xf32>,
      %get3A_174 = arith.index_cast %scan3A_121 : i32 to index
      %get3A_175 = arith.constant 16 : index
      %get3A_176 = tpu.vector_load %arg14[%get3A_174, %get3A_175] {strides = array<i32>} : memref<125x128xf32, #tpu.memory_space<vmem>>, vector<1x16xf32>,
      %get3A_177 = vector.shape_cast %get3A_176 : vector<1x16xf32> to vector<16xf32>
      %mul3A_178 = arith.mulf %get3A_177, %select_n3A : vector<16xf32>
      %swap3A_179 = arith.index_cast %scan3A_121 : i32 to index
      %swap3A_180 = arith.constant 16 : index
      %swap3A_181 = tpu.vector_load %arg17[%swap3A_179, %swap3A_180] {strides = array<i32>} : memref<125x64xf32, #tpu.memory_space<vmem>>, vector<1x16xf32>,
      %swap3A_182 = vector.shape_cast %swap3A_181 : vector<1x16xf32> to vector<16xf32>
      %swap3A_183 = vector.shape_cast %mul3A_178 : vector<16xf32> to vector<1x16xf32>
      tpu.vector_store %arg17[%swap3A_179, %swap3A_180], %swap3A_183 {strides = array<i32>} : memref<125x64xf32, #tpu.memory_space<vmem>>, vector<1x16xf32>,
      %get3A_184 = arith.index_cast %scan3A_121 : i32 to index
      %get3A_185 = arith.constant 32 : index
      %get3A_186 = tpu.vector_load %arg14[%get3A_184, %get3A_185] {strides = array<i32>} : memref<125x128xf32, #tpu.memory_space<vmem>>, vector<1x16xf32>,
      %get3A_187 = vector.shape_cast %get3A_186 : vector<1x16xf32> to vector<16xf32>
      %mul3A_188 = arith.mulf %get3A_187, %select_n3A : vector<16xf32>
      %swap3A_189 = arith.index_cast %scan3A_121 : i32 to index
      %swap3A_190 = arith.constant 32 : index
      %swap3A_191 = tpu.vector_load %arg17[%swap3A_189, %swap3A_190] {strides = array<i32>} : memref<125x64xf32, #tpu.memory_space<vmem>>, vector<1x16xf32>,
      %swap3A_192 = vector.shape_cast %swap3A_191 : vector<1x16xf32> to vector<16xf32>
      %swap3A_193 = vector.shape_cast %mul3A_188 : vector<16xf32> to vector<1x16xf32>
      tpu.vector_store %arg17[%swap3A_189, %swap3A_190], %swap3A_193 {strides = array<i32>} : memref<125x64xf32, #tpu.memory_space<vmem>>, vector<1x16xf32>,
      %get3A_194 = arith.index_cast %scan3A_121 : i32 to index
      %get3A_195 = arith.constant 48 : index
      %get3A_196 = tpu.vector_load %arg14[%get3A_194, %get3A_195] {strides = array<i32>} : memref<125x128xf32, #tpu.memory_space<vmem>>, vector<1x16xf32>,
      %get3A_197 = vector.shape_cast %get3A_196 : vector<1x16xf32> to vector<16xf32>
      %mul3A_198 = arith.mulf %get3A_197, %select_n3A : vector<16xf32>
      %swap3A_199 = arith.index_cast %scan3A_121 : i32 to index
      %swap3A_200 = arith.constant 48 : index
      %swap3A_201 = tpu.vector_load %arg17[%swap3A_199, %swap3A_200] {strides = array<i32>} : memref<125x64xf32, #tpu.memory_space<vmem>>, vector<1x16xf32>,
      %swap3A_202 = vector.shape_cast %swap3A_201 : vector<1x16xf32> to vector<16xf32>
      %swap3A_203 = vector.shape_cast %mul3A_198 : vector<16xf32> to vector<1x16xf32>
      tpu.vector_store %arg17[%swap3A_199, %swap3A_200], %swap3A_203 {strides = array<i32>} : memref<125x64xf32, #tpu.memory_space<vmem>>, vector<1x16xf32>,
      %get3A_204 = arith.index_cast %scan3A_121 : i32 to index
      %get3A_205 = arith.constant 64 : index
      %get3A_206 = tpu.vector_load %arg14[%get3A_204, %get3A_205] {strides = array<i32>} : memref<125x128xf32, #tpu.memory_space<vmem>>, vector<1x16xf32>,
      %get3A_207 = vector.shape_cast %get3A_206 : vector<1x16xf32> to vector<16xf32>
      %mul3A_208 = arith.mulf %get3A_207, %select_n3A : vector<16xf32>
      %swap3A_209 = arith.index_cast %scan3A_121 : i32 to index
      %swap3A_210 = arith.constant 0 : index
      %swap3A_211 = tpu.vector_load %arg18[%swap3A_209, %swap3A_210] {strides = array<i32>} : memref<125x64xf32, #tpu.memory_space<vmem>>, vector<1x16xf32>,
      %swap3A_212 = vector.shape_cast %swap3A_211 : vector<1x16xf32> to vector<16xf32>
      %swap3A_213 = vector.shape_cast %mul3A_208 : vector<16xf32> to vector<1x16xf32>
      tpu.vector_store %arg18[%swap3A_209, %swap3A_210], %swap3A_213 {strides = array<i32>} : memref<125x64xf32, #tpu.memory_space<vmem>>, vector<1x16xf32>,
      %get3A_214 = arith.index_cast %scan3A_121 : i32 to index
      %get3A_215 = arith.constant 80 : index
      %get3A_216 = tpu.vector_load %arg14[%get3A_214, %get3A_215] {strides = array<i32>} : memref<125x128xf32, #tpu.memory_space<vmem>>, vector<1x16xf32>,
      %get3A_217 = vector.shape_cast %get3A_216 : vector<1x16xf32> to vector<16xf32>
      %mul3A_218 = arith.mulf %get3A_217, %select_n3A : vector<16xf32>
      %swap3A_219 = arith.index_cast %scan3A_121 : i32 to index
      %swap3A_220 = arith.constant 16 : index
      %swap3A_221 = tpu.vector_load %arg18[%swap3A_219, %swap3A_220] {strides = array<i32>} : memref<125x64xf32, #tpu.memory_space<vmem>>, vector<1x16xf32>,
      %swap3A_222 = vector.shape_cast %swap3A_221 : vector<1x16xf32> to vector<16xf32>
      %swap3A_223 = vector.shape_cast %mul3A_218 : vector<16xf32> to vector<1x16xf32>
      tpu.vector_store %arg18[%swap3A_219, %swap3A_220], %swap3A_223 {strides = array<i32>} : memref<125x64xf32, #tpu.memory_space<vmem>>, vector<1x16xf32>,
      %get3A_224 = arith.index_cast %scan3A_121 : i32 to index
      %get3A_225 = arith.constant 96 : index
      %get3A_226 = tpu.vector_load %arg14[%get3A_224, %get3A_225] {strides = array<i32>} : memref<125x128xf32, #tpu.memory_space<vmem>>, vector<1x16xf32>,
      %get3A_227 = vector.shape_cast %get3A_226 : vector<1x16xf32> to vector<16xf32>
      %mul3A_228 = arith.mulf %get3A_227, %select_n3A : vector<16xf32>
      %swap3A_229 = arith.index_cast %scan3A_121 : i32 to index
      %swap3A_230 = arith.constant 32 : index
      %swap3A_231 = tpu.vector_load %arg18[%swap3A_229, %swap3A_230] {strides = array<i32>} : memref<125x64xf32, #tpu.memory_space<vmem>>, vector<1x16xf32>,
      %swap3A_232 = vector.shape_cast %swap3A_231 : vector<1x16xf32> to vector<16xf32>
      %swap3A_233 = vector.shape_cast %mul3A_228 : vector<16xf32> to vector<1x16xf32>
      tpu.vector_store %arg18[%swap3A_229, %swap3A_230], %swap3A_233 {strides = array<i32>} : memref<125x64xf32, #tpu.memory_space<vmem>>, vector<1x16xf32>,
      %get3A_234 = arith.index_cast %scan3A_121 : i32 to index
      %get3A_235 = arith.constant 112 : index
      %get3A_236 = tpu.vector_load %arg14[%get3A_234, %get3A_235] {strides = array<i32>} : memref<125x128xf32, #tpu.memory_space<vmem>>, vector<1x16xf32>,
      %get3A_237 = vector.shape_cast %get3A_236 : vector<1x16xf32> to vector<16xf32>
      %mul3A_238 = arith.mulf %get3A_237, %select_n3A : vector<16xf32>
      %swap3A_239 = arith.index_cast %scan3A_121 : i32 to index
      %swap3A_240 = arith.constant 48 : index
      %swap3A_241 = tpu.vector_load %arg18[%swap3A_239, %swap3A_240] {strides = array<i32>} : memref<125x64xf32, #tpu.memory_space<vmem>>, vector<1x16xf32>,
      %swap3A_242 = vector.shape_cast %swap3A_241 : vector<1x16xf32> to vector<16xf32>
      %swap3A_243 = vector.shape_cast %mul3A_238 : vector<16xf32> to vector<1x16xf32>
      tpu.vector_store %arg18[%swap3A_239, %swap3A_240], %swap3A_243 {strides = array<i32>} : memref<125x64xf32, #tpu.memory_space<vmem>>, vector<1x16xf32>,
    }
    %scan3A_37 = arith.constant 125 : i32
    "tpu.region"() ({
      %run_scoped3A_121 = tpu.sem_alloc : memref<!tpu.dma_semaphore, #tpu.memory_space<semaphore_mem>>
      %dma_start3A = arith.constant 0 : i32
      %dma_start3A_122 = tpu.memref_slice %arg8[%add3A_29, %dma_start3A] : memref<10000x64xf32, #tpu.memory_space<hbm>> -> memref<125x64xf32, #tpu.memory_space<hbm>>
      %dma_start3A_123 = arith.constant 0 : i32
      %dma_start3A_124 = tpu.memref_slice %arg8[%add3A_29, %dma_start3A_123] : memref<10000x64xf32, #tpu.memory_space<hbm>> -> memref<125x64xf32, #tpu.memory_space<hbm>>
      tpu.enqueue_dma source(%arg17 : memref<125x64xf32, #tpu.memory_space<vmem>>) target(%dma_start3A_124 : memref<125x64xf32, #tpu.memory_space<hbm>>) target_semaphore(%run_scoped3A_121 : memref<!tpu.dma_semaphore, #tpu.memory_space<semaphore_mem>>)
      %dma_wait3A = arith.constant 0 : i32
      %dma_wait3A_125 = tpu.memref_slice %arg8[%add3A_29, %dma_wait3A] : memref<10000x64xf32, #tpu.memory_space<hbm>> -> memref<125x64xf32, #tpu.memory_space<hbm>>
      %dma_wait3A_126 = arith.constant 0 : i32
      %dma_wait3A_127 = tpu.memref_slice %arg8[%add3A_29, %dma_wait3A_126] : memref<10000x64xf32, #tpu.memory_space<hbm>> -> memref<125x64xf32, #tpu.memory_space<hbm>>
      tpu.wait_dma2 semaphore(%run_scoped3A_121 : memref<!tpu.dma_semaphore, #tpu.memory_space<semaphore_mem>>) src(%arg17 : memref<125x64xf32, #tpu.memory_space<vmem>>) dst(%dma_wait3A_127 : memref<125x64xf32, #tpu.memory_space<hbm>>)
      tpu.yield
    }) : () -> ()
    "tpu.region"() ({
      %run_scoped3A_121 = tpu.sem_alloc : memref<!tpu.dma_semaphore, #tpu.memory_space<semaphore_mem>>
      %dma_start3A = arith.constant 0 : i32
      %dma_start3A_122 = tpu.memref_slice %arg9[%add3A_29, %dma_start3A] : memref<10000x64xf32, #tpu.memory_space<hbm>> -> memref<125x64xf32, #tpu.memory_space<hbm>>
      %dma_start3A_123 = arith.constant 0 : i32
      %dma_start3A_124 = tpu.memref_slice %arg9[%add3A_29, %dma_start3A_123] : memref<10000x64xf32, #tpu.memory_space<hbm>> -> memref<125x64xf32, #tpu.memory_space<hbm>>
      tpu.enqueue_dma source(%arg18 : memref<125x64xf32, #tpu.memory_space<vmem>>) target(%dma_start3A_124 : memref<125x64xf32, #tpu.memory_space<hbm>>) target_semaphore(%run_scoped3A_121 : memref<!tpu.dma_semaphore, #tpu.memory_space<semaphore_mem>>)
      %dma_wait3A = arith.constant 0 : i32
      %dma_wait3A_125 = tpu.memref_slice %arg9[%add3A_29, %dma_wait3A] : memref<10000x64xf32, #tpu.memory_space<hbm>> -> memref<125x64xf32, #tpu.memory_space<hbm>>
      %dma_wait3A_126 = arith.constant 0 : i32
      %dma_wait3A_127 = tpu.memref_slice %arg9[%add3A_29, %dma_wait3A_126] : memref<10000x64xf32, #tpu.memory_space<hbm>> -> memref<125x64xf32, #tpu.memory_space<hbm>>
      tpu.wait_dma2 semaphore(%run_scoped3A_121 : memref<!tpu.dma_semaphore, #tpu.memory_space<semaphore_mem>>) src(%arg18 : memref<125x64xf32, #tpu.memory_space<vmem>>) dst(%dma_wait3A_127 : memref<125x64xf32, #tpu.memory_space<hbm>>)
      tpu.yield
    }) : () -> ()
    %add3A_38 = arith.constant 375 : i32
    %add3A_39 = arith.addi %mul3A_0, %add3A_38 : i32
    "tpu.region"() ({
      %run_scoped3A_121 = tpu.sem_alloc : memref<!tpu.dma_semaphore, #tpu.memory_space<semaphore_mem>>
      %dma_start3A = arith.constant 0 : i32
      %dma_start3A_122 = tpu.memref_slice %arg2[%add3A_39, %dma_start3A] : memref<10000x128xf32, #tpu.memory_space<hbm>> -> memref<125x128xf32, #tpu.memory_space<hbm>>
      %dma_start3A_123 = arith.constant 0 : i32
      %dma_start3A_124 = tpu.memref_slice %arg2[%add3A_39, %dma_start3A_123] : memref<10000x128xf32, #tpu.memory_space<hbm>> -> memref<125x128xf32, #tpu.memory_space<hbm>>
      tpu.enqueue_dma source(%dma_start3A_124 : memref<125x128xf32, #tpu.memory_space<hbm>>) target(%arg14 : memref<125x128xf32, #tpu.memory_space<vmem>>) target_semaphore(%run_scoped3A_121 : memref<!tpu.dma_semaphore, #tpu.memory_space<semaphore_mem>>)
      %dma_wait3A = arith.constant 0 : i32
      %dma_wait3A_125 = tpu.memref_slice %arg2[%add3A_39, %dma_wait3A] : memref<10000x128xf32, #tpu.memory_space<hbm>> -> memref<125x128xf32, #tpu.memory_space<hbm>>
      %dma_wait3A_126 = arith.constant 0 : i32
      %dma_wait3A_127 = tpu.memref_slice %arg2[%add3A_39, %dma_wait3A_126] : memref<10000x128xf32, #tpu.memory_space<hbm>> -> memref<125x128xf32, #tpu.memory_space<hbm>>
      tpu.wait_dma2 semaphore(%run_scoped3A_121 : memref<!tpu.dma_semaphore, #tpu.memory_space<semaphore_mem>>) src(%dma_wait3A_127 : memref<125x128xf32, #tpu.memory_space<hbm>>) dst(%arg14 : memref<125x128xf32, #tpu.memory_space<vmem>>)
      tpu.yield
    }) : () -> ()
    %run_scoped3A_40 = arith.constant 0 : i32
    "tpu.region"() ({
      %run_scoped3A_121 = tpu.sem_alloc : memref<!tpu.dma_semaphore, #tpu.memory_space<semaphore_mem>>
      %dma_start3A = arith.constant 0 : i32
      %dma_start3A_122 = tpu.memref_slice %arg3[%run_scoped3A_40, %add3A_39, %dma_start3A] : memref<2x10240x16xf32, #tpu.memory_space<hbm>> -> memref<1x125x16xf32, #tpu.memory_space<hbm>>
      %dma_start3A_123 = tpu.memref_squeeze %dma_start3A_122 : memref<1x125x16xf32, #tpu.memory_space<hbm>> -> memref<125x16xf32, #tpu.memory_space<hbm>>
      %dma_start3A_124 = arith.constant 0 : i32
      %dma_start3A_125 = tpu.memref_slice %arg3[%run_scoped3A_40, %add3A_39, %dma_start3A_124] : memref<2x10240x16xf32, #tpu.memory_space<hbm>> -> memref<1x125x16xf32, #tpu.memory_space<hbm>>
      %dma_start3A_126 = tpu.memref_squeeze %dma_start3A_125 : memref<1x125x16xf32, #tpu.memory_space<hbm>> -> memref<125x16xf32, #tpu.memory_space<hbm>>
      tpu.enqueue_dma source(%dma_start3A_126 : memref<125x16xf32, #tpu.memory_space<hbm>>) target(%arg15 : memref<125x16xf32, #tpu.memory_space<vmem>>) target_semaphore(%run_scoped3A_121 : memref<!tpu.dma_semaphore, #tpu.memory_space<semaphore_mem>>)
      %dma_wait3A = arith.constant 0 : i32
      %dma_wait3A_127 = tpu.memref_slice %arg3[%run_scoped3A_40, %add3A_39, %dma_wait3A] : memref<2x10240x16xf32, #tpu.memory_space<hbm>> -> memref<1x125x16xf32, #tpu.memory_space<hbm>>
      %dma_wait3A_128 = tpu.memref_squeeze %dma_wait3A_127 : memref<1x125x16xf32, #tpu.memory_space<hbm>> -> memref<125x16xf32, #tpu.memory_space<hbm>>
      %dma_wait3A_129 = arith.constant 0 : i32
      %dma_wait3A_130 = tpu.memref_slice %arg3[%run_scoped3A_40, %add3A_39, %dma_wait3A_129] : memref<2x10240x16xf32, #tpu.memory_space<hbm>> -> memref<1x125x16xf32, #tpu.memory_space<hbm>>
      %dma_wait3A_131 = tpu.memref_squeeze %dma_wait3A_130 : memref<1x125x16xf32, #tpu.memory_space<hbm>> -> memref<125x16xf32, #tpu.memory_space<hbm>>
      tpu.wait_dma2 semaphore(%run_scoped3A_121 : memref<!tpu.dma_semaphore, #tpu.memory_space<semaphore_mem>>) src(%dma_wait3A_131 : memref<125x16xf32, #tpu.memory_space<hbm>>) dst(%arg15 : memref<125x16xf32, #tpu.memory_space<vmem>>)
      tpu.yield
    }) : () -> ()
    %run_scoped3A_41 = arith.constant 1 : i32
    "tpu.region"() ({
      %run_scoped3A_121 = tpu.sem_alloc : memref<!tpu.dma_semaphore, #tpu.memory_space<semaphore_mem>>
      %dma_start3A = arith.constant 0 : i32
      %dma_start3A_122 = tpu.memref_slice %arg3[%run_scoped3A_41, %add3A_39, %dma_start3A] : memref<2x10240x16xf32, #tpu.memory_space<hbm>> -> memref<1x125x16xf32, #tpu.memory_space<hbm>>
      %dma_start3A_123 = tpu.memref_squeeze %dma_start3A_122 : memref<1x125x16xf32, #tpu.memory_space<hbm>> -> memref<125x16xf32, #tpu.memory_space<hbm>>
      %dma_start3A_124 = arith.constant 0 : i32
      %dma_start3A_125 = tpu.memref_slice %arg3[%run_scoped3A_41, %add3A_39, %dma_start3A_124] : memref<2x10240x16xf32, #tpu.memory_space<hbm>> -> memref<1x125x16xf32, #tpu.memory_space<hbm>>
      %dma_start3A_126 = tpu.memref_squeeze %dma_start3A_125 : memref<1x125x16xf32, #tpu.memory_space<hbm>> -> memref<125x16xf32, #tpu.memory_space<hbm>>
      tpu.enqueue_dma source(%dma_start3A_126 : memref<125x16xf32, #tpu.memory_space<hbm>>) target(%arg16 : memref<125x16xf32, #tpu.memory_space<vmem>>) target_semaphore(%run_scoped3A_121 : memref<!tpu.dma_semaphore, #tpu.memory_space<semaphore_mem>>)
      %dma_wait3A = arith.constant 0 : i32
      %dma_wait3A_127 = tpu.memref_slice %arg3[%run_scoped3A_41, %add3A_39, %dma_wait3A] : memref<2x10240x16xf32, #tpu.memory_space<hbm>> -> memref<1x125x16xf32, #tpu.memory_space<hbm>>
      %dma_wait3A_128 = tpu.memref_squeeze %dma_wait3A_127 : memref<1x125x16xf32, #tpu.memory_space<hbm>> -> memref<125x16xf32, #tpu.memory_space<hbm>>
      %dma_wait3A_129 = arith.constant 0 : i32
      %dma_wait3A_130 = tpu.memref_slice %arg3[%run_scoped3A_41, %add3A_39, %dma_wait3A_129] : memref<2x10240x16xf32, #tpu.memory_space<hbm>> -> memref<1x125x16xf32, #tpu.memory_space<hbm>>
      %dma_wait3A_131 = tpu.memref_squeeze %dma_wait3A_130 : memref<1x125x16xf32, #tpu.memory_space<hbm>> -> memref<125x16xf32, #tpu.memory_space<hbm>>
      tpu.wait_dma2 semaphore(%run_scoped3A_121 : memref<!tpu.dma_semaphore, #tpu.memory_space<semaphore_mem>>) src(%dma_wait3A_131 : memref<125x16xf32, #tpu.memory_space<hbm>>) dst(%arg16 : memref<125x16xf32, #tpu.memory_space<vmem>>)
      tpu.yield
    }) : () -> ()
    %scan3A_42 = arith.constant 0 : i32
    %scan3A_43 = arith.constant 0 : i32
    %scan3A_44 = arith.constant 125 : i32
    %scan3A_45 = arith.addi %scan3A_43, %scan3A_44 : i32
    %scan3A_46 = arith.constant 1 : i32
    scf.for %scan3A_121 = %scan3A_43 to %scan3A_45 step %scan3A_46  : i32 {
      %get3A = arith.index_cast %scan3A_121 : i32 to index
      %get3A_122 = arith.constant 0 : index
      %get3A_123 = tpu.vector_load %arg15[%get3A, %get3A_122] {strides = array<i32>} : memref<125x16xf32, #tpu.memory_space<vmem>>, vector<1x16xf32>,
      %get3A_124 = vector.shape_cast %get3A_123 : vector<1x16xf32> to vector<16xf32>
      %get3A_125 = arith.index_cast %scan3A_121 : i32 to index
      %get3A_126 = arith.constant 0 : index
      %get3A_127 = tpu.vector_load %arg16[%get3A_125, %get3A_126] {strides = array<i32>} : memref<125x16xf32, #tpu.memory_space<vmem>>, vector<1x16xf32>,
      %get3A_128 = vector.shape_cast %get3A_127 : vector<1x16xf32> to vector<16xf32>
      %add3A_129 = arith.addf %get3A_124, %get3A_128 : vector<16xf32>
      %bitcast_convert_type3A = tpu.bitcast %add3A_129 : vector<16xf32> -> vector<16xi32>
      %shift_right_arithmetic3A = arith.constant 1 : i32
      %shift_right_arithmetic3A_130 = vector.broadcast %shift_right_arithmetic3A : i32 to vector<16xi32>
      %shift_right_arithmetic3A_131 = arith.shrsi %bitcast_convert_type3A, %shift_right_arithmetic3A_130 : vector<16xi32>
      %sub3A = arith.constant 1597463007 : i32
      %sub3A_132 = vector.broadcast %sub3A : i32 to vector<16xi32>
      %sub3A_133 = arith.subi %sub3A_132, %shift_right_arithmetic3A_131 : vector<16xi32>
      %bitcast_convert_type3A_134 = tpu.bitcast %sub3A_133 : vector<16xi32> -> vector<16xf32>
      %mul3A_135 = arith.constant 5.000000e-01 : f32
      %mul3A_136 = vector.broadcast %mul3A_135 : f32 to vector<16xf32>
      %mul3A_137 = arith.mulf %mul3A_136, %add3A_129 : vector<16xf32>
      %mul3A_138 = arith.mulf %mul3A_137, %bitcast_convert_type3A_134 : vector<16xf32>
      %mul3A_139 = arith.mulf %mul3A_138, %bitcast_convert_type3A_134 : vector<16xf32>
      %sub3A_140 = arith.constant 1.500000e+00 : f32
      %sub3A_141 = vector.broadcast %sub3A_140 : f32 to vector<16xf32>
      %sub3A_142 = arith.subf %sub3A_141, %mul3A_139 : vector<16xf32>
      %mul3A_143 = arith.mulf %bitcast_convert_type3A_134, %sub3A_142 : vector<16xf32>
      %mul3A_144 = arith.constant 5.000000e-01 : f32
      %mul3A_145 = vector.broadcast %mul3A_144 : f32 to vector<16xf32>
      %mul3A_146 = arith.mulf %mul3A_145, %add3A_129 : vector<16xf32>
      %mul3A_147 = arith.mulf %mul3A_146, %mul3A_143 : vector<16xf32>
      %mul3A_148 = arith.mulf %mul3A_147, %mul3A_143 : vector<16xf32>
      %sub3A_149 = arith.constant 1.500000e+00 : f32
      %sub3A_150 = vector.broadcast %sub3A_149 : f32 to vector<16xf32>
      %sub3A_151 = arith.subf %sub3A_150, %mul3A_148 : vector<16xf32>
      %mul3A_152 = arith.mulf %mul3A_143, %sub3A_151 : vector<16xf32>
      %mul3A_153 = arith.constant 5.000000e-01 : f32
      %mul3A_154 = vector.broadcast %mul3A_153 : f32 to vector<16xf32>
      %mul3A_155 = arith.mulf %mul3A_154, %add3A_129 : vector<16xf32>
      %mul3A_156 = arith.mulf %mul3A_155, %mul3A_152 : vector<16xf32>
      %mul3A_157 = arith.mulf %mul3A_156, %mul3A_152 : vector<16xf32>
      %sub3A_158 = arith.constant 1.500000e+00 : f32
      %sub3A_159 = vector.broadcast %sub3A_158 : f32 to vector<16xf32>
      %sub3A_160 = arith.subf %sub3A_159, %mul3A_157 : vector<16xf32>
      %mul3A_161 = arith.mulf %mul3A_152, %sub3A_160 : vector<16xf32>
      %gt3A = arith.constant 0.000000e+00 : f32
      %gt3A_162 = vector.broadcast %gt3A : f32 to vector<16xf32>
      %gt3A_163 = arith.cmpf ogt, %add3A_129, %gt3A_162 : vector<16xf32>
      %jit3A = arith.constant 1.000000e+00 : f32
      %broadcast_in_dim3A_164 = vector.broadcast %jit3A : f32 to vector<16xf32>
      %select_n3A = arith.select %gt3A_163, %mul3A_161, %broadcast_in_dim3A_164 : vector<16xi1>, vector<16xf32>
      %get3A_165 = arith.index_cast %scan3A_121 : i32 to index
      %get3A_166 = arith.constant 0 : index
      %get3A_167 = tpu.vector_load %arg14[%get3A_165, %get3A_166] {strides = array<i32>} : memref<125x128xf32, #tpu.memory_space<vmem>>, vector<1x16xf32>,
      %get3A_168 = vector.shape_cast %get3A_167 : vector<1x16xf32> to vector<16xf32>
      %mul3A_169 = arith.mulf %get3A_168, %select_n3A : vector<16xf32>
      %swap3A = arith.index_cast %scan3A_121 : i32 to index
      %swap3A_170 = arith.constant 0 : index
      %swap3A_171 = tpu.vector_load %arg17[%swap3A, %swap3A_170] {strides = array<i32>} : memref<125x64xf32, #tpu.memory_space<vmem>>, vector<1x16xf32>,
      %swap3A_172 = vector.shape_cast %swap3A_171 : vector<1x16xf32> to vector<16xf32>
      %swap3A_173 = vector.shape_cast %mul3A_169 : vector<16xf32> to vector<1x16xf32>
      tpu.vector_store %arg17[%swap3A, %swap3A_170], %swap3A_173 {strides = array<i32>} : memref<125x64xf32, #tpu.memory_space<vmem>>, vector<1x16xf32>,
      %get3A_174 = arith.index_cast %scan3A_121 : i32 to index
      %get3A_175 = arith.constant 16 : index
      %get3A_176 = tpu.vector_load %arg14[%get3A_174, %get3A_175] {strides = array<i32>} : memref<125x128xf32, #tpu.memory_space<vmem>>, vector<1x16xf32>,
      %get3A_177 = vector.shape_cast %get3A_176 : vector<1x16xf32> to vector<16xf32>
      %mul3A_178 = arith.mulf %get3A_177, %select_n3A : vector<16xf32>
      %swap3A_179 = arith.index_cast %scan3A_121 : i32 to index
      %swap3A_180 = arith.constant 16 : index
      %swap3A_181 = tpu.vector_load %arg17[%swap3A_179, %swap3A_180] {strides = array<i32>} : memref<125x64xf32, #tpu.memory_space<vmem>>, vector<1x16xf32>,
      %swap3A_182 = vector.shape_cast %swap3A_181 : vector<1x16xf32> to vector<16xf32>
      %swap3A_183 = vector.shape_cast %mul3A_178 : vector<16xf32> to vector<1x16xf32>
      tpu.vector_store %arg17[%swap3A_179, %swap3A_180], %swap3A_183 {strides = array<i32>} : memref<125x64xf32, #tpu.memory_space<vmem>>, vector<1x16xf32>,
      %get3A_184 = arith.index_cast %scan3A_121 : i32 to index
      %get3A_185 = arith.constant 32 : index
      %get3A_186 = tpu.vector_load %arg14[%get3A_184, %get3A_185] {strides = array<i32>} : memref<125x128xf32, #tpu.memory_space<vmem>>, vector<1x16xf32>,
      %get3A_187 = vector.shape_cast %get3A_186 : vector<1x16xf32> to vector<16xf32>
      %mul3A_188 = arith.mulf %get3A_187, %select_n3A : vector<16xf32>
      %swap3A_189 = arith.index_cast %scan3A_121 : i32 to index
      %swap3A_190 = arith.constant 32 : index
      %swap3A_191 = tpu.vector_load %arg17[%swap3A_189, %swap3A_190] {strides = array<i32>} : memref<125x64xf32, #tpu.memory_space<vmem>>, vector<1x16xf32>,
      %swap3A_192 = vector.shape_cast %swap3A_191 : vector<1x16xf32> to vector<16xf32>
      %swap3A_193 = vector.shape_cast %mul3A_188 : vector<16xf32> to vector<1x16xf32>
      tpu.vector_store %arg17[%swap3A_189, %swap3A_190], %swap3A_193 {strides = array<i32>} : memref<125x64xf32, #tpu.memory_space<vmem>>, vector<1x16xf32>,
      %get3A_194 = arith.index_cast %scan3A_121 : i32 to index
      %get3A_195 = arith.constant 48 : index
      %get3A_196 = tpu.vector_load %arg14[%get3A_194, %get3A_195] {strides = array<i32>} : memref<125x128xf32, #tpu.memory_space<vmem>>, vector<1x16xf32>,
      %get3A_197 = vector.shape_cast %get3A_196 : vector<1x16xf32> to vector<16xf32>
      %mul3A_198 = arith.mulf %get3A_197, %select_n3A : vector<16xf32>
      %swap3A_199 = arith.index_cast %scan3A_121 : i32 to index
      %swap3A_200 = arith.constant 48 : index
      %swap3A_201 = tpu.vector_load %arg17[%swap3A_199, %swap3A_200] {strides = array<i32>} : memref<125x64xf32, #tpu.memory_space<vmem>>, vector<1x16xf32>,
      %swap3A_202 = vector.shape_cast %swap3A_201 : vector<1x16xf32> to vector<16xf32>
      %swap3A_203 = vector.shape_cast %mul3A_198 : vector<16xf32> to vector<1x16xf32>
      tpu.vector_store %arg17[%swap3A_199, %swap3A_200], %swap3A_203 {strides = array<i32>} : memref<125x64xf32, #tpu.memory_space<vmem>>, vector<1x16xf32>,
      %get3A_204 = arith.index_cast %scan3A_121 : i32 to index
      %get3A_205 = arith.constant 64 : index
      %get3A_206 = tpu.vector_load %arg14[%get3A_204, %get3A_205] {strides = array<i32>} : memref<125x128xf32, #tpu.memory_space<vmem>>, vector<1x16xf32>,
      %get3A_207 = vector.shape_cast %get3A_206 : vector<1x16xf32> to vector<16xf32>
      %mul3A_208 = arith.mulf %get3A_207, %select_n3A : vector<16xf32>
      %swap3A_209 = arith.index_cast %scan3A_121 : i32 to index
      %swap3A_210 = arith.constant 0 : index
      %swap3A_211 = tpu.vector_load %arg18[%swap3A_209, %swap3A_210] {strides = array<i32>} : memref<125x64xf32, #tpu.memory_space<vmem>>, vector<1x16xf32>,
      %swap3A_212 = vector.shape_cast %swap3A_211 : vector<1x16xf32> to vector<16xf32>
      %swap3A_213 = vector.shape_cast %mul3A_208 : vector<16xf32> to vector<1x16xf32>
      tpu.vector_store %arg18[%swap3A_209, %swap3A_210], %swap3A_213 {strides = array<i32>} : memref<125x64xf32, #tpu.memory_space<vmem>>, vector<1x16xf32>,
      %get3A_214 = arith.index_cast %scan3A_121 : i32 to index
      %get3A_215 = arith.constant 80 : index
      %get3A_216 = tpu.vector_load %arg14[%get3A_214, %get3A_215] {strides = array<i32>} : memref<125x128xf32, #tpu.memory_space<vmem>>, vector<1x16xf32>,
      %get3A_217 = vector.shape_cast %get3A_216 : vector<1x16xf32> to vector<16xf32>
      %mul3A_218 = arith.mulf %get3A_217, %select_n3A : vector<16xf32>
      %swap3A_219 = arith.index_cast %scan3A_121 : i32 to index
      %swap3A_220 = arith.constant 16 : index
      %swap3A_221 = tpu.vector_load %arg18[%swap3A_219, %swap3A_220] {strides = array<i32>} : memref<125x64xf32, #tpu.memory_space<vmem>>, vector<1x16xf32>,
      %swap3A_222 = vector.shape_cast %swap3A_221 : vector<1x16xf32> to vector<16xf32>
      %swap3A_223 = vector.shape_cast %mul3A_218 : vector<16xf32> to vector<1x16xf32>
      tpu.vector_store %arg18[%swap3A_219, %swap3A_220], %swap3A_223 {strides = array<i32>} : memref<125x64xf32, #tpu.memory_space<vmem>>, vector<1x16xf32>,
      %get3A_224 = arith.index_cast %scan3A_121 : i32 to index
      %get3A_225 = arith.constant 96 : index
      %get3A_226 = tpu.vector_load %arg14[%get3A_224, %get3A_225] {strides = array<i32>} : memref<125x128xf32, #tpu.memory_space<vmem>>, vector<1x16xf32>,
      %get3A_227 = vector.shape_cast %get3A_226 : vector<1x16xf32> to vector<16xf32>
      %mul3A_228 = arith.mulf %get3A_227, %select_n3A : vector<16xf32>
      %swap3A_229 = arith.index_cast %scan3A_121 : i32 to index
      %swap3A_230 = arith.constant 32 : index
      %swap3A_231 = tpu.vector_load %arg18[%swap3A_229, %swap3A_230] {strides = array<i32>} : memref<125x64xf32, #tpu.memory_space<vmem>>, vector<1x16xf32>,
      %swap3A_232 = vector.shape_cast %swap3A_231 : vector<1x16xf32> to vector<16xf32>
      %swap3A_233 = vector.shape_cast %mul3A_228 : vector<16xf32> to vector<1x16xf32>
      tpu.vector_store %arg18[%swap3A_229, %swap3A_230], %swap3A_233 {strides = array<i32>} : memref<125x64xf32, #tpu.memory_space<vmem>>, vector<1x16xf32>,
      %get3A_234 = arith.index_cast %scan3A_121 : i32 to index
      %get3A_235 = arith.constant 112 : index
      %get3A_236 = tpu.vector_load %arg14[%get3A_234, %get3A_235] {strides = array<i32>} : memref<125x128xf32, #tpu.memory_space<vmem>>, vector<1x16xf32>,
      %get3A_237 = vector.shape_cast %get3A_236 : vector<1x16xf32> to vector<16xf32>
      %mul3A_238 = arith.mulf %get3A_237, %select_n3A : vector<16xf32>
      %swap3A_239 = arith.index_cast %scan3A_121 : i32 to index
      %swap3A_240 = arith.constant 48 : index
      %swap3A_241 = tpu.vector_load %arg18[%swap3A_239, %swap3A_240] {strides = array<i32>} : memref<125x64xf32, #tpu.memory_space<vmem>>, vector<1x16xf32>,
      %swap3A_242 = vector.shape_cast %swap3A_241 : vector<1x16xf32> to vector<16xf32>
      %swap3A_243 = vector.shape_cast %mul3A_238 : vector<16xf32> to vector<1x16xf32>
      tpu.vector_store %arg18[%swap3A_239, %swap3A_240], %swap3A_243 {strides = array<i32>} : memref<125x64xf32, #tpu.memory_space<vmem>>, vector<1x16xf32>,
    }
    %scan3A_47 = arith.constant 125 : i32
    "tpu.region"() ({
      %run_scoped3A_121 = tpu.sem_alloc : memref<!tpu.dma_semaphore, #tpu.memory_space<semaphore_mem>>
      %dma_start3A = arith.constant 0 : i32
      %dma_start3A_122 = tpu.memref_slice %arg8[%add3A_39, %dma_start3A] : memref<10000x64xf32, #tpu.memory_space<hbm>> -> memref<125x64xf32, #tpu.memory_space<hbm>>
      %dma_start3A_123 = arith.constant 0 : i32
      %dma_start3A_124 = tpu.memref_slice %arg8[%add3A_39, %dma_start3A_123] : memref<10000x64xf32, #tpu.memory_space<hbm>> -> memref<125x64xf32, #tpu.memory_space<hbm>>
      tpu.enqueue_dma source(%arg17 : memref<125x64xf32, #tpu.memory_space<vmem>>) target(%dma_start3A_124 : memref<125x64xf32, #tpu.memory_space<hbm>>) target_semaphore(%run_scoped3A_121 : memref<!tpu.dma_semaphore, #tpu.memory_space<semaphore_mem>>)
      %dma_wait3A = arith.constant 0 : i32
      %dma_wait3A_125 = tpu.memref_slice %arg8[%add3A_39, %dma_wait3A] : memref<10000x64xf32, #tpu.memory_space<hbm>> -> memref<125x64xf32, #tpu.memory_space<hbm>>
      %dma_wait3A_126 = arith.constant 0 : i32
      %dma_wait3A_127 = tpu.memref_slice %arg8[%add3A_39, %dma_wait3A_126] : memref<10000x64xf32, #tpu.memory_space<hbm>> -> memref<125x64xf32, #tpu.memory_space<hbm>>
      tpu.wait_dma2 semaphore(%run_scoped3A_121 : memref<!tpu.dma_semaphore, #tpu.memory_space<semaphore_mem>>) src(%arg17 : memref<125x64xf32, #tpu.memory_space<vmem>>) dst(%dma_wait3A_127 : memref<125x64xf32, #tpu.memory_space<hbm>>)
      tpu.yield
    }) : () -> ()
    "tpu.region"() ({
      %run_scoped3A_121 = tpu.sem_alloc : memref<!tpu.dma_semaphore, #tpu.memory_space<semaphore_mem>>
      %dma_start3A = arith.constant 0 : i32
      %dma_start3A_122 = tpu.memref_slice %arg9[%add3A_39, %dma_start3A] : memref<10000x64xf32, #tpu.memory_space<hbm>> -> memref<125x64xf32, #tpu.memory_space<hbm>>
      %dma_start3A_123 = arith.constant 0 : i32
      %dma_start3A_124 = tpu.memref_slice %arg9[%add3A_39, %dma_start3A_123] : memref<10000x64xf32, #tpu.memory_space<hbm>> -> memref<125x64xf32, #tpu.memory_space<hbm>>
      tpu.enqueue_dma source(%arg18 : memref<125x64xf32, #tpu.memory_space<vmem>>) target(%dma_start3A_124 : memref<125x64xf32, #tpu.memory_space<hbm>>) target_semaphore(%run_scoped3A_121 : memref<!tpu.dma_semaphore, #tpu.memory_space<semaphore_mem>>)
      %dma_wait3A = arith.constant 0 : i32
      %dma_wait3A_125 = tpu.memref_slice %arg9[%add3A_39, %dma_wait3A] : memref<10000x64xf32, #tpu.memory_space<hbm>> -> memref<125x64xf32, #tpu.memory_space<hbm>>
      %dma_wait3A_126 = arith.constant 0 : i32
      %dma_wait3A_127 = tpu.memref_slice %arg9[%add3A_39, %dma_wait3A_126] : memref<10000x64xf32, #tpu.memory_space<hbm>> -> memref<125x64xf32, #tpu.memory_space<hbm>>
      tpu.wait_dma2 semaphore(%run_scoped3A_121 : memref<!tpu.dma_semaphore, #tpu.memory_space<semaphore_mem>>) src(%arg18 : memref<125x64xf32, #tpu.memory_space<vmem>>) dst(%dma_wait3A_127 : memref<125x64xf32, #tpu.memory_space<hbm>>)
      tpu.yield
    }) : () -> ()
    %add3A_48 = arith.constant 500 : i32
    %add3A_49 = arith.addi %mul3A_0, %add3A_48 : i32
    "tpu.region"() ({
      %run_scoped3A_121 = tpu.sem_alloc : memref<!tpu.dma_semaphore, #tpu.memory_space<semaphore_mem>>
      %dma_start3A = arith.constant 0 : i32
      %dma_start3A_122 = tpu.memref_slice %arg2[%add3A_49, %dma_start3A] : memref<10000x128xf32, #tpu.memory_space<hbm>> -> memref<125x128xf32, #tpu.memory_space<hbm>>
      %dma_start3A_123 = arith.constant 0 : i32
      %dma_start3A_124 = tpu.memref_slice %arg2[%add3A_49, %dma_start3A_123] : memref<10000x128xf32, #tpu.memory_space<hbm>> -> memref<125x128xf32, #tpu.memory_space<hbm>>
      tpu.enqueue_dma source(%dma_start3A_124 : memref<125x128xf32, #tpu.memory_space<hbm>>) target(%arg14 : memref<125x128xf32, #tpu.memory_space<vmem>>) target_semaphore(%run_scoped3A_121 : memref<!tpu.dma_semaphore, #tpu.memory_space<semaphore_mem>>)
      %dma_wait3A = arith.constant 0 : i32
      %dma_wait3A_125 = tpu.memref_slice %arg2[%add3A_49, %dma_wait3A] : memref<10000x128xf32, #tpu.memory_space<hbm>> -> memref<125x128xf32, #tpu.memory_space<hbm>>
      %dma_wait3A_126 = arith.constant 0 : i32
      %dma_wait3A_127 = tpu.memref_slice %arg2[%add3A_49, %dma_wait3A_126] : memref<10000x128xf32, #tpu.memory_space<hbm>> -> memref<125x128xf32, #tpu.memory_space<hbm>>
      tpu.wait_dma2 semaphore(%run_scoped3A_121 : memref<!tpu.dma_semaphore, #tpu.memory_space<semaphore_mem>>) src(%dma_wait3A_127 : memref<125x128xf32, #tpu.memory_space<hbm>>) dst(%arg14 : memref<125x128xf32, #tpu.memory_space<vmem>>)
      tpu.yield
    }) : () -> ()
    %run_scoped3A_50 = arith.constant 0 : i32
    "tpu.region"() ({
      %run_scoped3A_121 = tpu.sem_alloc : memref<!tpu.dma_semaphore, #tpu.memory_space<semaphore_mem>>
      %dma_start3A = arith.constant 0 : i32
      %dma_start3A_122 = tpu.memref_slice %arg3[%run_scoped3A_50, %add3A_49, %dma_start3A] : memref<2x10240x16xf32, #tpu.memory_space<hbm>> -> memref<1x125x16xf32, #tpu.memory_space<hbm>>
      %dma_start3A_123 = tpu.memref_squeeze %dma_start3A_122 : memref<1x125x16xf32, #tpu.memory_space<hbm>> -> memref<125x16xf32, #tpu.memory_space<hbm>>
      %dma_start3A_124 = arith.constant 0 : i32
      %dma_start3A_125 = tpu.memref_slice %arg3[%run_scoped3A_50, %add3A_49, %dma_start3A_124] : memref<2x10240x16xf32, #tpu.memory_space<hbm>> -> memref<1x125x16xf32, #tpu.memory_space<hbm>>
      %dma_start3A_126 = tpu.memref_squeeze %dma_start3A_125 : memref<1x125x16xf32, #tpu.memory_space<hbm>> -> memref<125x16xf32, #tpu.memory_space<hbm>>
      tpu.enqueue_dma source(%dma_start3A_126 : memref<125x16xf32, #tpu.memory_space<hbm>>) target(%arg15 : memref<125x16xf32, #tpu.memory_space<vmem>>) target_semaphore(%run_scoped3A_121 : memref<!tpu.dma_semaphore, #tpu.memory_space<semaphore_mem>>)
      %dma_wait3A = arith.constant 0 : i32
      %dma_wait3A_127 = tpu.memref_slice %arg3[%run_scoped3A_50, %add3A_49, %dma_wait3A] : memref<2x10240x16xf32, #tpu.memory_space<hbm>> -> memref<1x125x16xf32, #tpu.memory_space<hbm>>
      %dma_wait3A_128 = tpu.memref_squeeze %dma_wait3A_127 : memref<1x125x16xf32, #tpu.memory_space<hbm>> -> memref<125x16xf32, #tpu.memory_space<hbm>>
      %dma_wait3A_129 = arith.constant 0 : i32
      %dma_wait3A_130 = tpu.memref_slice %arg3[%run_scoped3A_50, %add3A_49, %dma_wait3A_129] : memref<2x10240x16xf32, #tpu.memory_space<hbm>> -> memref<1x125x16xf32, #tpu.memory_space<hbm>>
      %dma_wait3A_131 = tpu.memref_squeeze %dma_wait3A_130 : memref<1x125x16xf32, #tpu.memory_space<hbm>> -> memref<125x16xf32, #tpu.memory_space<hbm>>
      tpu.wait_dma2 semaphore(%run_scoped3A_121 : memref<!tpu.dma_semaphore, #tpu.memory_space<semaphore_mem>>) src(%dma_wait3A_131 : memref<125x16xf32, #tpu.memory_space<hbm>>) dst(%arg15 : memref<125x16xf32, #tpu.memory_space<vmem>>)
      tpu.yield
    }) : () -> ()
    %run_scoped3A_51 = arith.constant 1 : i32
    "tpu.region"() ({
      %run_scoped3A_121 = tpu.sem_alloc : memref<!tpu.dma_semaphore, #tpu.memory_space<semaphore_mem>>
      %dma_start3A = arith.constant 0 : i32
      %dma_start3A_122 = tpu.memref_slice %arg3[%run_scoped3A_51, %add3A_49, %dma_start3A] : memref<2x10240x16xf32, #tpu.memory_space<hbm>> -> memref<1x125x16xf32, #tpu.memory_space<hbm>>
      %dma_start3A_123 = tpu.memref_squeeze %dma_start3A_122 : memref<1x125x16xf32, #tpu.memory_space<hbm>> -> memref<125x16xf32, #tpu.memory_space<hbm>>
      %dma_start3A_124 = arith.constant 0 : i32
      %dma_start3A_125 = tpu.memref_slice %arg3[%run_scoped3A_51, %add3A_49, %dma_start3A_124] : memref<2x10240x16xf32, #tpu.memory_space<hbm>> -> memref<1x125x16xf32, #tpu.memory_space<hbm>>
      %dma_start3A_126 = tpu.memref_squeeze %dma_start3A_125 : memref<1x125x16xf32, #tpu.memory_space<hbm>> -> memref<125x16xf32, #tpu.memory_space<hbm>>
      tpu.enqueue_dma source(%dma_start3A_126 : memref<125x16xf32, #tpu.memory_space<hbm>>) target(%arg16 : memref<125x16xf32, #tpu.memory_space<vmem>>) target_semaphore(%run_scoped3A_121 : memref<!tpu.dma_semaphore, #tpu.memory_space<semaphore_mem>>)
      %dma_wait3A = arith.constant 0 : i32
      %dma_wait3A_127 = tpu.memref_slice %arg3[%run_scoped3A_51, %add3A_49, %dma_wait3A] : memref<2x10240x16xf32, #tpu.memory_space<hbm>> -> memref<1x125x16xf32, #tpu.memory_space<hbm>>
      %dma_wait3A_128 = tpu.memref_squeeze %dma_wait3A_127 : memref<1x125x16xf32, #tpu.memory_space<hbm>> -> memref<125x16xf32, #tpu.memory_space<hbm>>
      %dma_wait3A_129 = arith.constant 0 : i32
      %dma_wait3A_130 = tpu.memref_slice %arg3[%run_scoped3A_51, %add3A_49, %dma_wait3A_129] : memref<2x10240x16xf32, #tpu.memory_space<hbm>> -> memref<1x125x16xf32, #tpu.memory_space<hbm>>
      %dma_wait3A_131 = tpu.memref_squeeze %dma_wait3A_130 : memref<1x125x16xf32, #tpu.memory_space<hbm>> -> memref<125x16xf32, #tpu.memory_space<hbm>>
      tpu.wait_dma2 semaphore(%run_scoped3A_121 : memref<!tpu.dma_semaphore, #tpu.memory_space<semaphore_mem>>) src(%dma_wait3A_131 : memref<125x16xf32, #tpu.memory_space<hbm>>) dst(%arg16 : memref<125x16xf32, #tpu.memory_space<vmem>>)
      tpu.yield
    }) : () -> ()
    %scan3A_52 = arith.constant 0 : i32
    %scan3A_53 = arith.constant 0 : i32
    %scan3A_54 = arith.constant 125 : i32
    %scan3A_55 = arith.addi %scan3A_53, %scan3A_54 : i32
    %scan3A_56 = arith.constant 1 : i32
    scf.for %scan3A_121 = %scan3A_53 to %scan3A_55 step %scan3A_56  : i32 {
      %get3A = arith.index_cast %scan3A_121 : i32 to index
      %get3A_122 = arith.constant 0 : index
      %get3A_123 = tpu.vector_load %arg15[%get3A, %get3A_122] {strides = array<i32>} : memref<125x16xf32, #tpu.memory_space<vmem>>, vector<1x16xf32>,
      %get3A_124 = vector.shape_cast %get3A_123 : vector<1x16xf32> to vector<16xf32>
      %get3A_125 = arith.index_cast %scan3A_121 : i32 to index
      %get3A_126 = arith.constant 0 : index
      %get3A_127 = tpu.vector_load %arg16[%get3A_125, %get3A_126] {strides = array<i32>} : memref<125x16xf32, #tpu.memory_space<vmem>>, vector<1x16xf32>,
      %get3A_128 = vector.shape_cast %get3A_127 : vector<1x16xf32> to vector<16xf32>
      %add3A_129 = arith.addf %get3A_124, %get3A_128 : vector<16xf32>
      %bitcast_convert_type3A = tpu.bitcast %add3A_129 : vector<16xf32> -> vector<16xi32>
      %shift_right_arithmetic3A = arith.constant 1 : i32
      %shift_right_arithmetic3A_130 = vector.broadcast %shift_right_arithmetic3A : i32 to vector<16xi32>
      %shift_right_arithmetic3A_131 = arith.shrsi %bitcast_convert_type3A, %shift_right_arithmetic3A_130 : vector<16xi32>
      %sub3A = arith.constant 1597463007 : i32
      %sub3A_132 = vector.broadcast %sub3A : i32 to vector<16xi32>
      %sub3A_133 = arith.subi %sub3A_132, %shift_right_arithmetic3A_131 : vector<16xi32>
      %bitcast_convert_type3A_134 = tpu.bitcast %sub3A_133 : vector<16xi32> -> vector<16xf32>
      %mul3A_135 = arith.constant 5.000000e-01 : f32
      %mul3A_136 = vector.broadcast %mul3A_135 : f32 to vector<16xf32>
      %mul3A_137 = arith.mulf %mul3A_136, %add3A_129 : vector<16xf32>
      %mul3A_138 = arith.mulf %mul3A_137, %bitcast_convert_type3A_134 : vector<16xf32>
      %mul3A_139 = arith.mulf %mul3A_138, %bitcast_convert_type3A_134 : vector<16xf32>
      %sub3A_140 = arith.constant 1.500000e+00 : f32
      %sub3A_141 = vector.broadcast %sub3A_140 : f32 to vector<16xf32>
      %sub3A_142 = arith.subf %sub3A_141, %mul3A_139 : vector<16xf32>
      %mul3A_143 = arith.mulf %bitcast_convert_type3A_134, %sub3A_142 : vector<16xf32>
      %mul3A_144 = arith.constant 5.000000e-01 : f32
      %mul3A_145 = vector.broadcast %mul3A_144 : f32 to vector<16xf32>
      %mul3A_146 = arith.mulf %mul3A_145, %add3A_129 : vector<16xf32>
      %mul3A_147 = arith.mulf %mul3A_146, %mul3A_143 : vector<16xf32>
      %mul3A_148 = arith.mulf %mul3A_147, %mul3A_143 : vector<16xf32>
      %sub3A_149 = arith.constant 1.500000e+00 : f32
      %sub3A_150 = vector.broadcast %sub3A_149 : f32 to vector<16xf32>
      %sub3A_151 = arith.subf %sub3A_150, %mul3A_148 : vector<16xf32>
      %mul3A_152 = arith.mulf %mul3A_143, %sub3A_151 : vector<16xf32>
      %mul3A_153 = arith.constant 5.000000e-01 : f32
      %mul3A_154 = vector.broadcast %mul3A_153 : f32 to vector<16xf32>
      %mul3A_155 = arith.mulf %mul3A_154, %add3A_129 : vector<16xf32>
      %mul3A_156 = arith.mulf %mul3A_155, %mul3A_152 : vector<16xf32>
      %mul3A_157 = arith.mulf %mul3A_156, %mul3A_152 : vector<16xf32>
      %sub3A_158 = arith.constant 1.500000e+00 : f32
      %sub3A_159 = vector.broadcast %sub3A_158 : f32 to vector<16xf32>
      %sub3A_160 = arith.subf %sub3A_159, %mul3A_157 : vector<16xf32>
      %mul3A_161 = arith.mulf %mul3A_152, %sub3A_160 : vector<16xf32>
      %gt3A = arith.constant 0.000000e+00 : f32
      %gt3A_162 = vector.broadcast %gt3A : f32 to vector<16xf32>
      %gt3A_163 = arith.cmpf ogt, %add3A_129, %gt3A_162 : vector<16xf32>
      %jit3A = arith.constant 1.000000e+00 : f32
      %broadcast_in_dim3A_164 = vector.broadcast %jit3A : f32 to vector<16xf32>
      %select_n3A = arith.select %gt3A_163, %mul3A_161, %broadcast_in_dim3A_164 : vector<16xi1>, vector<16xf32>
      %get3A_165 = arith.index_cast %scan3A_121 : i32 to index
      %get3A_166 = arith.constant 0 : index
      %get3A_167 = tpu.vector_load %arg14[%get3A_165, %get3A_166] {strides = array<i32>} : memref<125x128xf32, #tpu.memory_space<vmem>>, vector<1x16xf32>,
      %get3A_168 = vector.shape_cast %get3A_167 : vector<1x16xf32> to vector<16xf32>
      %mul3A_169 = arith.mulf %get3A_168, %select_n3A : vector<16xf32>
      %swap3A = arith.index_cast %scan3A_121 : i32 to index
      %swap3A_170 = arith.constant 0 : index
      %swap3A_171 = tpu.vector_load %arg17[%swap3A, %swap3A_170] {strides = array<i32>} : memref<125x64xf32, #tpu.memory_space<vmem>>, vector<1x16xf32>,
      %swap3A_172 = vector.shape_cast %swap3A_171 : vector<1x16xf32> to vector<16xf32>
      %swap3A_173 = vector.shape_cast %mul3A_169 : vector<16xf32> to vector<1x16xf32>
      tpu.vector_store %arg17[%swap3A, %swap3A_170], %swap3A_173 {strides = array<i32>} : memref<125x64xf32, #tpu.memory_space<vmem>>, vector<1x16xf32>,
      %get3A_174 = arith.index_cast %scan3A_121 : i32 to index
      %get3A_175 = arith.constant 16 : index
      %get3A_176 = tpu.vector_load %arg14[%get3A_174, %get3A_175] {strides = array<i32>} : memref<125x128xf32, #tpu.memory_space<vmem>>, vector<1x16xf32>,
      %get3A_177 = vector.shape_cast %get3A_176 : vector<1x16xf32> to vector<16xf32>
      %mul3A_178 = arith.mulf %get3A_177, %select_n3A : vector<16xf32>
      %swap3A_179 = arith.index_cast %scan3A_121 : i32 to index
      %swap3A_180 = arith.constant 16 : index
      %swap3A_181 = tpu.vector_load %arg17[%swap3A_179, %swap3A_180] {strides = array<i32>} : memref<125x64xf32, #tpu.memory_space<vmem>>, vector<1x16xf32>,
      %swap3A_182 = vector.shape_cast %swap3A_181 : vector<1x16xf32> to vector<16xf32>
      %swap3A_183 = vector.shape_cast %mul3A_178 : vector<16xf32> to vector<1x16xf32>
      tpu.vector_store %arg17[%swap3A_179, %swap3A_180], %swap3A_183 {strides = array<i32>} : memref<125x64xf32, #tpu.memory_space<vmem>>, vector<1x16xf32>,
      %get3A_184 = arith.index_cast %scan3A_121 : i32 to index
      %get3A_185 = arith.constant 32 : index
      %get3A_186 = tpu.vector_load %arg14[%get3A_184, %get3A_185] {strides = array<i32>} : memref<125x128xf32, #tpu.memory_space<vmem>>, vector<1x16xf32>,
      %get3A_187 = vector.shape_cast %get3A_186 : vector<1x16xf32> to vector<16xf32>
      %mul3A_188 = arith.mulf %get3A_187, %select_n3A : vector<16xf32>
      %swap3A_189 = arith.index_cast %scan3A_121 : i32 to index
      %swap3A_190 = arith.constant 32 : index
      %swap3A_191 = tpu.vector_load %arg17[%swap3A_189, %swap3A_190] {strides = array<i32>} : memref<125x64xf32, #tpu.memory_space<vmem>>, vector<1x16xf32>,
      %swap3A_192 = vector.shape_cast %swap3A_191 : vector<1x16xf32> to vector<16xf32>
      %swap3A_193 = vector.shape_cast %mul3A_188 : vector<16xf32> to vector<1x16xf32>
      tpu.vector_store %arg17[%swap3A_189, %swap3A_190], %swap3A_193 {strides = array<i32>} : memref<125x64xf32, #tpu.memory_space<vmem>>, vector<1x16xf32>,
      %get3A_194 = arith.index_cast %scan3A_121 : i32 to index
      %get3A_195 = arith.constant 48 : index
      %get3A_196 = tpu.vector_load %arg14[%get3A_194, %get3A_195] {strides = array<i32>} : memref<125x128xf32, #tpu.memory_space<vmem>>, vector<1x16xf32>,
      %get3A_197 = vector.shape_cast %get3A_196 : vector<1x16xf32> to vector<16xf32>
      %mul3A_198 = arith.mulf %get3A_197, %select_n3A : vector<16xf32>
      %swap3A_199 = arith.index_cast %scan3A_121 : i32 to index
      %swap3A_200 = arith.constant 48 : index
      %swap3A_201 = tpu.vector_load %arg17[%swap3A_199, %swap3A_200] {strides = array<i32>} : memref<125x64xf32, #tpu.memory_space<vmem>>, vector<1x16xf32>,
      %swap3A_202 = vector.shape_cast %swap3A_201 : vector<1x16xf32> to vector<16xf32>
      %swap3A_203 = vector.shape_cast %mul3A_198 : vector<16xf32> to vector<1x16xf32>
      tpu.vector_store %arg17[%swap3A_199, %swap3A_200], %swap3A_203 {strides = array<i32>} : memref<125x64xf32, #tpu.memory_space<vmem>>, vector<1x16xf32>,
      %get3A_204 = arith.index_cast %scan3A_121 : i32 to index
      %get3A_205 = arith.constant 64 : index
      %get3A_206 = tpu.vector_load %arg14[%get3A_204, %get3A_205] {strides = array<i32>} : memref<125x128xf32, #tpu.memory_space<vmem>>, vector<1x16xf32>,
      %get3A_207 = vector.shape_cast %get3A_206 : vector<1x16xf32> to vector<16xf32>
      %mul3A_208 = arith.mulf %get3A_207, %select_n3A : vector<16xf32>
      %swap3A_209 = arith.index_cast %scan3A_121 : i32 to index
      %swap3A_210 = arith.constant 0 : index
      %swap3A_211 = tpu.vector_load %arg18[%swap3A_209, %swap3A_210] {strides = array<i32>} : memref<125x64xf32, #tpu.memory_space<vmem>>, vector<1x16xf32>,
      %swap3A_212 = vector.shape_cast %swap3A_211 : vector<1x16xf32> to vector<16xf32>
      %swap3A_213 = vector.shape_cast %mul3A_208 : vector<16xf32> to vector<1x16xf32>
      tpu.vector_store %arg18[%swap3A_209, %swap3A_210], %swap3A_213 {strides = array<i32>} : memref<125x64xf32, #tpu.memory_space<vmem>>, vector<1x16xf32>,
      %get3A_214 = arith.index_cast %scan3A_121 : i32 to index
      %get3A_215 = arith.constant 80 : index
      %get3A_216 = tpu.vector_load %arg14[%get3A_214, %get3A_215] {strides = array<i32>} : memref<125x128xf32, #tpu.memory_space<vmem>>, vector<1x16xf32>,
      %get3A_217 = vector.shape_cast %get3A_216 : vector<1x16xf32> to vector<16xf32>
      %mul3A_218 = arith.mulf %get3A_217, %select_n3A : vector<16xf32>
      %swap3A_219 = arith.index_cast %scan3A_121 : i32 to index
      %swap3A_220 = arith.constant 16 : index
      %swap3A_221 = tpu.vector_load %arg18[%swap3A_219, %swap3A_220] {strides = array<i32>} : memref<125x64xf32, #tpu.memory_space<vmem>>, vector<1x16xf32>,
      %swap3A_222 = vector.shape_cast %swap3A_221 : vector<1x16xf32> to vector<16xf32>
      %swap3A_223 = vector.shape_cast %mul3A_218 : vector<16xf32> to vector<1x16xf32>
      tpu.vector_store %arg18[%swap3A_219, %swap3A_220], %swap3A_223 {strides = array<i32>} : memref<125x64xf32, #tpu.memory_space<vmem>>, vector<1x16xf32>,
      %get3A_224 = arith.index_cast %scan3A_121 : i32 to index
      %get3A_225 = arith.constant 96 : index
      %get3A_226 = tpu.vector_load %arg14[%get3A_224, %get3A_225] {strides = array<i32>} : memref<125x128xf32, #tpu.memory_space<vmem>>, vector<1x16xf32>,
      %get3A_227 = vector.shape_cast %get3A_226 : vector<1x16xf32> to vector<16xf32>
      %mul3A_228 = arith.mulf %get3A_227, %select_n3A : vector<16xf32>
      %swap3A_229 = arith.index_cast %scan3A_121 : i32 to index
      %swap3A_230 = arith.constant 32 : index
      %swap3A_231 = tpu.vector_load %arg18[%swap3A_229, %swap3A_230] {strides = array<i32>} : memref<125x64xf32, #tpu.memory_space<vmem>>, vector<1x16xf32>,
      %swap3A_232 = vector.shape_cast %swap3A_231 : vector<1x16xf32> to vector<16xf32>
      %swap3A_233 = vector.shape_cast %mul3A_228 : vector<16xf32> to vector<1x16xf32>
      tpu.vector_store %arg18[%swap3A_229, %swap3A_230], %swap3A_233 {strides = array<i32>} : memref<125x64xf32, #tpu.memory_space<vmem>>, vector<1x16xf32>,
      %get3A_234 = arith.index_cast %scan3A_121 : i32 to index
      %get3A_235 = arith.constant 112 : index
      %get3A_236 = tpu.vector_load %arg14[%get3A_234, %get3A_235] {strides = array<i32>} : memref<125x128xf32, #tpu.memory_space<vmem>>, vector<1x16xf32>,
      %get3A_237 = vector.shape_cast %get3A_236 : vector<1x16xf32> to vector<16xf32>
      %mul3A_238 = arith.mulf %get3A_237, %select_n3A : vector<16xf32>
      %swap3A_239 = arith.index_cast %scan3A_121 : i32 to index
      %swap3A_240 = arith.constant 48 : index
      %swap3A_241 = tpu.vector_load %arg18[%swap3A_239, %swap3A_240] {strides = array<i32>} : memref<125x64xf32, #tpu.memory_space<vmem>>, vector<1x16xf32>,
      %swap3A_242 = vector.shape_cast %swap3A_241 : vector<1x16xf32> to vector<16xf32>
      %swap3A_243 = vector.shape_cast %mul3A_238 : vector<16xf32> to vector<1x16xf32>
      tpu.vector_store %arg18[%swap3A_239, %swap3A_240], %swap3A_243 {strides = array<i32>} : memref<125x64xf32, #tpu.memory_space<vmem>>, vector<1x16xf32>,
    }
    %scan3A_57 = arith.constant 125 : i32
    "tpu.region"() ({
      %run_scoped3A_121 = tpu.sem_alloc : memref<!tpu.dma_semaphore, #tpu.memory_space<semaphore_mem>>
      %dma_start3A = arith.constant 0 : i32
      %dma_start3A_122 = tpu.memref_slice %arg8[%add3A_49, %dma_start3A] : memref<10000x64xf32, #tpu.memory_space<hbm>> -> memref<125x64xf32, #tpu.memory_space<hbm>>
      %dma_start3A_123 = arith.constant 0 : i32
      %dma_start3A_124 = tpu.memref_slice %arg8[%add3A_49, %dma_start3A_123] : memref<10000x64xf32, #tpu.memory_space<hbm>> -> memref<125x64xf32, #tpu.memory_space<hbm>>
      tpu.enqueue_dma source(%arg17 : memref<125x64xf32, #tpu.memory_space<vmem>>) target(%dma_start3A_124 : memref<125x64xf32, #tpu.memory_space<hbm>>) target_semaphore(%run_scoped3A_121 : memref<!tpu.dma_semaphore, #tpu.memory_space<semaphore_mem>>)
      %dma_wait3A = arith.constant 0 : i32
      %dma_wait3A_125 = tpu.memref_slice %arg8[%add3A_49, %dma_wait3A] : memref<10000x64xf32, #tpu.memory_space<hbm>> -> memref<125x64xf32, #tpu.memory_space<hbm>>
      %dma_wait3A_126 = arith.constant 0 : i32
      %dma_wait3A_127 = tpu.memref_slice %arg8[%add3A_49, %dma_wait3A_126] : memref<10000x64xf32, #tpu.memory_space<hbm>> -> memref<125x64xf32, #tpu.memory_space<hbm>>
      tpu.wait_dma2 semaphore(%run_scoped3A_121 : memref<!tpu.dma_semaphore, #tpu.memory_space<semaphore_mem>>) src(%arg17 : memref<125x64xf32, #tpu.memory_space<vmem>>) dst(%dma_wait3A_127 : memref<125x64xf32, #tpu.memory_space<hbm>>)
      tpu.yield
    }) : () -> ()
    "tpu.region"() ({
      %run_scoped3A_121 = tpu.sem_alloc : memref<!tpu.dma_semaphore, #tpu.memory_space<semaphore_mem>>
      %dma_start3A = arith.constant 0 : i32
      %dma_start3A_122 = tpu.memref_slice %arg9[%add3A_49, %dma_start3A] : memref<10000x64xf32, #tpu.memory_space<hbm>> -> memref<125x64xf32, #tpu.memory_space<hbm>>
      %dma_start3A_123 = arith.constant 0 : i32
      %dma_start3A_124 = tpu.memref_slice %arg9[%add3A_49, %dma_start3A_123] : memref<10000x64xf32, #tpu.memory_space<hbm>> -> memref<125x64xf32, #tpu.memory_space<hbm>>
      tpu.enqueue_dma source(%arg18 : memref<125x64xf32, #tpu.memory_space<vmem>>) target(%dma_start3A_124 : memref<125x64xf32, #tpu.memory_space<hbm>>) target_semaphore(%run_scoped3A_121 : memref<!tpu.dma_semaphore, #tpu.memory_space<semaphore_mem>>)
      %dma_wait3A = arith.constant 0 : i32
      %dma_wait3A_125 = tpu.memref_slice %arg9[%add3A_49, %dma_wait3A] : memref<10000x64xf32, #tpu.memory_space<hbm>> -> memref<125x64xf32, #tpu.memory_space<hbm>>
      %dma_wait3A_126 = arith.constant 0 : i32
      %dma_wait3A_127 = tpu.memref_slice %arg9[%add3A_49, %dma_wait3A_126] : memref<10000x64xf32, #tpu.memory_space<hbm>> -> memref<125x64xf32, #tpu.memory_space<hbm>>
      tpu.wait_dma2 semaphore(%run_scoped3A_121 : memref<!tpu.dma_semaphore, #tpu.memory_space<semaphore_mem>>) src(%arg18 : memref<125x64xf32, #tpu.memory_space<vmem>>) dst(%dma_wait3A_127 : memref<125x64xf32, #tpu.memory_space<hbm>>)
      tpu.yield
    }) : () -> ()
    %mul3A_58 = arith.constant 640 : i32
    %mul3A_59 = arith.muli %arg1, %mul3A_58 : i32
    %add3A_60 = arith.constant 0 : i32
    %add3A_61 = arith.addi %mul3A_59, %add3A_60 : i32
    "tpu.region"() ({
      %run_scoped3A_121 = tpu.sem_alloc : memref<!tpu.dma_semaphore, #tpu.memory_space<semaphore_mem>>
      %dma_start3A = arith.constant 0 : i32
      %dma_start3A_122 = tpu.memref_slice %arg19[%add3A_61, %dma_start3A] : memref<10240x64xf32, #tpu.memory_space<vmem_shared>> -> memref<128x64xf32, #tpu.memory_space<vmem_shared>>
      %dma_start3A_123 = arith.constant 0 : i32
      %dma_start3A_124 = tpu.memref_slice %arg19[%add3A_61, %dma_start3A_123] : memref<10240x64xf32, #tpu.memory_space<vmem_shared>> -> memref<128x64xf32, #tpu.memory_space<vmem_shared>>
      tpu.enqueue_dma source(%arg13 : memref<128x64xf32, #tpu.memory_space<vmem>>) target(%dma_start3A_124 : memref<128x64xf32, #tpu.memory_space<vmem_shared>>) target_semaphore(%run_scoped3A_121 : memref<!tpu.dma_semaphore, #tpu.memory_space<semaphore_mem>>)
      %dma_wait3A = arith.constant 0 : i32
      %dma_wait3A_125 = tpu.memref_slice %arg19[%add3A_61, %dma_wait3A] : memref<10240x64xf32, #tpu.memory_space<vmem_shared>> -> memref<128x64xf32, #tpu.memory_space<vmem_shared>>
      %dma_wait3A_126 = arith.constant 0 : i32
      %dma_wait3A_127 = tpu.memref_slice %arg19[%add3A_61, %dma_wait3A_126] : memref<10240x64xf32, #tpu.memory_space<vmem_shared>> -> memref<128x64xf32, #tpu.memory_space<vmem_shared>>
      tpu.wait_dma2 semaphore(%run_scoped3A_121 : memref<!tpu.dma_semaphore, #tpu.memory_space<semaphore_mem>>) src(%arg13 : memref<128x64xf32, #tpu.memory_space<vmem>>) dst(%dma_wait3A_127 : memref<128x64xf32, #tpu.memory_space<vmem_shared>>)
      tpu.yield
    }) : () -> ()
    %mul3A_62 = arith.constant 640 : i32
    %mul3A_63 = arith.muli %arg1, %mul3A_62 : i32
    %add3A_64 = arith.constant 128 : i32
    %add3A_65 = arith.addi %mul3A_63, %add3A_64 : i32
    "tpu.region"() ({
      %run_scoped3A_121 = tpu.sem_alloc : memref<!tpu.dma_semaphore, #tpu.memory_space<semaphore_mem>>
      %dma_start3A = arith.constant 0 : i32
      %dma_start3A_122 = tpu.memref_slice %arg19[%add3A_65, %dma_start3A] : memref<10240x64xf32, #tpu.memory_space<vmem_shared>> -> memref<128x64xf32, #tpu.memory_space<vmem_shared>>
      %dma_start3A_123 = arith.constant 0 : i32
      %dma_start3A_124 = tpu.memref_slice %arg19[%add3A_65, %dma_start3A_123] : memref<10240x64xf32, #tpu.memory_space<vmem_shared>> -> memref<128x64xf32, #tpu.memory_space<vmem_shared>>
      tpu.enqueue_dma source(%arg13 : memref<128x64xf32, #tpu.memory_space<vmem>>) target(%dma_start3A_124 : memref<128x64xf32, #tpu.memory_space<vmem_shared>>) target_semaphore(%run_scoped3A_121 : memref<!tpu.dma_semaphore, #tpu.memory_space<semaphore_mem>>)
      %dma_wait3A = arith.constant 0 : i32
      %dma_wait3A_125 = tpu.memref_slice %arg19[%add3A_65, %dma_wait3A] : memref<10240x64xf32, #tpu.memory_space<vmem_shared>> -> memref<128x64xf32, #tpu.memory_space<vmem_shared>>
      %dma_wait3A_126 = arith.constant 0 : i32
      %dma_wait3A_127 = tpu.memref_slice %arg19[%add3A_65, %dma_wait3A_126] : memref<10240x64xf32, #tpu.memory_space<vmem_shared>> -> memref<128x64xf32, #tpu.memory_space<vmem_shared>>
      tpu.wait_dma2 semaphore(%run_scoped3A_121 : memref<!tpu.dma_semaphore, #tpu.memory_space<semaphore_mem>>) src(%arg13 : memref<128x64xf32, #tpu.memory_space<vmem>>) dst(%dma_wait3A_127 : memref<128x64xf32, #tpu.memory_space<vmem_shared>>)
      tpu.yield
    }) : () -> ()
    %mul3A_66 = arith.constant 640 : i32
    %mul3A_67 = arith.muli %arg1, %mul3A_66 : i32
    %add3A_68 = arith.constant 256 : i32
    %add3A_69 = arith.addi %mul3A_67, %add3A_68 : i32
    "tpu.region"() ({
      %run_scoped3A_121 = tpu.sem_alloc : memref<!tpu.dma_semaphore, #tpu.memory_space<semaphore_mem>>
      %dma_start3A = arith.constant 0 : i32
      %dma_start3A_122 = tpu.memref_slice %arg19[%add3A_69, %dma_start3A] : memref<10240x64xf32, #tpu.memory_space<vmem_shared>> -> memref<128x64xf32, #tpu.memory_space<vmem_shared>>
      %dma_start3A_123 = arith.constant 0 : i32
      %dma_start3A_124 = tpu.memref_slice %arg19[%add3A_69, %dma_start3A_123] : memref<10240x64xf32, #tpu.memory_space<vmem_shared>> -> memref<128x64xf32, #tpu.memory_space<vmem_shared>>
      tpu.enqueue_dma source(%arg13 : memref<128x64xf32, #tpu.memory_space<vmem>>) target(%dma_start3A_124 : memref<128x64xf32, #tpu.memory_space<vmem_shared>>) target_semaphore(%run_scoped3A_121 : memref<!tpu.dma_semaphore, #tpu.memory_space<semaphore_mem>>)
      %dma_wait3A = arith.constant 0 : i32
      %dma_wait3A_125 = tpu.memref_slice %arg19[%add3A_69, %dma_wait3A] : memref<10240x64xf32, #tpu.memory_space<vmem_shared>> -> memref<128x64xf32, #tpu.memory_space<vmem_shared>>
      %dma_wait3A_126 = arith.constant 0 : i32
      %dma_wait3A_127 = tpu.memref_slice %arg19[%add3A_69, %dma_wait3A_126] : memref<10240x64xf32, #tpu.memory_space<vmem_shared>> -> memref<128x64xf32, #tpu.memory_space<vmem_shared>>
      tpu.wait_dma2 semaphore(%run_scoped3A_121 : memref<!tpu.dma_semaphore, #tpu.memory_space<semaphore_mem>>) src(%arg13 : memref<128x64xf32, #tpu.memory_space<vmem>>) dst(%dma_wait3A_127 : memref<128x64xf32, #tpu.memory_space<vmem_shared>>)
      tpu.yield
    }) : () -> ()
    %mul3A_70 = arith.constant 640 : i32
    %mul3A_71 = arith.muli %arg1, %mul3A_70 : i32
    %add3A_72 = arith.constant 384 : i32
    %add3A_73 = arith.addi %mul3A_71, %add3A_72 : i32
    "tpu.region"() ({
      %run_scoped3A_121 = tpu.sem_alloc : memref<!tpu.dma_semaphore, #tpu.memory_space<semaphore_mem>>
      %dma_start3A = arith.constant 0 : i32
      %dma_start3A_122 = tpu.memref_slice %arg19[%add3A_73, %dma_start3A] : memref<10240x64xf32, #tpu.memory_space<vmem_shared>> -> memref<128x64xf32, #tpu.memory_space<vmem_shared>>
      %dma_start3A_123 = arith.constant 0 : i32
      %dma_start3A_124 = tpu.memref_slice %arg19[%add3A_73, %dma_start3A_123] : memref<10240x64xf32, #tpu.memory_space<vmem_shared>> -> memref<128x64xf32, #tpu.memory_space<vmem_shared>>
      tpu.enqueue_dma source(%arg13 : memref<128x64xf32, #tpu.memory_space<vmem>>) target(%dma_start3A_124 : memref<128x64xf32, #tpu.memory_space<vmem_shared>>) target_semaphore(%run_scoped3A_121 : memref<!tpu.dma_semaphore, #tpu.memory_space<semaphore_mem>>)
      %dma_wait3A = arith.constant 0 : i32
      %dma_wait3A_125 = tpu.memref_slice %arg19[%add3A_73, %dma_wait3A] : memref<10240x64xf32, #tpu.memory_space<vmem_shared>> -> memref<128x64xf32, #tpu.memory_space<vmem_shared>>
      %dma_wait3A_126 = arith.constant 0 : i32
      %dma_wait3A_127 = tpu.memref_slice %arg19[%add3A_73, %dma_wait3A_126] : memref<10240x64xf32, #tpu.memory_space<vmem_shared>> -> memref<128x64xf32, #tpu.memory_space<vmem_shared>>
      tpu.wait_dma2 semaphore(%run_scoped3A_121 : memref<!tpu.dma_semaphore, #tpu.memory_space<semaphore_mem>>) src(%arg13 : memref<128x64xf32, #tpu.memory_space<vmem>>) dst(%dma_wait3A_127 : memref<128x64xf32, #tpu.memory_space<vmem_shared>>)
      tpu.yield
    }) : () -> ()
    %mul3A_74 = arith.constant 640 : i32
    %mul3A_75 = arith.muli %arg1, %mul3A_74 : i32
    %add3A_76 = arith.constant 512 : i32
    %add3A_77 = arith.addi %mul3A_75, %add3A_76 : i32
    "tpu.region"() ({
      %run_scoped3A_121 = tpu.sem_alloc : memref<!tpu.dma_semaphore, #tpu.memory_space<semaphore_mem>>
      %dma_start3A = arith.constant 0 : i32
      %dma_start3A_122 = tpu.memref_slice %arg19[%add3A_77, %dma_start3A] : memref<10240x64xf32, #tpu.memory_space<vmem_shared>> -> memref<128x64xf32, #tpu.memory_space<vmem_shared>>
      %dma_start3A_123 = arith.constant 0 : i32
      %dma_start3A_124 = tpu.memref_slice %arg19[%add3A_77, %dma_start3A_123] : memref<10240x64xf32, #tpu.memory_space<vmem_shared>> -> memref<128x64xf32, #tpu.memory_space<vmem_shared>>
      tpu.enqueue_dma source(%arg13 : memref<128x64xf32, #tpu.memory_space<vmem>>) target(%dma_start3A_124 : memref<128x64xf32, #tpu.memory_space<vmem_shared>>) target_semaphore(%run_scoped3A_121 : memref<!tpu.dma_semaphore, #tpu.memory_space<semaphore_mem>>)
      %dma_wait3A = arith.constant 0 : i32
      %dma_wait3A_125 = tpu.memref_slice %arg19[%add3A_77, %dma_wait3A] : memref<10240x64xf32, #tpu.memory_space<vmem_shared>> -> memref<128x64xf32, #tpu.memory_space<vmem_shared>>
      %dma_wait3A_126 = arith.constant 0 : i32
      %dma_wait3A_127 = tpu.memref_slice %arg19[%add3A_77, %dma_wait3A_126] : memref<10240x64xf32, #tpu.memory_space<vmem_shared>> -> memref<128x64xf32, #tpu.memory_space<vmem_shared>>
      tpu.wait_dma2 semaphore(%run_scoped3A_121 : memref<!tpu.dma_semaphore, #tpu.memory_space<semaphore_mem>>) src(%arg13 : memref<128x64xf32, #tpu.memory_space<vmem>>) dst(%dma_wait3A_127 : memref<128x64xf32, #tpu.memory_space<vmem_shared>>)
      tpu.yield
    }) : () -> ()
    %barrier3A = arith.constant 0 : index
    tpu.barrier barrier_id(%barrier3A)
    %scan3A_78 = arith.constant 0 : i32
    %scan3A_79 = arith.constant 0 : i32
    %scan3A_80 = arith.constant 125 : i32
    %scan3A_81 = arith.addi %scan3A_79, %scan3A_80 : i32
    %scan3A_82 = arith.constant 1 : i32
    scf.for %scan3A_121 = %scan3A_79 to %scan3A_81 step %scan3A_82  : i32 {
      %mul3A_122 = arith.constant 1 : i32
      %mul3A_123 = arith.muli %scan3A_121, %mul3A_122 : i32
      %add3A_124 = arith.constant 0 : i32
      %add3A_125 = arith.addi %mul3A_123, %add3A_124 : i32
      %dma_start3A = arith.constant 0 : i32
      %dma_start3A_126 = arith.constant 0 : i32
      %dma_start3A_127 = arith.constant 0 : i32
      %dma_start3A_128 = tpu.memref_slice %arg12[%dma_start3A, %dma_start3A_126, %dma_start3A_127] : memref<1x80x64xf32, #tpu.memory_space<vmem>> -> memref<1x80x64xf32, #tpu.memory_space<vmem>>
      %dma_start3A_129 = tpu.memref_squeeze %dma_start3A_128 : memref<1x80x64xf32, #tpu.memory_space<vmem>> -> memref<80x64xf32, #tpu.memory_space<vmem>>
      %dma_start3A_130 = arith.constant 0 : i32
      %dma_start3A_131 = tpu.memref_slice %arg10[%add3A_125, %dma_start3A_130] : memref<125x80xi32, #tpu.memory_space<vmem>> -> memref<1x80xi32, #tpu.memory_space<vmem>>
      %dma_start3A_132 = tpu.memref_squeeze %dma_start3A_131 : memref<1x80xi32, #tpu.memory_space<vmem>> -> memref<80xi32, #tpu.memory_space<vmem>>
      %dma_start3A_133 = arith.constant 0 : i32
      %dma_start3A_134 = arith.constant 0 : i32
      %dma_start3A_135 = tpu.memref_slice %arg8[%dma_start3A_133, %dma_start3A_134] : memref<10000x64xf32, #tpu.memory_space<hbm>> -> memref<10000x64xf32, #tpu.memory_space<hbm>>
      tpu.enqueue_indirect_dma source(%dma_start3A_135 : memref<10000x64xf32, #tpu.memory_space<hbm>>) target(%dma_start3A_129 : memref<80x64xf32, #tpu.memory_space<vmem>>) offsets(%dma_start3A_132 : memref<80xi32, #tpu.memory_space<vmem>>) semaphore(%arg20 : memref<!tpu.dma_semaphore, #tpu.memory_space<semaphore_mem>>)
      %mul3A_136 = arith.constant 1 : i32
      %mul3A_137 = arith.muli %scan3A_121, %mul3A_136 : i32
      %add3A_138 = arith.constant 0 : i32
      %add3A_139 = arith.addi %mul3A_137, %add3A_138 : i32
      %dma_wait3A = arith.constant 0 : i32
      %dma_wait3A_140 = arith.constant 0 : i32
      %dma_wait3A_141 = arith.constant 0 : i32
      %dma_wait3A_142 = tpu.memref_slice %arg12[%dma_wait3A, %dma_wait3A_140, %dma_wait3A_141] : memref<1x80x64xf32, #tpu.memory_space<vmem>> -> memref<1x80x64xf32, #tpu.memory_space<vmem>>
      %dma_wait3A_143 = tpu.memref_squeeze %dma_wait3A_142 : memref<1x80x64xf32, #tpu.memory_space<vmem>> -> memref<80x64xf32, #tpu.memory_space<vmem>>
      %dma_wait3A_144 = arith.constant 0 : i32
      %dma_wait3A_145 = tpu.memref_slice %arg10[%add3A_125, %dma_wait3A_144] : memref<125x80xi32, #tpu.memory_space<vmem>> -> memref<1x80xi32, #tpu.memory_space<vmem>>
      %dma_wait3A_146 = tpu.memref_squeeze %dma_wait3A_145 : memref<1x80xi32, #tpu.memory_space<vmem>> -> memref<80xi32, #tpu.memory_space<vmem>>
      %dma_wait3A_147 = arith.constant 0 : i32
      %dma_wait3A_148 = arith.constant 0 : i32
      %dma_wait3A_149 = tpu.memref_slice %arg8[%dma_wait3A_147, %dma_wait3A_148] : memref<10000x64xf32, #tpu.memory_space<hbm>> -> memref<10000x64xf32, #tpu.memory_space<hbm>>
      tpu.wait_indirect_dma semaphore(%arg20 : memref<!tpu.dma_semaphore, #tpu.memory_space<semaphore_mem>>) src(%dma_wait3A_149 : memref<10000x64xf32, #tpu.memory_space<hbm>>) dst(%dma_wait3A_143 : memref<80x64xf32, #tpu.memory_space<vmem>>)
      %run_scoped3A_150 = arith.constant 0 : i32
      "tpu.region"() ({
        %run_scoped3A_151 = tpu.sem_alloc : memref<!tpu.dma_semaphore, #tpu.memory_space<semaphore_mem>>
        %dma_start3A_152 = arith.constant 0 : i32
        %dma_start3A_153 = arith.constant 0 : i32
        %dma_start3A_154 = tpu.memref_slice %arg12[%run_scoped3A_150, %dma_start3A_152, %dma_start3A_153] : memref<1x80x64xf32, #tpu.memory_space<vmem>> -> memref<1x80x64xf32, #tpu.memory_space<vmem>>
        %dma_start3A_155 = tpu.memref_squeeze %dma_start3A_154 : memref<1x80x64xf32, #tpu.memory_space<vmem>> -> memref<80x64xf32, #tpu.memory_space<vmem>>
        %dma_start3A_156 = arith.constant 0 : i32
        %dma_start3A_157 = tpu.memref_slice %arg11[%add3A_139, %dma_start3A_156] : memref<125x80xi32, #tpu.memory_space<vmem>> -> memref<1x80xi32, #tpu.memory_space<vmem>>
        %dma_start3A_158 = tpu.memref_squeeze %dma_start3A_157 : memref<1x80xi32, #tpu.memory_space<vmem>> -> memref<80xi32, #tpu.memory_space<vmem>>
        %dma_start3A_159 = arith.constant 0 : i32
        %dma_start3A_160 = arith.constant 0 : i32
        %dma_start3A_161 = tpu.memref_slice %arg19[%dma_start3A_159, %dma_start3A_160] : memref<10240x64xf32, #tpu.memory_space<vmem_shared>> -> memref<10240x64xf32, #tpu.memory_space<vmem_shared>>
        tpu.enqueue_indirect_dma source(%dma_start3A_155 : memref<80x64xf32, #tpu.memory_space<vmem>>) target(%dma_start3A_161 : memref<10240x64xf32, #tpu.memory_space<vmem_shared>>) offsets(%dma_start3A_158 : memref<80xi32, #tpu.memory_space<vmem>>) semaphore(%run_scoped3A_151 : memref<!tpu.dma_semaphore, #tpu.memory_space<semaphore_mem>>) {add = true}
        %dma_wait3A_162 = arith.constant 0 : i32
        %dma_wait3A_163 = arith.constant 0 : i32
        %dma_wait3A_164 = tpu.memref_slice %arg12[%run_scoped3A_150, %dma_wait3A_162, %dma_wait3A_163] : memref<1x80x64xf32, #tpu.memory_space<vmem>> -> memref<1x80x64xf32, #tpu.memory_space<vmem>>
        %dma_wait3A_165 = tpu.memref_squeeze %dma_wait3A_164 : memref<1x80x64xf32, #tpu.memory_space<vmem>> -> memref<80x64xf32, #tpu.memory_space<vmem>>
        %dma_wait3A_166 = arith.constant 0 : i32
        %dma_wait3A_167 = tpu.memref_slice %arg11[%add3A_139, %dma_wait3A_166] : memref<125x80xi32, #tpu.memory_space<vmem>> -> memref<1x80xi32, #tpu.memory_space<vmem>>
        %dma_wait3A_168 = tpu.memref_squeeze %dma_wait3A_167 : memref<1x80xi32, #tpu.memory_space<vmem>> -> memref<80xi32, #tpu.memory_space<vmem>>
        %dma_wait3A_169 = arith.constant 0 : i32
        %dma_wait3A_170 = arith.constant 0 : i32
        %dma_wait3A_171 = tpu.memref_slice %arg19[%dma_wait3A_169, %dma_wait3A_170] : memref<10240x64xf32, #tpu.memory_space<vmem_shared>> -> memref<10240x64xf32, #tpu.memory_space<vmem_shared>>
        tpu.wait_indirect_dma semaphore(%run_scoped3A_151 : memref<!tpu.dma_semaphore, #tpu.memory_space<semaphore_mem>>) src(%dma_wait3A_165 : memref<80x64xf32, #tpu.memory_space<vmem>>) dst(%dma_wait3A_171 : memref<10240x64xf32, #tpu.memory_space<vmem_shared>>)
        tpu.yield
      }) : () -> ()
    }
    %scan3A_83 = arith.constant 125 : i32
    %barrier3A_84 = arith.constant 0 : index
    tpu.barrier barrier_id(%barrier3A_84)
    %mul3A_85 = arith.constant 640 : i32
    %mul3A_86 = arith.muli %arg1, %mul3A_85 : i32
    %mul3A_87 = arith.constant 640 : i32
    %mul3A_88 = arith.muli %arg1, %mul3A_87 : i32
    "tpu.region"() ({
      %run_scoped3A_121 = tpu.sem_alloc : memref<!tpu.dma_semaphore, #tpu.memory_space<semaphore_mem>>
      %dma_start3A = arith.constant 0 : i32
      %dma_start3A_122 = tpu.memref_slice %arg6[%arg0, %mul3A_88, %dma_start3A] : memref<2x10240x64xf32, #tpu.memory_space<hbm>> -> memref<1x640x64xf32, #tpu.memory_space<hbm>>
      %dma_start3A_123 = tpu.memref_squeeze %dma_start3A_122 : memref<1x640x64xf32, #tpu.memory_space<hbm>> -> memref<640x64xf32, #tpu.memory_space<hbm>>
      %dma_start3A_124 = arith.constant 0 : i32
      %dma_start3A_125 = tpu.memref_slice %arg19[%mul3A_86, %dma_start3A_124] : memref<10240x64xf32, #tpu.memory_space<vmem_shared>> -> memref<640x64xf32, #tpu.memory_space<vmem_shared>>
      tpu.enqueue_dma source(%dma_start3A_125 : memref<640x64xf32, #tpu.memory_space<vmem_shared>>) target(%dma_start3A_123 : memref<640x64xf32, #tpu.memory_space<hbm>>) target_semaphore(%run_scoped3A_121 : memref<!tpu.dma_semaphore, #tpu.memory_space<semaphore_mem>>)
      %dma_wait3A = arith.constant 0 : i32
      %dma_wait3A_126 = tpu.memref_slice %arg6[%arg0, %mul3A_88, %dma_wait3A] : memref<2x10240x64xf32, #tpu.memory_space<hbm>> -> memref<1x640x64xf32, #tpu.memory_space<hbm>>
      %dma_wait3A_127 = tpu.memref_squeeze %dma_wait3A_126 : memref<1x640x64xf32, #tpu.memory_space<hbm>> -> memref<640x64xf32, #tpu.memory_space<hbm>>
      %dma_wait3A_128 = arith.constant 0 : i32
      %dma_wait3A_129 = tpu.memref_slice %arg19[%mul3A_86, %dma_wait3A_128] : memref<10240x64xf32, #tpu.memory_space<vmem_shared>> -> memref<640x64xf32, #tpu.memory_space<vmem_shared>>
      tpu.wait_dma2 semaphore(%run_scoped3A_121 : memref<!tpu.dma_semaphore, #tpu.memory_space<semaphore_mem>>) src(%dma_wait3A_129 : memref<640x64xf32, #tpu.memory_space<vmem_shared>>) dst(%dma_wait3A_127 : memref<640x64xf32, #tpu.memory_space<hbm>>)
      tpu.yield
    }) : () -> ()
    %mul3A_89 = arith.constant 640 : i32
    %mul3A_90 = arith.muli %arg1, %mul3A_89 : i32
    %add3A_91 = arith.constant 0 : i32
    %add3A_92 = arith.addi %mul3A_90, %add3A_91 : i32
    "tpu.region"() ({
      %run_scoped3A_121 = tpu.sem_alloc : memref<!tpu.dma_semaphore, #tpu.memory_space<semaphore_mem>>
      %dma_start3A = arith.constant 0 : i32
      %dma_start3A_122 = tpu.memref_slice %arg19[%add3A_92, %dma_start3A] : memref<10240x64xf32, #tpu.memory_space<vmem_shared>> -> memref<128x64xf32, #tpu.memory_space<vmem_shared>>
      %dma_start3A_123 = arith.constant 0 : i32
      %dma_start3A_124 = tpu.memref_slice %arg19[%add3A_92, %dma_start3A_123] : memref<10240x64xf32, #tpu.memory_space<vmem_shared>> -> memref<128x64xf32, #tpu.memory_space<vmem_shared>>
      tpu.enqueue_dma source(%arg13 : memref<128x64xf32, #tpu.memory_space<vmem>>) target(%dma_start3A_124 : memref<128x64xf32, #tpu.memory_space<vmem_shared>>) target_semaphore(%run_scoped3A_121 : memref<!tpu.dma_semaphore, #tpu.memory_space<semaphore_mem>>)
      %dma_wait3A = arith.constant 0 : i32
      %dma_wait3A_125 = tpu.memref_slice %arg19[%add3A_92, %dma_wait3A] : memref<10240x64xf32, #tpu.memory_space<vmem_shared>> -> memref<128x64xf32, #tpu.memory_space<vmem_shared>>
      %dma_wait3A_126 = arith.constant 0 : i32
      %dma_wait3A_127 = tpu.memref_slice %arg19[%add3A_92, %dma_wait3A_126] : memref<10240x64xf32, #tpu.memory_space<vmem_shared>> -> memref<128x64xf32, #tpu.memory_space<vmem_shared>>
      tpu.wait_dma2 semaphore(%run_scoped3A_121 : memref<!tpu.dma_semaphore, #tpu.memory_space<semaphore_mem>>) src(%arg13 : memref<128x64xf32, #tpu.memory_space<vmem>>) dst(%dma_wait3A_127 : memref<128x64xf32, #tpu.memory_space<vmem_shared>>)
      tpu.yield
    }) : () -> ()
    %mul3A_93 = arith.constant 640 : i32
    %mul3A_94 = arith.muli %arg1, %mul3A_93 : i32
    %add3A_95 = arith.constant 128 : i32
    %add3A_96 = arith.addi %mul3A_94, %add3A_95 : i32
    "tpu.region"() ({
      %run_scoped3A_121 = tpu.sem_alloc : memref<!tpu.dma_semaphore, #tpu.memory_space<semaphore_mem>>
      %dma_start3A = arith.constant 0 : i32
      %dma_start3A_122 = tpu.memref_slice %arg19[%add3A_96, %dma_start3A] : memref<10240x64xf32, #tpu.memory_space<vmem_shared>> -> memref<128x64xf32, #tpu.memory_space<vmem_shared>>
      %dma_start3A_123 = arith.constant 0 : i32
      %dma_start3A_124 = tpu.memref_slice %arg19[%add3A_96, %dma_start3A_123] : memref<10240x64xf32, #tpu.memory_space<vmem_shared>> -> memref<128x64xf32, #tpu.memory_space<vmem_shared>>
      tpu.enqueue_dma source(%arg13 : memref<128x64xf32, #tpu.memory_space<vmem>>) target(%dma_start3A_124 : memref<128x64xf32, #tpu.memory_space<vmem_shared>>) target_semaphore(%run_scoped3A_121 : memref<!tpu.dma_semaphore, #tpu.memory_space<semaphore_mem>>)
      %dma_wait3A = arith.constant 0 : i32
      %dma_wait3A_125 = tpu.memref_slice %arg19[%add3A_96, %dma_wait3A] : memref<10240x64xf32, #tpu.memory_space<vmem_shared>> -> memref<128x64xf32, #tpu.memory_space<vmem_shared>>
      %dma_wait3A_126 = arith.constant 0 : i32
      %dma_wait3A_127 = tpu.memref_slice %arg19[%add3A_96, %dma_wait3A_126] : memref<10240x64xf32, #tpu.memory_space<vmem_shared>> -> memref<128x64xf32, #tpu.memory_space<vmem_shared>>
      tpu.wait_dma2 semaphore(%run_scoped3A_121 : memref<!tpu.dma_semaphore, #tpu.memory_space<semaphore_mem>>) src(%arg13 : memref<128x64xf32, #tpu.memory_space<vmem>>) dst(%dma_wait3A_127 : memref<128x64xf32, #tpu.memory_space<vmem_shared>>)
      tpu.yield
    }) : () -> ()
    %mul3A_97 = arith.constant 640 : i32
    %mul3A_98 = arith.muli %arg1, %mul3A_97 : i32
    %add3A_99 = arith.constant 256 : i32
    %add3A_100 = arith.addi %mul3A_98, %add3A_99 : i32
    "tpu.region"() ({
      %run_scoped3A_121 = tpu.sem_alloc : memref<!tpu.dma_semaphore, #tpu.memory_space<semaphore_mem>>
      %dma_start3A = arith.constant 0 : i32
      %dma_start3A_122 = tpu.memref_slice %arg19[%add3A_100, %dma_start3A] : memref<10240x64xf32, #tpu.memory_space<vmem_shared>> -> memref<128x64xf32, #tpu.memory_space<vmem_shared>>
      %dma_start3A_123 = arith.constant 0 : i32
      %dma_start3A_124 = tpu.memref_slice %arg19[%add3A_100, %dma_start3A_123] : memref<10240x64xf32, #tpu.memory_space<vmem_shared>> -> memref<128x64xf32, #tpu.memory_space<vmem_shared>>
      tpu.enqueue_dma source(%arg13 : memref<128x64xf32, #tpu.memory_space<vmem>>) target(%dma_start3A_124 : memref<128x64xf32, #tpu.memory_space<vmem_shared>>) target_semaphore(%run_scoped3A_121 : memref<!tpu.dma_semaphore, #tpu.memory_space<semaphore_mem>>)
      %dma_wait3A = arith.constant 0 : i32
      %dma_wait3A_125 = tpu.memref_slice %arg19[%add3A_100, %dma_wait3A] : memref<10240x64xf32, #tpu.memory_space<vmem_shared>> -> memref<128x64xf32, #tpu.memory_space<vmem_shared>>
      %dma_wait3A_126 = arith.constant 0 : i32
      %dma_wait3A_127 = tpu.memref_slice %arg19[%add3A_100, %dma_wait3A_126] : memref<10240x64xf32, #tpu.memory_space<vmem_shared>> -> memref<128x64xf32, #tpu.memory_space<vmem_shared>>
      tpu.wait_dma2 semaphore(%run_scoped3A_121 : memref<!tpu.dma_semaphore, #tpu.memory_space<semaphore_mem>>) src(%arg13 : memref<128x64xf32, #tpu.memory_space<vmem>>) dst(%dma_wait3A_127 : memref<128x64xf32, #tpu.memory_space<vmem_shared>>)
      tpu.yield
    }) : () -> ()
    %mul3A_101 = arith.constant 640 : i32
    %mul3A_102 = arith.muli %arg1, %mul3A_101 : i32
    %add3A_103 = arith.constant 384 : i32
    %add3A_104 = arith.addi %mul3A_102, %add3A_103 : i32
    "tpu.region"() ({
      %run_scoped3A_121 = tpu.sem_alloc : memref<!tpu.dma_semaphore, #tpu.memory_space<semaphore_mem>>
      %dma_start3A = arith.constant 0 : i32
      %dma_start3A_122 = tpu.memref_slice %arg19[%add3A_104, %dma_start3A] : memref<10240x64xf32, #tpu.memory_space<vmem_shared>> -> memref<128x64xf32, #tpu.memory_space<vmem_shared>>
      %dma_start3A_123 = arith.constant 0 : i32
      %dma_start3A_124 = tpu.memref_slice %arg19[%add3A_104, %dma_start3A_123] : memref<10240x64xf32, #tpu.memory_space<vmem_shared>> -> memref<128x64xf32, #tpu.memory_space<vmem_shared>>
      tpu.enqueue_dma source(%arg13 : memref<128x64xf32, #tpu.memory_space<vmem>>) target(%dma_start3A_124 : memref<128x64xf32, #tpu.memory_space<vmem_shared>>) target_semaphore(%run_scoped3A_121 : memref<!tpu.dma_semaphore, #tpu.memory_space<semaphore_mem>>)
      %dma_wait3A = arith.constant 0 : i32
      %dma_wait3A_125 = tpu.memref_slice %arg19[%add3A_104, %dma_wait3A] : memref<10240x64xf32, #tpu.memory_space<vmem_shared>> -> memref<128x64xf32, #tpu.memory_space<vmem_shared>>
      %dma_wait3A_126 = arith.constant 0 : i32
      %dma_wait3A_127 = tpu.memref_slice %arg19[%add3A_104, %dma_wait3A_126] : memref<10240x64xf32, #tpu.memory_space<vmem_shared>> -> memref<128x64xf32, #tpu.memory_space<vmem_shared>>
      tpu.wait_dma2 semaphore(%run_scoped3A_121 : memref<!tpu.dma_semaphore, #tpu.memory_space<semaphore_mem>>) src(%arg13 : memref<128x64xf32, #tpu.memory_space<vmem>>) dst(%dma_wait3A_127 : memref<128x64xf32, #tpu.memory_space<vmem_shared>>)
      tpu.yield
    }) : () -> ()
    %mul3A_105 = arith.constant 640 : i32
    %mul3A_106 = arith.muli %arg1, %mul3A_105 : i32
    %add3A_107 = arith.constant 512 : i32
    %add3A_108 = arith.addi %mul3A_106, %add3A_107 : i32
    "tpu.region"() ({
      %run_scoped3A_121 = tpu.sem_alloc : memref<!tpu.dma_semaphore, #tpu.memory_space<semaphore_mem>>
      %dma_start3A = arith.constant 0 : i32
      %dma_start3A_122 = tpu.memref_slice %arg19[%add3A_108, %dma_start3A] : memref<10240x64xf32, #tpu.memory_space<vmem_shared>> -> memref<128x64xf32, #tpu.memory_space<vmem_shared>>
      %dma_start3A_123 = arith.constant 0 : i32
      %dma_start3A_124 = tpu.memref_slice %arg19[%add3A_108, %dma_start3A_123] : memref<10240x64xf32, #tpu.memory_space<vmem_shared>> -> memref<128x64xf32, #tpu.memory_space<vmem_shared>>
      tpu.enqueue_dma source(%arg13 : memref<128x64xf32, #tpu.memory_space<vmem>>) target(%dma_start3A_124 : memref<128x64xf32, #tpu.memory_space<vmem_shared>>) target_semaphore(%run_scoped3A_121 : memref<!tpu.dma_semaphore, #tpu.memory_space<semaphore_mem>>)
      %dma_wait3A = arith.constant 0 : i32
      %dma_wait3A_125 = tpu.memref_slice %arg19[%add3A_108, %dma_wait3A] : memref<10240x64xf32, #tpu.memory_space<vmem_shared>> -> memref<128x64xf32, #tpu.memory_space<vmem_shared>>
      %dma_wait3A_126 = arith.constant 0 : i32
      %dma_wait3A_127 = tpu.memref_slice %arg19[%add3A_108, %dma_wait3A_126] : memref<10240x64xf32, #tpu.memory_space<vmem_shared>> -> memref<128x64xf32, #tpu.memory_space<vmem_shared>>
      tpu.wait_dma2 semaphore(%run_scoped3A_121 : memref<!tpu.dma_semaphore, #tpu.memory_space<semaphore_mem>>) src(%arg13 : memref<128x64xf32, #tpu.memory_space<vmem>>) dst(%dma_wait3A_127 : memref<128x64xf32, #tpu.memory_space<vmem_shared>>)
      tpu.yield
    }) : () -> ()
    %barrier3A_109 = arith.constant 0 : index
    tpu.barrier barrier_id(%barrier3A_109)
    %scan3A_110 = arith.constant 0 : i32
    %scan3A_111 = arith.constant 0 : i32
    %scan3A_112 = arith.constant 125 : i32
    %scan3A_113 = arith.addi %scan3A_111, %scan3A_112 : i32
    %scan3A_114 = arith.constant 1 : i32
    scf.for %scan3A_121 = %scan3A_111 to %scan3A_113 step %scan3A_114  : i32 {
      %mul3A_122 = arith.constant 1 : i32
      %mul3A_123 = arith.muli %scan3A_121, %mul3A_122 : i32
      %add3A_124 = arith.constant 0 : i32
      %add3A_125 = arith.addi %mul3A_123, %add3A_124 : i32
      %dma_start3A = arith.constant 0 : i32
      %dma_start3A_126 = arith.constant 0 : i32
      %dma_start3A_127 = arith.constant 0 : i32
      %dma_start3A_128 = tpu.memref_slice %arg12[%dma_start3A, %dma_start3A_126, %dma_start3A_127] : memref<1x80x64xf32, #tpu.memory_space<vmem>> -> memref<1x80x64xf32, #tpu.memory_space<vmem>>
      %dma_start3A_129 = tpu.memref_squeeze %dma_start3A_128 : memref<1x80x64xf32, #tpu.memory_space<vmem>> -> memref<80x64xf32, #tpu.memory_space<vmem>>
      %dma_start3A_130 = arith.constant 0 : i32
      %dma_start3A_131 = tpu.memref_slice %arg10[%add3A_125, %dma_start3A_130] : memref<125x80xi32, #tpu.memory_space<vmem>> -> memref<1x80xi32, #tpu.memory_space<vmem>>
      %dma_start3A_132 = tpu.memref_squeeze %dma_start3A_131 : memref<1x80xi32, #tpu.memory_space<vmem>> -> memref<80xi32, #tpu.memory_space<vmem>>
      %dma_start3A_133 = arith.constant 0 : i32
      %dma_start3A_134 = arith.constant 0 : i32
      %dma_start3A_135 = tpu.memref_slice %arg9[%dma_start3A_133, %dma_start3A_134] : memref<10000x64xf32, #tpu.memory_space<hbm>> -> memref<10000x64xf32, #tpu.memory_space<hbm>>
      tpu.enqueue_indirect_dma source(%dma_start3A_135 : memref<10000x64xf32, #tpu.memory_space<hbm>>) target(%dma_start3A_129 : memref<80x64xf32, #tpu.memory_space<vmem>>) offsets(%dma_start3A_132 : memref<80xi32, #tpu.memory_space<vmem>>) semaphore(%arg20 : memref<!tpu.dma_semaphore, #tpu.memory_space<semaphore_mem>>)
      %mul3A_136 = arith.constant 1 : i32
      %mul3A_137 = arith.muli %scan3A_121, %mul3A_136 : i32
      %add3A_138 = arith.constant 0 : i32
      %add3A_139 = arith.addi %mul3A_137, %add3A_138 : i32
      %dma_wait3A = arith.constant 0 : i32
      %dma_wait3A_140 = arith.constant 0 : i32
      %dma_wait3A_141 = arith.constant 0 : i32
      %dma_wait3A_142 = tpu.memref_slice %arg12[%dma_wait3A, %dma_wait3A_140, %dma_wait3A_141] : memref<1x80x64xf32, #tpu.memory_space<vmem>> -> memref<1x80x64xf32, #tpu.memory_space<vmem>>
      %dma_wait3A_143 = tpu.memref_squeeze %dma_wait3A_142 : memref<1x80x64xf32, #tpu.memory_space<vmem>> -> memref<80x64xf32, #tpu.memory_space<vmem>>
      %dma_wait3A_144 = arith.constant 0 : i32
      %dma_wait3A_145 = tpu.memref_slice %arg10[%add3A_125, %dma_wait3A_144] : memref<125x80xi32, #tpu.memory_space<vmem>> -> memref<1x80xi32, #tpu.memory_space<vmem>>
      %dma_wait3A_146 = tpu.memref_squeeze %dma_wait3A_145 : memref<1x80xi32, #tpu.memory_space<vmem>> -> memref<80xi32, #tpu.memory_space<vmem>>
      %dma_wait3A_147 = arith.constant 0 : i32
      %dma_wait3A_148 = arith.constant 0 : i32
      %dma_wait3A_149 = tpu.memref_slice %arg9[%dma_wait3A_147, %dma_wait3A_148] : memref<10000x64xf32, #tpu.memory_space<hbm>> -> memref<10000x64xf32, #tpu.memory_space<hbm>>
      tpu.wait_indirect_dma semaphore(%arg20 : memref<!tpu.dma_semaphore, #tpu.memory_space<semaphore_mem>>) src(%dma_wait3A_149 : memref<10000x64xf32, #tpu.memory_space<hbm>>) dst(%dma_wait3A_143 : memref<80x64xf32, #tpu.memory_space<vmem>>)
      %run_scoped3A_150 = arith.constant 0 : i32
      "tpu.region"() ({
        %run_scoped3A_151 = tpu.sem_alloc : memref<!tpu.dma_semaphore, #tpu.memory_space<semaphore_mem>>
        %dma_start3A_152 = arith.constant 0 : i32
        %dma_start3A_153 = arith.constant 0 : i32
        %dma_start3A_154 = tpu.memref_slice %arg12[%run_scoped3A_150, %dma_start3A_152, %dma_start3A_153] : memref<1x80x64xf32, #tpu.memory_space<vmem>> -> memref<1x80x64xf32, #tpu.memory_space<vmem>>
        %dma_start3A_155 = tpu.memref_squeeze %dma_start3A_154 : memref<1x80x64xf32, #tpu.memory_space<vmem>> -> memref<80x64xf32, #tpu.memory_space<vmem>>
        %dma_start3A_156 = arith.constant 0 : i32
        %dma_start3A_157 = tpu.memref_slice %arg11[%add3A_139, %dma_start3A_156] : memref<125x80xi32, #tpu.memory_space<vmem>> -> memref<1x80xi32, #tpu.memory_space<vmem>>
        %dma_start3A_158 = tpu.memref_squeeze %dma_start3A_157 : memref<1x80xi32, #tpu.memory_space<vmem>> -> memref<80xi32, #tpu.memory_space<vmem>>
        %dma_start3A_159 = arith.constant 0 : i32
        %dma_start3A_160 = arith.constant 0 : i32
        %dma_start3A_161 = tpu.memref_slice %arg19[%dma_start3A_159, %dma_start3A_160] : memref<10240x64xf32, #tpu.memory_space<vmem_shared>> -> memref<10240x64xf32, #tpu.memory_space<vmem_shared>>
        tpu.enqueue_indirect_dma source(%dma_start3A_155 : memref<80x64xf32, #tpu.memory_space<vmem>>) target(%dma_start3A_161 : memref<10240x64xf32, #tpu.memory_space<vmem_shared>>) offsets(%dma_start3A_158 : memref<80xi32, #tpu.memory_space<vmem>>) semaphore(%run_scoped3A_151 : memref<!tpu.dma_semaphore, #tpu.memory_space<semaphore_mem>>) {add = true}
        %dma_wait3A_162 = arith.constant 0 : i32
        %dma_wait3A_163 = arith.constant 0 : i32
        %dma_wait3A_164 = tpu.memref_slice %arg12[%run_scoped3A_150, %dma_wait3A_162, %dma_wait3A_163] : memref<1x80x64xf32, #tpu.memory_space<vmem>> -> memref<1x80x64xf32, #tpu.memory_space<vmem>>
        %dma_wait3A_165 = tpu.memref_squeeze %dma_wait3A_164 : memref<1x80x64xf32, #tpu.memory_space<vmem>> -> memref<80x64xf32, #tpu.memory_space<vmem>>
        %dma_wait3A_166 = arith.constant 0 : i32
        %dma_wait3A_167 = tpu.memref_slice %arg11[%add3A_139, %dma_wait3A_166] : memref<125x80xi32, #tpu.memory_space<vmem>> -> memref<1x80xi32, #tpu.memory_space<vmem>>
        %dma_wait3A_168 = tpu.memref_squeeze %dma_wait3A_167 : memref<1x80xi32, #tpu.memory_space<vmem>> -> memref<80xi32, #tpu.memory_space<vmem>>
        %dma_wait3A_169 = arith.constant 0 : i32
        %dma_wait3A_170 = arith.constant 0 : i32
        %dma_wait3A_171 = tpu.memref_slice %arg19[%dma_wait3A_169, %dma_wait3A_170] : memref<10240x64xf32, #tpu.memory_space<vmem_shared>> -> memref<10240x64xf32, #tpu.memory_space<vmem_shared>>
        tpu.wait_indirect_dma semaphore(%run_scoped3A_151 : memref<!tpu.dma_semaphore, #tpu.memory_space<semaphore_mem>>) src(%dma_wait3A_165 : memref<80x64xf32, #tpu.memory_space<vmem>>) dst(%dma_wait3A_171 : memref<10240x64xf32, #tpu.memory_space<vmem_shared>>)
        tpu.yield
      }) : () -> ()
    }
    %scan3A_115 = arith.constant 125 : i32
    %barrier3A_116 = arith.constant 0 : index
    tpu.barrier barrier_id(%barrier3A_116)
    %mul3A_117 = arith.constant 640 : i32
    %mul3A_118 = arith.muli %arg1, %mul3A_117 : i32
    %mul3A_119 = arith.constant 640 : i32
    %mul3A_120 = arith.muli %arg1, %mul3A_119 : i32
    "tpu.region"() ({
      %run_scoped3A_121 = tpu.sem_alloc : memref<!tpu.dma_semaphore, #tpu.memory_space<semaphore_mem>>
      %dma_start3A = arith.constant 0 : i32
      %dma_start3A_122 = tpu.memref_slice %arg7[%arg0, %mul3A_120, %dma_start3A] : memref<2x10240x64xf32, #tpu.memory_space<hbm>> -> memref<1x640x64xf32, #tpu.memory_space<hbm>>
      %dma_start3A_123 = tpu.memref_squeeze %dma_start3A_122 : memref<1x640x64xf32, #tpu.memory_space<hbm>> -> memref<640x64xf32, #tpu.memory_space<hbm>>
      %dma_start3A_124 = arith.constant 0 : i32
      %dma_start3A_125 = tpu.memref_slice %arg19[%mul3A_118, %dma_start3A_124] : memref<10240x64xf32, #tpu.memory_space<vmem_shared>> -> memref<640x64xf32, #tpu.memory_space<vmem_shared>>
      tpu.enqueue_dma source(%dma_start3A_125 : memref<640x64xf32, #tpu.memory_space<vmem_shared>>) target(%dma_start3A_123 : memref<640x64xf32, #tpu.memory_space<hbm>>) target_semaphore(%run_scoped3A_121 : memref<!tpu.dma_semaphore, #tpu.memory_space<semaphore_mem>>)
      %dma_wait3A = arith.constant 0 : i32
      %dma_wait3A_126 = tpu.memref_slice %arg7[%arg0, %mul3A_120, %dma_wait3A] : memref<2x10240x64xf32, #tpu.memory_space<hbm>> -> memref<1x640x64xf32, #tpu.memory_space<hbm>>
      %dma_wait3A_127 = tpu.memref_squeeze %dma_wait3A_126 : memref<1x640x64xf32, #tpu.memory_space<hbm>> -> memref<640x64xf32, #tpu.memory_space<hbm>>
      %dma_wait3A_128 = arith.constant 0 : i32
      %dma_wait3A_129 = tpu.memref_slice %arg19[%mul3A_118, %dma_wait3A_128] : memref<10240x64xf32, #tpu.memory_space<vmem_shared>> -> memref<640x64xf32, #tpu.memory_space<vmem_shared>>
      tpu.wait_dma2 semaphore(%run_scoped3A_121 : memref<!tpu.dma_semaphore, #tpu.memory_space<semaphore_mem>>) src(%dma_wait3A_129 : memref<640x64xf32, #tpu.memory_space<vmem_shared>>) dst(%dma_wait3A_127 : memref<640x64xf32, #tpu.memory_space<hbm>>)
      tpu.yield
    }) : () -> ()
    return
  }
}

#map = affine_map<(d0, d1) -> (0, 0, 0)>
module attributes {stable_mosaic.version = 14 : i64} {
  func.func @_deg_body(%arg0: i32, %arg1: i32, %arg2: memref<32x125x80xi32, #tpu.memory_space<hbm>>, %arg3: memref<2x10240x16xf32, #tpu.memory_space<hbm>>, %arg4: memref<125x80xi32, #tpu.memory_space<vmem>>, %arg5: memref<80x16xf32, #tpu.memory_space<vmem>>, %arg6: memref<640x16xf32, #tpu.memory_space<vmem>>, %arg7: memref<10240x16xf32, #tpu.memory_space<vmem_shared>>) attributes {dimension_semantics = [#tpu.dimension_semantics<core_parallel>, #tpu.dimension_semantics<subcore_parallel>], iteration_bounds = array<i64: 2, 16>, scalar_prefetch = 0 : i64, scratch_operands = 4 : i64, tpu.core_type = #tpu.core_type<sc_vector_subcore>, window_params = [{transform_indices = #map}, {transform_indices = #map}]} {
    %broadcast_in_dim3A = arith.constant 1.000000e+00 : f32
    %broadcast_in_dim3A_0 = vector.broadcast %broadcast_in_dim3A : f32 to vector<16xf32>
    %scan3A = arith.constant 0 : i32
    %scan3A_1 = arith.constant 0 : i32
    %scan3A_2 = arith.constant 80 : i32
    %scan3A_3 = arith.addi %scan3A_1, %scan3A_2 : i32
    %scan3A_4 = arith.constant 1 : i32
    scf.for %scan3A_28 = %scan3A_1 to %scan3A_3 step %scan3A_4  : i32 {
      %swap3A = arith.index_cast %scan3A_28 : i32 to index
      %swap3A_29 = arith.constant 0 : index
      %swap3A_30 = tpu.vector_load %arg5[%swap3A, %swap3A_29] {strides = array<i32>} : memref<80x16xf32, #tpu.memory_space<vmem>>, vector<1x16xf32>,
      %swap3A_31 = vector.shape_cast %swap3A_30 : vector<1x16xf32> to vector<16xf32>
      %swap3A_32 = vector.shape_cast %broadcast_in_dim3A_0 : vector<16xf32> to vector<1x16xf32>
      tpu.vector_store %arg5[%swap3A, %swap3A_29], %swap3A_32 {strides = array<i32>} : memref<80x16xf32, #tpu.memory_space<vmem>>, vector<1x16xf32>,
    }
    %scan3A_5 = arith.constant 80 : i32
    %broadcast_in_dim3A_6 = arith.constant 0.000000e+00 : f32
    %broadcast_in_dim3A_7 = vector.broadcast %broadcast_in_dim3A_6 : f32 to vector<16xf32>
    %scan3A_8 = arith.constant 0 : i32
    %scan3A_9 = arith.constant 0 : i32
    %scan3A_10 = arith.constant 640 : i32
    %scan3A_11 = arith.addi %scan3A_9, %scan3A_10 : i32
    %scan3A_12 = arith.constant 1 : i32
    scf.for %scan3A_28 = %scan3A_9 to %scan3A_11 step %scan3A_12  : i32 {
      %swap3A = arith.index_cast %scan3A_28 : i32 to index
      %swap3A_29 = arith.constant 0 : index
      %swap3A_30 = tpu.vector_load %arg6[%swap3A, %swap3A_29] {strides = array<i32>} : memref<640x16xf32, #tpu.memory_space<vmem>>, vector<1x16xf32>,
      %swap3A_31 = vector.shape_cast %swap3A_30 : vector<1x16xf32> to vector<16xf32>
      %swap3A_32 = vector.shape_cast %broadcast_in_dim3A_7 : vector<16xf32> to vector<1x16xf32>
      tpu.vector_store %arg6[%swap3A, %swap3A_29], %swap3A_32 {strides = array<i32>} : memref<640x16xf32, #tpu.memory_space<vmem>>, vector<1x16xf32>,
    }
    %scan3A_13 = arith.constant 640 : i32
    %mul3A = arith.constant 640 : i32
    %mul3A_14 = arith.muli %arg1, %mul3A : i32
    "tpu.region"() ({
      %run_scoped3A = tpu.sem_alloc : memref<!tpu.dma_semaphore, #tpu.memory_space<semaphore_mem>>
      %dma_start3A = arith.constant 0 : i32
      %dma_start3A_28 = tpu.memref_slice %arg7[%mul3A_14, %dma_start3A] : memref<10240x16xf32, #tpu.memory_space<vmem_shared>> -> memref<640x16xf32, #tpu.memory_space<vmem_shared>>
      %dma_start3A_29 = arith.constant 0 : i32
      %dma_start3A_30 = tpu.memref_slice %arg7[%mul3A_14, %dma_start3A_29] : memref<10240x16xf32, #tpu.memory_space<vmem_shared>> -> memref<640x16xf32, #tpu.memory_space<vmem_shared>>
      tpu.enqueue_dma source(%arg6 : memref<640x16xf32, #tpu.memory_space<vmem>>) target(%dma_start3A_30 : memref<640x16xf32, #tpu.memory_space<vmem_shared>>) target_semaphore(%run_scoped3A : memref<!tpu.dma_semaphore, #tpu.memory_space<semaphore_mem>>)
      %dma_wait3A = arith.constant 0 : i32
      %dma_wait3A_31 = tpu.memref_slice %arg7[%mul3A_14, %dma_wait3A] : memref<10240x16xf32, #tpu.memory_space<vmem_shared>> -> memref<640x16xf32, #tpu.memory_space<vmem_shared>>
      %dma_wait3A_32 = arith.constant 0 : i32
      %dma_wait3A_33 = tpu.memref_slice %arg7[%mul3A_14, %dma_wait3A_32] : memref<10240x16xf32, #tpu.memory_space<vmem_shared>> -> memref<640x16xf32, #tpu.memory_space<vmem_shared>>
      tpu.wait_dma2 semaphore(%run_scoped3A : memref<!tpu.dma_semaphore, #tpu.memory_space<semaphore_mem>>) src(%arg6 : memref<640x16xf32, #tpu.memory_space<vmem>>) dst(%dma_wait3A_33 : memref<640x16xf32, #tpu.memory_space<vmem_shared>>)
      tpu.yield
    }) : () -> ()
    %barrier3A = arith.constant 0 : index
    tpu.barrier barrier_id(%barrier3A)
    %mul3A_15 = arith.constant 16 : i32
    %mul3A_16 = arith.muli %arg0, %mul3A_15 : i32
    %add3A = arith.addi %mul3A_16, %arg1 : i32
    "tpu.region"() ({
      %run_scoped3A = tpu.sem_alloc : memref<!tpu.dma_semaphore, #tpu.memory_space<semaphore_mem>>
      %dma_start3A = arith.constant 0 : i32
      %dma_start3A_28 = arith.constant 0 : i32
      %dma_start3A_29 = tpu.memref_slice %arg2[%add3A, %dma_start3A, %dma_start3A_28] : memref<32x125x80xi32, #tpu.memory_space<hbm>> -> memref<1x125x80xi32, #tpu.memory_space<hbm>>
      %dma_start3A_30 = tpu.memref_squeeze %dma_start3A_29 : memref<1x125x80xi32, #tpu.memory_space<hbm>> -> memref<125x80xi32, #tpu.memory_space<hbm>>
      %dma_start3A_31 = arith.constant 0 : i32
      %dma_start3A_32 = arith.constant 0 : i32
      %dma_start3A_33 = tpu.memref_slice %arg2[%add3A, %dma_start3A_31, %dma_start3A_32] : memref<32x125x80xi32, #tpu.memory_space<hbm>> -> memref<1x125x80xi32, #tpu.memory_space<hbm>>
      %dma_start3A_34 = tpu.memref_squeeze %dma_start3A_33 : memref<1x125x80xi32, #tpu.memory_space<hbm>> -> memref<125x80xi32, #tpu.memory_space<hbm>>
      tpu.enqueue_dma source(%dma_start3A_34 : memref<125x80xi32, #tpu.memory_space<hbm>>) target(%arg4 : memref<125x80xi32, #tpu.memory_space<vmem>>) target_semaphore(%run_scoped3A : memref<!tpu.dma_semaphore, #tpu.memory_space<semaphore_mem>>)
      %dma_wait3A = arith.constant 0 : i32
      %dma_wait3A_35 = arith.constant 0 : i32
      %dma_wait3A_36 = tpu.memref_slice %arg2[%add3A, %dma_wait3A, %dma_wait3A_35] : memref<32x125x80xi32, #tpu.memory_space<hbm>> -> memref<1x125x80xi32, #tpu.memory_space<hbm>>
      %dma_wait3A_37 = tpu.memref_squeeze %dma_wait3A_36 : memref<1x125x80xi32, #tpu.memory_space<hbm>> -> memref<125x80xi32, #tpu.memory_space<hbm>>
      %dma_wait3A_38 = arith.constant 0 : i32
      %dma_wait3A_39 = arith.constant 0 : i32
      %dma_wait3A_40 = tpu.memref_slice %arg2[%add3A, %dma_wait3A_38, %dma_wait3A_39] : memref<32x125x80xi32, #tpu.memory_space<hbm>> -> memref<1x125x80xi32, #tpu.memory_space<hbm>>
      %dma_wait3A_41 = tpu.memref_squeeze %dma_wait3A_40 : memref<1x125x80xi32, #tpu.memory_space<hbm>> -> memref<125x80xi32, #tpu.memory_space<hbm>>
      tpu.wait_dma2 semaphore(%run_scoped3A : memref<!tpu.dma_semaphore, #tpu.memory_space<semaphore_mem>>) src(%dma_wait3A_41 : memref<125x80xi32, #tpu.memory_space<hbm>>) dst(%arg4 : memref<125x80xi32, #tpu.memory_space<vmem>>)
      tpu.yield
    }) : () -> ()
    %scan3A_17 = arith.constant 0 : i32
    %scan3A_18 = arith.constant 0 : i32
    %scan3A_19 = arith.constant 125 : i32
    %scan3A_20 = arith.addi %scan3A_18, %scan3A_19 : i32
    %scan3A_21 = arith.constant 1 : i32
    scf.for %scan3A_28 = %scan3A_18 to %scan3A_20 step %scan3A_21  : i32 {
      "tpu.region"() ({
        %run_scoped3A = tpu.sem_alloc : memref<!tpu.dma_semaphore, #tpu.memory_space<semaphore_mem>>
        %dma_start3A = arith.constant 0 : i32
        %dma_start3A_29 = tpu.memref_slice %arg4[%scan3A_28, %dma_start3A] : memref<125x80xi32, #tpu.memory_space<vmem>> -> memref<1x80xi32, #tpu.memory_space<vmem>>
        %dma_start3A_30 = tpu.memref_squeeze %dma_start3A_29 : memref<1x80xi32, #tpu.memory_space<vmem>> -> memref<80xi32, #tpu.memory_space<vmem>>
        %dma_start3A_31 = arith.constant 0 : i32
        %dma_start3A_32 = arith.constant 0 : i32
        %dma_start3A_33 = tpu.memref_slice %arg7[%dma_start3A_31, %dma_start3A_32] : memref<10240x16xf32, #tpu.memory_space<vmem_shared>> -> memref<10240x16xf32, #tpu.memory_space<vmem_shared>>
        tpu.enqueue_indirect_dma source(%arg5 : memref<80x16xf32, #tpu.memory_space<vmem>>) target(%dma_start3A_33 : memref<10240x16xf32, #tpu.memory_space<vmem_shared>>) offsets(%dma_start3A_30 : memref<80xi32, #tpu.memory_space<vmem>>) semaphore(%run_scoped3A : memref<!tpu.dma_semaphore, #tpu.memory_space<semaphore_mem>>) {add = true}
        %dma_wait3A = arith.constant 0 : i32
        %dma_wait3A_34 = tpu.memref_slice %arg4[%scan3A_28, %dma_wait3A] : memref<125x80xi32, #tpu.memory_space<vmem>> -> memref<1x80xi32, #tpu.memory_space<vmem>>
        %dma_wait3A_35 = tpu.memref_squeeze %dma_wait3A_34 : memref<1x80xi32, #tpu.memory_space<vmem>> -> memref<80xi32, #tpu.memory_space<vmem>>
        %dma_wait3A_36 = arith.constant 0 : i32
        %dma_wait3A_37 = arith.constant 0 : i32
        %dma_wait3A_38 = tpu.memref_slice %arg7[%dma_wait3A_36, %dma_wait3A_37] : memref<10240x16xf32, #tpu.memory_space<vmem_shared>> -> memref<10240x16xf32, #tpu.memory_space<vmem_shared>>
        tpu.wait_indirect_dma semaphore(%run_scoped3A : memref<!tpu.dma_semaphore, #tpu.memory_space<semaphore_mem>>) src(%arg5 : memref<80x16xf32, #tpu.memory_space<vmem>>) dst(%dma_wait3A_38 : memref<10240x16xf32, #tpu.memory_space<vmem_shared>>)
        tpu.yield
      }) : () -> ()
    }
    %scan3A_22 = arith.constant 125 : i32
    %barrier3A_23 = arith.constant 0 : index
    tpu.barrier barrier_id(%barrier3A_23)
    %mul3A_24 = arith.constant 640 : i32
    %mul3A_25 = arith.muli %arg1, %mul3A_24 : i32
    %mul3A_26 = arith.constant 640 : i32
    %mul3A_27 = arith.muli %arg1, %mul3A_26 : i32
    "tpu.region"() ({
      %run_scoped3A = tpu.sem_alloc : memref<!tpu.dma_semaphore, #tpu.memory_space<semaphore_mem>>
      %dma_start3A = arith.constant 0 : i32
      %dma_start3A_28 = tpu.memref_slice %arg3[%arg0, %mul3A_27, %dma_start3A] : memref<2x10240x16xf32, #tpu.memory_space<hbm>> -> memref<1x640x16xf32, #tpu.memory_space<hbm>>
      %dma_start3A_29 = tpu.memref_squeeze %dma_start3A_28 : memref<1x640x16xf32, #tpu.memory_space<hbm>> -> memref<640x16xf32, #tpu.memory_space<hbm>>
      %dma_start3A_30 = arith.constant 0 : i32
      %dma_start3A_31 = tpu.memref_slice %arg7[%mul3A_25, %dma_start3A_30] : memref<10240x16xf32, #tpu.memory_space<vmem_shared>> -> memref<640x16xf32, #tpu.memory_space<vmem_shared>>
      tpu.enqueue_dma source(%dma_start3A_31 : memref<640x16xf32, #tpu.memory_space<vmem_shared>>) target(%dma_start3A_29 : memref<640x16xf32, #tpu.memory_space<hbm>>) target_semaphore(%run_scoped3A : memref<!tpu.dma_semaphore, #tpu.memory_space<semaphore_mem>>)
      %dma_wait3A = arith.constant 0 : i32
      %dma_wait3A_32 = tpu.memref_slice %arg3[%arg0, %mul3A_27, %dma_wait3A] : memref<2x10240x16xf32, #tpu.memory_space<hbm>> -> memref<1x640x16xf32, #tpu.memory_space<hbm>>
      %dma_wait3A_33 = tpu.memref_squeeze %dma_wait3A_32 : memref<1x640x16xf32, #tpu.memory_space<hbm>> -> memref<640x16xf32, #tpu.memory_space<hbm>>
      %dma_wait3A_34 = arith.constant 0 : i32
      %dma_wait3A_35 = tpu.memref_slice %arg7[%mul3A_25, %dma_wait3A_34] : memref<10240x16xf32, #tpu.memory_space<vmem_shared>> -> memref<640x16xf32, #tpu.memory_space<vmem_shared>>
      tpu.wait_dma2 semaphore(%run_scoped3A : memref<!tpu.dma_semaphore, #tpu.memory_space<semaphore_mem>>) src(%dma_wait3A_35 : memref<640x16xf32, #tpu.memory_space<vmem_shared>>) dst(%dma_wait3A_33 : memref<640x16xf32, #tpu.memory_space<hbm>>)
      tpu.yield
    }) : () -> ()
    return
  }
}

module attributes {stable_mosaic.version = 14 : i64} {
  func.func @_out_body(%arg0: i32, %arg1: memref<1000x128xf32, #tpu.memory_space<vmem>>, %arg2: memref<2x1000x64xf32, #tpu.memory_space<vmem>>, %arg3: memref<2x1000x64xf32, #tpu.memory_space<vmem>>, %arg4: memref<2x1000x16xf32, #tpu.memory_space<vmem>>, %arg5: memref<128x128xf32, #tpu.memory_space<vmem>>, %arg6: memref<1x128xf32, #tpu.memory_space<vmem>>, %arg7: memref<1000x128xf32, #tpu.memory_space<vmem>>) attributes {dimension_semantics = [#tpu.dimension_semantics<arbitrary>], iteration_bounds = array<i64: 10>, scalar_prefetch = 0 : i64, scratch_operands = 0 : i64, tpu.core_type = #tpu.core_type<tc>, window_params = [{transform_indices = @transform_0, window_bounds = array<i64: 1000, 128>}, {transform_indices = @transform_1, window_bounds = array<i64: 2, 1000, 64>}, {transform_indices = @transform_2, window_bounds = array<i64: 2, 1000, 64>}, {transform_indices = @transform_3, window_bounds = array<i64: 2, 1000, 16>}, {pipeline_mode = #tpu.pipeline_mode<synchronous>, transform_indices = @transform_4, window_bounds = array<i64: 128, 128>}, {pipeline_mode = #tpu.pipeline_mode<synchronous>, transform_indices = @transform_5, window_bounds = array<i64: 1, 128>}, {transform_indices = @transform_6, window_bounds = array<i64: 1000, 128>}]} {
    %get3A = arith.constant 0 : index
    %get3A_0 = arith.constant 0 : index
    %get3A_1 = arith.constant 0 : index
    %get3A_2 = vector.load %arg4[%get3A, %get3A_0, %get3A_1] : memref<2x1000x16xf32, #tpu.memory_space<vmem>>, vector<1x1000x1xf32>
    %get3A_3 = vector.shape_cast %get3A_2 : vector<1x1000x1xf32> to vector<1000x1xf32>
    %get3A_4 = arith.constant 1 : index
    %get3A_5 = arith.constant 0 : index
    %get3A_6 = arith.constant 0 : index
    %get3A_7 = vector.load %arg4[%get3A_4, %get3A_5, %get3A_6] : memref<2x1000x16xf32, #tpu.memory_space<vmem>>, vector<1x1000x1xf32>
    %get3A_8 = vector.shape_cast %get3A_7 : vector<1x1000x1xf32> to vector<1000x1xf32>
    %add3A = arith.addf %get3A_3, %get3A_8 : vector<1000x1xf32>
    %gt3A = arith.constant 0.000000e+00 : f32
    %gt3A_9 = vector.broadcast %gt3A : f32 to vector<1000x1xf32>
    %gt3A_10 = arith.cmpf ogt, %add3A, %gt3A_9 : vector<1000x1xf32>
    %max3A = arith.constant 1.000000e+00 : f32
    %max3A_11 = vector.broadcast %max3A : f32 to vector<1000x1xf32>
    %max3A_12 = arith.maximumf %add3A, %max3A_11 : vector<1000x1xf32>
    %rsqrt3A = math.rsqrt %max3A_12 : vector<1000x1xf32>
    %jit3A = arith.constant 1.000000e+00 : f32
    %broadcast_in_dim3A = vector.broadcast %jit3A : f32 to vector<1000x1xf32>
    %select_n3A = arith.select %gt3A_10, %rsqrt3A, %broadcast_in_dim3A : vector<1000x1xi1>, vector<1000x1xf32>
    %get3A_13 = arith.constant 0 : index
    %get3A_14 = arith.constant 0 : index
    %get3A_15 = arith.constant 0 : index
    %get3A_16 = vector.load %arg2[%get3A_13, %get3A_14, %get3A_15] : memref<2x1000x64xf32, #tpu.memory_space<vmem>>, vector<1x1000x64xf32>
    %get3A_17 = vector.shape_cast %get3A_16 : vector<1x1000x64xf32> to vector<1000x64xf32>
    %get3A_18 = arith.constant 1 : index
    %get3A_19 = arith.constant 0 : index
    %get3A_20 = arith.constant 0 : index
    %get3A_21 = vector.load %arg2[%get3A_18, %get3A_19, %get3A_20] : memref<2x1000x64xf32, #tpu.memory_space<vmem>>, vector<1x1000x64xf32>
    %get3A_22 = vector.shape_cast %get3A_21 : vector<1x1000x64xf32> to vector<1000x64xf32>
    %add3A_23 = arith.addf %get3A_17, %get3A_22 : vector<1000x64xf32>
    %get3A_24 = arith.constant 0 : index
    %get3A_25 = arith.constant 0 : index
    %get3A_26 = arith.constant 0 : index
    %get3A_27 = vector.load %arg3[%get3A_24, %get3A_25, %get3A_26] : memref<2x1000x64xf32, #tpu.memory_space<vmem>>, vector<1x1000x64xf32>
    %get3A_28 = vector.shape_cast %get3A_27 : vector<1x1000x64xf32> to vector<1000x64xf32>
    %get3A_29 = arith.constant 1 : index
    %get3A_30 = arith.constant 0 : index
    %get3A_31 = arith.constant 0 : index
    %get3A_32 = vector.load %arg3[%get3A_29, %get3A_30, %get3A_31] : memref<2x1000x64xf32, #tpu.memory_space<vmem>>, vector<1x1000x64xf32>
    %get3A_33 = vector.shape_cast %get3A_32 : vector<1x1000x64xf32> to vector<1000x64xf32>
    %add3A_34 = arith.addf %get3A_28, %get3A_33 : vector<1000x64xf32>
    %concatenate3A = tpu.concatenate %add3A_23, %add3A_34 in 1 : vector<1000x64xf32>, vector<1000x64xf32> -> vector<1000x128xf32>
    %get3A_35 = arith.constant 0 : index
    %get3A_36 = arith.constant 0 : index
    %get3A_37 = vector.load %arg1[%get3A_35, %get3A_36] : memref<1000x128xf32, #tpu.memory_space<vmem>>, vector<1000x128xf32>
    %add3A_38 = arith.addf %get3A_37, %concatenate3A : vector<1000x128xf32>
    %mul3A = vector.broadcast %select_n3A : vector<1000x1xf32> to vector<1000x128xf32>
    %mul3A_39 = arith.mulf %mul3A, %add3A_38 : vector<1000x128xf32>
    %get3A_40 = arith.constant 0 : index
    %get3A_41 = arith.constant 0 : index
    %get3A_42 = vector.load %arg5[%get3A_40, %get3A_41] : memref<128x128xf32, #tpu.memory_space<vmem>>, vector<128x128xf32>
    %dot_general3A = arith.constant dense<0.000000e+00> : vector<1000x128xf32>
    %dot_general3A_43 = tpu.matmul %mul3A_39, %get3A_42, %dot_general3A {dimension_numbers = #tpu.dot_dimension_numbers<[1], [0], [0], [1], [0, 0, 1, 1], [], []>, transpose_lhs_hint = false} : vector<1000x128xf32>, vector<128x128xf32>, vector<1000x128xf32> -> vector<1000x128xf32>
    %get3A_44 = arith.constant 0 : index
    %get3A_45 = arith.constant 0 : index
    %get3A_46 = vector.load %arg6[%get3A_44, %get3A_45] : memref<1x128xf32, #tpu.memory_space<vmem>>, vector<1x128xf32>
    %add3A_47 = vector.broadcast %get3A_46 : vector<1x128xf32> to vector<1000x128xf32>
    %add3A_48 = arith.addf %dot_general3A_43, %add3A_47 : vector<1000x128xf32>
    %max3A_49 = arith.constant 0.000000e+00 : f32
    %max3A_50 = vector.broadcast %max3A_49 : f32 to vector<1000x128xf32>
    %max3A_51 = arith.maximumf %add3A_48, %max3A_50 : vector<1000x128xf32>
    %swap3A = arith.constant 0 : index
    %swap3A_52 = arith.constant 0 : index
    %swap3A_53 = vector.load %arg7[%swap3A, %swap3A_52] : memref<1000x128xf32, #tpu.memory_space<vmem>>, vector<1000x128xf32>
    tpu.vector_store %arg7[%swap3A, %swap3A_52], %max3A_51 {strides = array<i32>} : memref<1000x128xf32, #tpu.memory_space<vmem>>, vector<1000x128xf32>,
    return
  }
  func.func @transform_0(%arg0: i32) -> (i32, i32) {
    %c0_i32 = arith.constant 0 : i32
    %c0_i32_0 = arith.constant 0 : i32
    return %arg0, %c0_i32 : i32, i32
  }
  func.func @transform_1(%arg0: i32) -> (i32, i32, i32) {
    %c0_i32 = arith.constant 0 : i32
    %c0_i32_0 = arith.constant 0 : i32
    %c0_i32_1 = arith.constant 0 : i32
    return %c0_i32, %arg0, %c0_i32_0 : i32, i32, i32
  }
  func.func @transform_2(%arg0: i32) -> (i32, i32, i32) {
    %c0_i32 = arith.constant 0 : i32
    %c0_i32_0 = arith.constant 0 : i32
    %c0_i32_1 = arith.constant 0 : i32
    return %c0_i32, %arg0, %c0_i32_0 : i32, i32, i32
  }
  func.func @transform_3(%arg0: i32) -> (i32, i32, i32) {
    %c0_i32 = arith.constant 0 : i32
    %c0_i32_0 = arith.constant 0 : i32
    %c0_i32_1 = arith.constant 0 : i32
    return %c0_i32, %arg0, %c0_i32_0 : i32, i32, i32
  }
  func.func @transform_4(%arg0: i32) -> (i32, i32) {
    %c0_i32 = arith.constant 0 : i32
    %c0_i32_0 = arith.constant 0 : i32
    %c0_i32_1 = arith.constant 0 : i32
    return %c0_i32, %c0_i32_0 : i32, i32
  }
  func.func @transform_5(%arg0: i32) -> (i32, i32) {
    %c0_i32 = arith.constant 0 : i32
    %c0_i32_0 = arith.constant 0 : i32
    %c0_i32_1 = arith.constant 0 : i32
    return %c0_i32, %c0_i32_0 : i32, i32
  }
  func.func @transform_6(%arg0: i32) -> (i32, i32) {
    %c0_i32 = arith.constant 0 : i32
    %c0_i32_0 = arith.constant 0 : i32
    return %arg0, %c0_i32 : i32, i32
  }
}

</mosaic_0001>

<sc_bundles>
// kernel: kernel.5.cloned.1.call-start
scs
__scs_entry_jumppad:
0x0: {  	(pc) =	sbr.rel $0x88, $3  }
0x1: {  	(tag) =	ssettag $0x0;
	lr =	simm.s32 $0x1  }
0x2: {  	[smem:$0x3F9C] =	sst lr;
	_ =	strace $0xD0000000  }
0x3: {  	_ = 	snop  }
0x4: {  	_ = 	snop  }
0x5: {  	_ = 	snop  }
0x6: {  	_ = 	snop  }
0x7: {  	_ = 	snop  }
__scs_overlays_trampoline_lowered:
0x8: {  	[smem:$0x3FAB] =	sst s0  }
0x9: {  	[smem:$0x3FAC] =	sst s1  }
0xa: {  	[smem:$0x3FAD] =	sst s2  }
0xb: {  	[smem:$0x3FAE] =	sst s3  }
0xc: {  	[smem:$0x3FAF] =	sst s4  }
0xd: {  	[smem:$0x3FB0] =	sst s5  }
0xe: {  	[smem:$0x3FB1] =	sst s6  }
0xf: {  	[smem:$0x3FB2] =	sst s7  }
0x10: {  	[smem:$0x3FB3] =	sst s8  }
0x11: {  	[smem:$0x3FB4] =	sst s9;
	s0 =	simm.s32 @!p0 $0x0  }
0x12: {  	s1 =	sld [smem:$0x3F9A];
	s0 =	simm.s32 @p0 $0x1  }
0x13: {  	[smem:$0x3FB5] =	sst s0;
	s0 =	simm.s32 @!p1 $0x0  }
0x14: {  	s2 =	sld [smem:$0x3F99];
	s0 =	simm.s32 @p1 $0x1  }
0x15: {  	[smem:$0x3FB6] =	sst s0;
	s0 =	simm.s32 @!p2 $0x0  }
0x16: {  	s3 =	sld [smem:$0x3FDB];
	s0 =	simm.s32 @p2 $0x1  }
0x17: {  	s4 =	simm.s32 $0x1BF5;
	[smem:$0x3FB8] =	sst s0  }
0x18: {  	s0 =	sld [smem:$0x3F9B];
	_ =	swait.ge [sflag:s4], $0x0  }
0x19: {  	s7 =	sld [smem:$0x3F9C]  }
0x1a: {  	s8 =	sadd.s32 $0xFFFFE003, lr  }
0x1b: {  	s9 =	sadd.s32 $0xFFFFFEF7, lr;
	s5 =	simm.s32 $0xFFFFFFFF;
	p2 =	slt.u32 s8, $0xFFFFF086  }
0x1c: {  	p1 =	slt.u32 s9, $0xF7A;
	s5 =	simm.s32 @!p2 $0x0  }
0x1d: {  	s5 =	simm.s32 @p1 $0x1;
	p0 =	seq.s32 s7, s2  }
0x1e: {  	s7 =	smul.u32 @!p0 $0xF7A, s2;
	p2 =	seq.s32 @!p0 s5, $0x0  }
0x1f: {  	s9 =	smul.u32 $0xF7A, s1;
	s8 =	simm.s32 @!p0 $0x1BF5;
	p2 =	por !p2, p0  }
0x20: {  	[sflag:s8] =	ssyncset.s32 @!p0 $0xFFFFF086;
	s6 =	sadd.s32 @!p0 s3, s7;
	s7 =	simm.s32 @!p0 $0x108  }
0x21: {  	s3 =	sadd.s32 s3, s9;
	s6 =	sadd.s32 @!p0 $0x88, s6;
	s7 =	simm.s32 @p2 $0x1082  }
0x22: {  	[simem:s7], [sflag:s8] =	dma.local @!p0 [hbm:s6], $0xF7A  }
0x23: {  	s9 =	sor.u32 $0xD0000000, s2;
	s6 =	simm.s32 $0x108;
	_ =	swait.ge @!p0 [sflag:s8], $0x0  }
0x24: {  	s3 =	sadd.s32 $0x88, s3;
	s6 =	simm.s32 @!p1 $0x1082;
	[sflag:s4] =	ssyncset.s32 $0xFFFFF086  }
0x25: {  	[simem:s6], [sflag:s4] =	dma.local [hbm:s3], $0xF7A  }
0x26: {  	[smem:$0x3F9C] =	sst s1;
	(tag) =	ssettag s2;
	_ =	strace s9  }
0x27: {  	s1 =	sld [smem:$0x3FAC]  }
0x28: {  	s2 =	sld [smem:$0x3FAD]  }
0x29: {  	s4 =	sld [smem:$0x3FAF]  }
0x2a: {  	p0 =	seq.s32 s5, $0x0;
	s5 =	sld [smem:$0x3FB0]  }
0x2b: {  	s6 =	sld [smem:$0x3FB1]  }
0x2c: {  	s7 =	sld [smem:$0x3FB2]  }
0x2d: {  	s3 =	simm.s32 $0x108;
	s8 =	sld [smem:$0x3FB3]  }
0x2e: {  	s3 =	simm.s32 @!p0 $0x1082;
	s9 =	sld [smem:$0x3FB4]  }
0x2f: {  	lr =	sadd.s32 s0, s3;
	s0 =	sld [smem:$0x3FAB]  }
0x30: {  	s3 =	sld [smem:$0x3FAE]  }
0x31: {  	[smem:$0x3FB7] =	sst s10  }
0x32: {  	s10 =	sld [smem:$0x3FB5];
	_ =	sdelay $0x3  }
0x33: {  	p0 =	seq.s32 s10, $0x1;
	s10 =	sld [smem:$0x3FB7];
	_ =	sdelay $0x3  }
0x34: {  	[smem:$0x3FB7] =	sst s10  }
0x35: {  	s10 =	sld [smem:$0x3FB6];
	_ =	sdelay $0x3  }
0x36: {  	p1 =	seq.s32 s10, $0x1;
	s10 =	sld [smem:$0x3FB7];
	_ =	sdelay $0x3  }
0x37: {  	[smem:$0x3FB7] =	sst s10  }
0x38: {  	s10 =	sld [smem:$0x3FB8]  }
0x39: {  	_ = 	snop;
	(pc) =	sbr.ind lr, $3  }
0x3a: {  	_ = 	snop  }
0x3b: {  	_ = 	snop  }
0x3c: {  	p2 =	seq.s32 s10, $0x1;
	s10 =	sld [smem:$0x3FB7]  }
0x3d: {  	_ =	shalt  }
0x3e: {  	_ =	shalt  }
0x3f: {  	_ =	shalt  }
0x40: {  	_ =	shalt  }
0x41: {  	_ =	shalt  }
0x42: {  	_ =	shalt  }
0x43: {  	_ =	shalt  }
0x44: {  	_ =	shalt  }
0x45: {  	_ =	shalt  }
0x46: {  	_ =	shalt  }
0x47: {  	_ =	shalt  }
0x48: {  	_ =	shalt  }
0x49: {  	_ =	shalt  }
0x4a: {  	_ =	shalt  }
0x4b: {  	_ =	shalt  }
0x4c: {  	_ =	shalt  }
0x4d: {  	_ =	shalt  }
0x4e: {  	_ =	shalt  }
0x4f: {  	_ =	shalt  }
0x50: {  	_ =	shalt  }
0x51: {  	_ =	shalt  }
0x52: {  	_ =	shalt  }
0x53: {  	_ =	shalt  }
0x54: {  	_ =	shalt  }
0x55: {  	_ =	shalt  }
0x56: {  	_ =	shalt  }
0x57: {  	_ =	shalt  }
0x58: {  	_ =	shalt  }
0x59: {  	_ =	shalt  }
0x5a: {  	_ =	shalt  }
0x5b: {  	_ =	shalt  }
0x5c: {  	_ =	shalt  }
0x5d: {  	_ =	shalt  }
0x5e: {  	_ =	shalt  }
0x5f: {  	_ =	shalt  }
0x60: {  	_ =	shalt  }
0x61: {  	_ =	shalt  }
0x62: {  	_ =	shalt  }
0x63: {  	_ =	shalt  }
0x64: {  	_ =	shalt  }
0x65: {  	_ =	shalt  }
0x66: {  	_ =	shalt  }
0x67: {  	_ =	shalt  }
0x68: {  	_ =	shalt  }
0x69: {  	_ =	shalt  }
0x6a: {  	_ =	shalt  }
0x6b: {  	_ =	shalt  }
0x6c: {  	_ =	shalt  }
0x6d: {  	_ =	shalt  }
0x6e: {  	_ =	shalt  }
0x6f: {  	_ =	shalt  }
0x70: {  	_ =	shalt  }
0x71: {  	_ =	shalt  }
0x72: {  	_ =	shalt  }
0x73: {  	_ =	shalt  }
0x74: {  	_ =	shalt  }
0x75: {  	_ =	shalt  }
0x76: {  	_ =	shalt  }
0x77: {  	_ =	shalt  }
0x78: {  	_ =	shalt  }
0x79: {  	_ =	shalt  }
0x7a: {  	_ =	shalt  }
0x7b: {  	_ =	shalt  }
0x7c: {  	_ =	shalt  }
0x7d: {  	_ =	shalt  }
0x7e: {  	_ =	shalt  }
0x7f: {  	_ =	shalt  }
0x80: {  	_ =	shalt  }
0x81: {  	_ =	shalt  }
0x82: {  	_ =	shalt  }
0x83: {  	_ =	shalt  }
0x84: {  	_ =	shalt  }
0x85: {  	_ =	shalt  }
0x86: {  	_ =	shalt  }
0x87: {  	_ =	shalt  }
.Lfunc_end0:
.L_simem_size_0:
called_computation_lowered:
.L_overlay_start_0:
0x88: {  	s2 =	sld [smem:$0x3FD9]  }
0x89: {  	s3 =	sld [smem:$0x3FFE];
	_ =	sdelay $0x1  }
0x8a: {  	s1 =	srdreg.scid  }
0x8b: {  	s0 =	sand.u32 $0x1, s1  }
0x8c: {  	s17 =	sshll.u32 s0, $0xA;
	s2 =	sadd.s32 s3, s2  }
0x8d: {  	s2 =	sadd.s32 s2, s17  }
0x8e: {  	[smem:$0x3FC3] =	sst s2  }
0x8f: {  	_ = 	snop  }
0x90: {  	s2 =	sld [smem:$0x3FC7];
	(tm) =	ssettm $0x1  }
0x91: {  	s18 =	sld [smem:$0x3FFB];
	_ =	sdelay $0x3  }
0x92: {  	_ =	strace s18  }
0x93: {  	s3 =	sld [smem:$0x3FFC];
	_ =	sdelay $0x3  }
0x94: {  	_ =	strace s3  }
0x95: {  	s3 =	sld [smem:$0x3FFD];
	_ =	sdelay $0x3  }
0x96: {  	_ =	strace s3  }
0x97: {  	_ =	strace $0x8FFFFFFF  }
0x98: {  	s19 =	sld [smem:$0x3FDB];
	_ =	sdelay $0x1  }
0x99: {  	s4 =	simm.s32 $_scs_section_size  }
0x9a: {  	s5 =	simm.s32 $_size__tile_overlayer_lowered;
	s6 =	simm.s32 $_tile_overlayer_lowered  }
0x9b: {  	s22 =	simm.s32 $0x1BFF;
	s21 =	sshll.u32 s6, $0x1;
	s3 =	sadd.s32 s4, s19  }
0x9c: {  	s7 =	simm.s32 $0x0;
	s20 =	sshll.u32 s5, $0x1;
	s5 =	sadd.s32 s21, s3  }
0x9d: {  	[timem:s7], [sflag:s22] =	dma.local [hbm:s5], s20  }
0x9e: {  	_ =	swait.ge [sflag:s22], s20  }
0x9f: {  	s4 =	ssub.s32 $0x0, s20;
	[sflag:s22] =	ssyncset.done $0x0  }
0xa0: {  	[sflag:s22] =	ssyncadd.s32 s4;
	_ =	sdelay $0x1  }
0xa1: {  	s23 =	simm.s32 $0x1B8B  }
0xa2: {  	_ =	swait.ge [sflag:s23], $0x1  }
0xa3: {  	[sflag:s23] =	ssyncset.done $0x0  }
0xa4: {  	s25 =	simm.s32 $0x1B8E;
	s24 =	sld [smem:$0x3FFE];
	[sflag:s23] =	ssyncadd.s32 $0xFFFFFFFF  }
0xa5: {  	s26 =	simm.s32 $execute0_lowered;
	[smem:$0x3FD2] =	sst s25  }
0xa6: {  	s5 =	sshll.u32 s26, $0x1;
	_ =	strace $0x80000046;
	[dreg:$0x1] =	wrdreg $0xFFFFFFFF  }
0xa7: {  	s28 =	simm.s32 $_size_execute0_lowered;
	s3 =	sadd.s32 s3, s5;
	[dreg:$0x0] =	wrdreg $0x0  }
0xa8: {  	s5 =	sshll.u32 s28, $0x1;
	[dreg:$0x2] =	wrdreg s3  }
0xa9: {  	[dreg:$0x3] =	wrdreg s5  }
0xaa: {  	[dreg:$0x4] =	wrdreg $0xC0  }
0xab: {  	_ =	task [dreg:s7], $0x5FFFF  }
0xac: {  	[dreg:$0x1] =	wrdreg $0xFFFFFFFF  }
0xad: {  	[dreg:$0x0] =	wrdreg $0x60  }
0xae: {  	[dreg:$0x2] =	wrdreg s2  }
0xaf: {  	[dreg:$0x3] =	wrdreg s24  }
0xb0: {  	[dreg:$0x4] =	wrdreg $0x54100  }
0xb1: {  	[dreg:$0x5] =	wrdreg $0x9  }
0xb2: {  	_ =	task.clear_ibuf [dreg:s7], $0x6FFFF;
	_ =	strace $0x90000046  }
0xb3: {  	s29 =	simm.s32 $0x9;
	_ =	strace $0x80000048  }
0xb4: {  	_ =	swait.ge [sflag:s29], $0x1  }
0xb5: {  	[sflag:s29] =	ssyncadd.s32 $0xFFFFFFFF  }
0xb6: {  	_ =	strace $0x90000048  }
0xb7: {  	_ =	sfence  }
0xb8: {  	s30 =	sld [smem:$0x0];
	_ =	sdelay $0x2  }
0xb9: {  	s31 =	sshll.u32 s1, $0xD;
	s1 =	sshrl.u32 s1, $0x2  }
0xba: {  	s3 =	sand.u32 $0x4000, s31;
	s1 =	sadd.s32 s1, s30  }
0xbb: {  	s0 =	sor.u32 s3, s0;
	s1 =	sshll.u32 s1, $0x11  }
0xbc: {  	s0 =	sor.u32 s1, s0  }
0xbd: {  	s0 =	sadd.s32 $0x8F2B, s0  }
0xbe: {  	[sflag:s0] =	ssyncadd.remote.s32 $0x1  }
0xbf: {  	_ =	sfence.sel $0xFFFF  }
0xc0: {  	[dreg:$0x0] =	wrdreg $0xFFFFFFFF;
	(pc) =	sbr.abs _section_cstart, $3  }
0xc1: {  	[dreg:$0x1] =	wrdreg $0xFFFFFFFF  }
0xc2: {  	_ =	task.clear_ibuf [dreg:s7], $0x2FFFF;
	_ =	strace $0x9FFFFFFF  }
0xc3: {  	(tm) =	ssettm $0x7FFFFFFF  }
tec
execute0_lowered:
.L_overlay_start_1:
0x0: {  	(tag) =	ssettag $0x1  }
0x1: {  	s5 =	rddreg [dreg:$0x0]  }
0x2: {  	s1 =	srdreg.scid;
	s4 =	rddreg [dreg:$0x1]  }
0x3: {  	s0 =	stileid.u32;
	s2 =	rddreg [dreg:$0x2]  }
0x4: {  	s3 =	simm.s32 $0x0;
	s6 =	sand.u32 $0x1, s1;
	s1 =	rddreg [dreg:$0x3]  }
0x5: {  	s11 =	simm.s32 $0x2710;
	s7 =	smul.u32 $0x2800, s0;
	[smem:$0x7FF] =	sst s3  }
0x6: {  	s12 =	sshll.u32 s0, $0x6;
	s8 =	smul.u32 $0x28000, s6;
	s9 =	sshll.u32 s6, $0x4  }
0x7: {  	s6 =	ssub.s32 $0x2, s6;
	_ =	strace $0x80000047;
	s9 =	sor.u32 s0, s9  }
0x8: {  	s31 =	sshrl.u32 s6, $0x1;
	s8 =	sadd.s32 s7, s8;
	s9 =	smul.u32 $0x4E2, s9  }
0x9: {  	s12 =	sor.u32 $0x1C01, s12;
	s10 =	ssub.s32 s6, s31;
	s8 =	sshrl.u32 s8, $0x3  }
0xa: {  	s8 =	sadd.s32 s8, s4;
	s4 =	sadd.s32 s7, s2;
	s5 =	sadd.s32 s5, s9  }
0xb: {  	s7 =	smax.u32 s10, $0x1;
	s9 =	simm.s32 $0x1;
	s10 =	simm.s32 $0x50  }
0xc: {  	v0 =	vimm.f32 $1.000000000e+00;
	v1 =	vimm.f32 $0.0e+00;
	s6 =	sadd.s32 $0x1C00, s8;
	s8 =	simm.s32 $0x2C10;
	s13 =	sshrl.u32 s4, $0x3  }
.LBB2_1:
0xd: {  	s14 =	simm.s32 $0x0  }
.LBB2_2:
0xe: {  	p0 =	sne.s32 s14, $0x13C0  }
.Ltmp0:
0xf: {  	_ = 	snop;
	(pc) =	sbr.rel @p0 .LBB2_2-.Ltmp0, $3  }
0x10: {  	_ =	sdelay $0x1  }
0x11: {  	s15 =	sshra.s32 s14, $0x2  }
0x12: {  	s14 =	sadd.s32 $0x40, s14;
	[tilespmem:s15+$0x2710] =	vst v0  }
0x13: {  	s14 =	simm.s32 $0x40;
	s15 =	simm.s32 $0x0  }
.LBB2_4:
0x14: {  	p0 =	sne.s32 s14, $0x9FC0;
	[tilespmem:s15+$0x2C10] =	vst v1;
	s15 =	smov.u32 s14;
	s14 =	sadd.s32 $0x40, s14  }
.Ltmp1:
0x15: {  	(pc) =	sbr.rel @p0 .LBB2_4-.Ltmp1, $2  }
0x16: {  	_ =	sdelay $0x2  }
0x17: {  	s15 =	sshra.s32 s15, $0x2  }
0x18: {  	[tilespmem:s15+$0x2C10] =	vst v1  }
0x19: {  	[spmem:s4] =	stream.linear.scatter [tilespmem:s8], [sflag:$0x1], $0x2800, $0x38;
	[tilespmem:$0x7C10] =	vst v63  }
0x1a: {  	_ =	swait.ge [sflag:s9], $0x2800  }
0x1b: {  	[sflag:s9] =	ssyncset.done $0x0  }
0x1c: {  	[sflag:s9] =	ssyncadd.s32 $0xFFFFD800  }
0x1d: {  	s14 =	simm.s32 $0x0;
	[bflag:$0x0] =	sbarrier.arrive $0xFFFF  }
0x1e: {  	[tilespmem:s14], [sflag:$0x1] =	stream.linear.gather [hbm4b:s5+s14], $0x2710, $0x38;
	[tilespmem:$0x7C10] =	vst v63  }
0x1f: {  	_ =	swait.ge [sflag:s9], $0x2710  }
0x20: {  	[sflag:s9] =	ssyncset.done $0x0  }
0x21: {  	s31 =	simm.s32 $0x0;
	[sflag:s9] =	ssyncadd.s32 $0xFFFFD8F0  }
0x22: {  	[spmem:s2] =	stream.indirect.scatter.add.f32 [tilespmem:s11], [sflag:$0x1], $0x10, s31, s10, $0xb8;
	[tilespmem:$0x7C10] =	vst v63  }
0x23: {  	_ =	swait.ge [sflag:s9], $0x500  }
0x24: {  	s14 =	simm.s32 $0x140;
	[sflag:s9] =	ssyncset.done $0x0  }
.LBB2_6:
0x25: {  	s15 =	sshra.s32 s14, $0x2;
	[sflag:s9] =	ssyncadd.s32 $0xFFFFFB00;
	p0 =	sne.s32 s14, $0x9B00  }
0x26: {  	[spmem:s2] =	stream.indirect.scatter.add.f32 [tilespmem:s11], [sflag:$0x1], $0x10, s15, s10, $0xb8;
	[tilespmem:$0x7C10] =	vst v63  }
.Ltmp2:
0x27: {  	_ = 	snop;
	(pc) =	sbr.rel @p0 .LBB2_6-.Ltmp2, $4  }
0x28: {  	_ = 	snop  }
0x29: {  	s14 =	sadd.s32 $0x140, s14  }
0x2a: {  	_ =	swait.ge [sflag:s9], $0x500  }
0x2b: {  	[sflag:s9] =	ssyncset.done $0x0  }
0x2c: {  	s3 =	sadd.s32 $0x1, s3  }
0x2d: {  	[sflag:s9] =	ssyncadd.s32 $0xFFFFFB00;
	p0 =	sne.s32 s3, s7  }
.Ltmp3:
0x2e: {  	[bflag:$0x0] =	sbarrier.arrive $0xFFFF;
	(pc) =	sbr.rel @p0 .LBB2_1-.Ltmp3, $4  }
0x2f: {  	[hbm:s6], [sflag:s12] =	dma.local [spmem:s13], $0x500  }
0x30: {  	_ =	swait.ge [sflag:s9], $0x500  }
0x31: {  	[sflag:s9] =	ssyncset.done $0x0  }
0x32: {  	[sflag:s9] =	ssyncadd.s32 $0xFFFFFB00  }
0x33: {  	_ =	sfence.sel $0x180000  }
0x34: {  	[bflag:$0x0] =	sbarrier.arrive $0xFFFF  }
0x35: {  	p0 =	sne.s32 s0, $0x0;
	_ =	strace $0x90000047  }
0x36: {  	s0 =	sadd.s32 @!p0 $0x100000, s1;
	[bflag:$0x2] =	sbarrier.arrive $0xFFFF  }
0x37: {  	[sflag:s0] =	ssyncadd.tile.s32 @!p0 $0x1;
	_ =	shalt  }
.Lfunc_end2:
_tile_overlayer_lowered:
.L_overlay_start_2:
0x38: {  	(tag) =	ssettag $0x2  }
0x39: {  	s0 =	rddreg [dreg:$0x0];
	s2 =	stileid.u32  }
0x3a: {  	s1 =	rddreg [dreg:$0x1];
	p0 =	sne.s32 s2, $0x0  }
0x3b: {  	s3 =	rddreg [dreg:$0x2];
	[bflag:$0x3] =	sbarrier.arrive $0xFFFF;
	s2 =	simm.s32 @!p0 $0x1C01  }
0x3c: {  	[timem:s3], [sflag:s2] =	dma.local @!p0 [hbm:s0], s1  }
0x3d: {  	s0 =	simm.s32 @!p0 $0x1  }
0x3e: {  	_ =	swait.ge @!p0 [sflag:s0], s1  }
0x3f: {  	s1 =	ssub.s32 @!p0 $0x0, s1;
	[sflag:s0] =	ssyncset.done @!p0 $0x0  }
0x40: {  	[sflag:s0] =	ssyncadd.s32 @!p0 s1  }
0x41: {  	[bflag:$0x3] =	sbarrier.arrive $0xFFFF  }
0x42: {  	_ =	shalt  }

// kernel: kernel.8.cloned.1.call-start
scs
__scs_entry_jumppad:
0x0: {  	(pc) =	sbr.rel $0x88, $3  }
0x1: {  	(tag) =	ssettag $0x0;
	lr =	simm.s32 $0x1  }
0x2: {  	[smem:$0x3F9C] =	sst lr;
	_ =	strace $0xD0000000  }
0x3: {  	_ = 	snop  }
0x4: {  	_ = 	snop  }
0x5: {  	_ = 	snop  }
0x6: {  	_ = 	snop  }
0x7: {  	_ = 	snop  }
__scs_overlays_trampoline_lowered:
0x8: {  	[smem:$0x3FAB] =	sst s0  }
0x9: {  	[smem:$0x3FAC] =	sst s1  }
0xa: {  	[smem:$0x3FAD] =	sst s2  }
0xb: {  	[smem:$0x3FAE] =	sst s3  }
0xc: {  	[smem:$0x3FAF] =	sst s4  }
0xd: {  	[smem:$0x3FB0] =	sst s5  }
0xe: {  	[smem:$0x3FB1] =	sst s6  }
0xf: {  	[smem:$0x3FB2] =	sst s7  }
0x10: {  	[smem:$0x3FB3] =	sst s8  }
0x11: {  	[smem:$0x3FB4] =	sst s9;
	s0 =	simm.s32 @!p0 $0x0  }
0x12: {  	s1 =	sld [smem:$0x3F9A];
	s0 =	simm.s32 @p0 $0x1  }
0x13: {  	[smem:$0x3FB5] =	sst s0;
	s0 =	simm.s32 @!p1 $0x0  }
0x14: {  	s2 =	sld [smem:$0x3F99];
	s0 =	simm.s32 @p1 $0x1  }
0x15: {  	[smem:$0x3FB6] =	sst s0;
	s0 =	simm.s32 @!p2 $0x0  }
0x16: {  	s3 =	sld [smem:$0x3FDB];
	s0 =	simm.s32 @p2 $0x1  }
0x17: {  	s4 =	simm.s32 $0x1BF5;
	[smem:$0x3FB8] =	sst s0  }
0x18: {  	s0 =	sld [smem:$0x3F9B];
	_ =	swait.ge [sflag:s4], $0x0  }
0x19: {  	s7 =	sld [smem:$0x3F9C]  }
0x1a: {  	s8 =	sadd.s32 $0xFFFFE003, lr  }
0x1b: {  	s9 =	sadd.s32 $0xFFFFFEF7, lr;
	s5 =	simm.s32 $0xFFFFFFFF;
	p2 =	slt.u32 s8, $0xFFFFF086  }
0x1c: {  	p1 =	slt.u32 s9, $0xF7A;
	s5 =	simm.s32 @!p2 $0x0  }
0x1d: {  	s5 =	simm.s32 @p1 $0x1;
	p0 =	seq.s32 s7, s2  }
0x1e: {  	s7 =	smul.u32 @!p0 $0xF7A, s2;
	p2 =	seq.s32 @!p0 s5, $0x0  }
0x1f: {  	s9 =	smul.u32 $0xF7A, s1;
	s8 =	simm.s32 @!p0 $0x1BF5;
	p2 =	por !p2, p0  }
0x20: {  	[sflag:s8] =	ssyncset.s32 @!p0 $0xFFFFF086;
	s6 =	sadd.s32 @!p0 s3, s7;
	s7 =	simm.s32 @!p0 $0x108  }
0x21: {  	s3 =	sadd.s32 s3, s9;
	s6 =	sadd.s32 @!p0 $0x88, s6;
	s7 =	simm.s32 @p2 $0x1082  }
0x22: {  	[simem:s7], [sflag:s8] =	dma.local @!p0 [hbm:s6], $0xF7A  }
0x23: {  	s9 =	sor.u32 $0xD0000000, s2;
	s6 =	simm.s32 $0x108;
	_ =	swait.ge @!p0 [sflag:s8], $0x0  }
0x24: {  	s3 =	sadd.s32 $0x88, s3;
	s6 =	simm.s32 @!p1 $0x1082;
	[sflag:s4] =	ssyncset.s32 $0xFFFFF086  }
0x25: {  	[simem:s6], [sflag:s4] =	dma.local [hbm:s3], $0xF7A  }
0x26: {  	[smem:$0x3F9C] =	sst s1;
	(tag) =	ssettag s2;
	_ =	strace s9  }
0x27: {  	s1 =	sld [smem:$0x3FAC]  }
0x28: {  	s2 =	sld [smem:$0x3FAD]  }
0x29: {  	s4 =	sld [smem:$0x3FAF]  }
0x2a: {  	p0 =	seq.s32 s5, $0x0;
	s5 =	sld [smem:$0x3FB0]  }
0x2b: {  	s6 =	sld [smem:$0x3FB1]  }
0x2c: {  	s7 =	sld [smem:$0x3FB2]  }
0x2d: {  	s3 =	simm.s32 $0x108;
	s8 =	sld [smem:$0x3FB3]  }
0x2e: {  	s3 =	simm.s32 @!p0 $0x1082;
	s9 =	sld [smem:$0x3FB4]  }
0x2f: {  	lr =	sadd.s32 s0, s3;
	s0 =	sld [smem:$0x3FAB]  }
0x30: {  	s3 =	sld [smem:$0x3FAE]  }
0x31: {  	[smem:$0x3FB7] =	sst s10  }
0x32: {  	s10 =	sld [smem:$0x3FB5];
	_ =	sdelay $0x3  }
0x33: {  	p0 =	seq.s32 s10, $0x1;
	s10 =	sld [smem:$0x3FB7];
	_ =	sdelay $0x3  }
0x34: {  	[smem:$0x3FB7] =	sst s10  }
0x35: {  	s10 =	sld [smem:$0x3FB6];
	_ =	sdelay $0x3  }
0x36: {  	p1 =	seq.s32 s10, $0x1;
	s10 =	sld [smem:$0x3FB7];
	_ =	sdelay $0x3  }
0x37: {  	[smem:$0x3FB7] =	sst s10  }
0x38: {  	s10 =	sld [smem:$0x3FB8]  }
0x39: {  	_ = 	snop;
	(pc) =	sbr.ind lr, $3  }
0x3a: {  	_ = 	snop  }
0x3b: {  	_ = 	snop  }
0x3c: {  	p2 =	seq.s32 s10, $0x1;
	s10 =	sld [smem:$0x3FB7]  }
0x3d: {  	_ =	shalt  }
0x3e: {  	_ =	shalt  }
0x3f: {  	_ =	shalt  }
0x40: {  	_ =	shalt  }
0x41: {  	_ =	shalt  }
0x42: {  	_ =	shalt  }
0x43: {  	_ =	shalt  }
0x44: {  	_ =	shalt  }
0x45: {  	_ =	shalt  }
0x46: {  	_ =	shalt  }
0x47: {  	_ =	shalt  }
0x48: {  	_ =	shalt  }
0x49: {  	_ =	shalt  }
0x4a: {  	_ =	shalt  }
0x4b: {  	_ =	shalt  }
0x4c: {  	_ =	shalt  }
0x4d: {  	_ =	shalt  }
0x4e: {  	_ =	shalt  }
0x4f: {  	_ =	shalt  }
0x50: {  	_ =	shalt  }
0x51: {  	_ =	shalt  }
0x52: {  	_ =	shalt  }
0x53: {  	_ =	shalt  }
0x54: {  	_ =	shalt  }
0x55: {  	_ =	shalt  }
0x56: {  	_ =	shalt  }
0x57: {  	_ =	shalt  }
0x58: {  	_ =	shalt  }
0x59: {  	_ =	shalt  }
0x5a: {  	_ =	shalt  }
0x5b: {  	_ =	shalt  }
0x5c: {  	_ =	shalt  }
0x5d: {  	_ =	shalt  }
0x5e: {  	_ =	shalt  }
0x5f: {  	_ =	shalt  }
0x60: {  	_ =	shalt  }
0x61: {  	_ =	shalt  }
0x62: {  	_ =	shalt  }
0x63: {  	_ =	shalt  }
0x64: {  	_ =	shalt  }
0x65: {  	_ =	shalt  }
0x66: {  	_ =	shalt  }
0x67: {  	_ =	shalt  }
0x68: {  	_ =	shalt  }
0x69: {  	_ =	shalt  }
0x6a: {  	_ =	shalt  }
0x6b: {  	_ =	shalt  }
0x6c: {  	_ =	shalt  }
0x6d: {  	_ =	shalt  }
0x6e: {  	_ =	shalt  }
0x6f: {  	_ =	shalt  }
0x70: {  	_ =	shalt  }
0x71: {  	_ =	shalt  }
0x72: {  	_ =	shalt  }
0x73: {  	_ =	shalt  }
0x74: {  	_ =	shalt  }
0x75: {  	_ =	shalt  }
0x76: {  	_ =	shalt  }
0x77: {  	_ =	shalt  }
0x78: {  	_ =	shalt  }
0x79: {  	_ =	shalt  }
0x7a: {  	_ =	shalt  }
0x7b: {  	_ =	shalt  }
0x7c: {  	_ =	shalt  }
0x7d: {  	_ =	shalt  }
0x7e: {  	_ =	shalt  }
0x7f: {  	_ =	shalt  }
0x80: {  	_ =	shalt  }
0x81: {  	_ =	shalt  }
0x82: {  	_ =	shalt  }
0x83: {  	_ =	shalt  }
0x84: {  	_ =	shalt  }
0x85: {  	_ =	shalt  }
0x86: {  	_ =	shalt  }
0x87: {  	_ =	shalt  }
.Lfunc_end0:
.L_simem_size_0:
called_computation.1_lowered:
.L_overlay_start_0:
0x88: {  	s2 =	sld [smem:$0x3FD9]  }
0x89: {  	s3 =	sld [smem:$0x3FFE];
	_ =	sdelay $0x1  }
0x8a: {  	s1 =	srdreg.scid  }
0x8b: {  	s0 =	sand.u32 $0x1, s1  }
0x8c: {  	s17 =	sshll.u32 s0, $0xA;
	s2 =	sadd.s32 s3, s2  }
0x8d: {  	s2 =	sadd.s32 s2, s17  }
0x8e: {  	[smem:$0x3FC3] =	sst s2  }
0x8f: {  	_ = 	snop  }
0x90: {  	s2 =	sld [smem:$0x3FC9]  }
0x91: {  	s18 =	sld [smem:$0x3FC8]  }
0x92: {  	s4 =	sld [smem:$0x3FC7]  }
0x93: {  	s5 =	sld [smem:$0x3FD0];
	(tm) =	ssettm $0x1  }
0x94: {  	s6 =	sld [smem:$0x3FFB];
	_ =	sdelay $0x3  }
0x95: {  	_ =	strace s6  }
0x96: {  	s6 =	sld [smem:$0x3FFC];
	_ =	sdelay $0x3  }
0x97: {  	_ =	strace s6  }
0x98: {  	s6 =	sld [smem:$0x3FFD];
	_ =	sdelay $0x3  }
0x99: {  	_ =	strace s6  }
0x9a: {  	_ =	strace $0x8FFFFFFF  }
0x9b: {  	s19 =	sld [smem:$0x3FDB];
	_ =	sdelay $0x1  }
0x9c: {  	s7 =	simm.s32 $_scs_section_size  }
0x9d: {  	s8 =	simm.s32 $_size__tile_overlayer_lowered;
	s9 =	simm.s32 $_tile_overlayer_lowered  }
0x9e: {  	s22 =	simm.s32 $0x1BFF;
	s21 =	sshll.u32 s9, $0x1;
	s6 =	sadd.s32 s7, s19  }
0x9f: {  	s10 =	simm.s32 $0x0;
	s20 =	sshll.u32 s8, $0x1;
	s8 =	sadd.s32 s21, s6  }
0xa0: {  	[timem:s10], [sflag:s22] =	dma.local [hbm:s8], s20  }
0xa1: {  	_ =	swait.ge [sflag:s22], s20  }
0xa2: {  	s7 =	ssub.s32 $0x0, s20;
	[sflag:s22] =	ssyncset.done $0x0  }
0xa3: {  	[sflag:s22] =	ssyncadd.s32 s7;
	_ =	sdelay $0x1  }
0xa4: {  	s23 =	simm.s32 $0x1B8B  }
0xa5: {  	_ =	swait.ge [sflag:s23], $0x1  }
0xa6: {  	[sflag:s23] =	ssyncset.done $0x0  }
0xa7: {  	s25 =	simm.s32 $0x1B8E;
	s24 =	sld [smem:$0x3FFE];
	[sflag:s23] =	ssyncadd.s32 $0xFFFFFFFF  }
0xa8: {  	s26 =	simm.s32 $execute0_lowered;
	[smem:$0x3FD2] =	sst s25  }
0xa9: {  	s8 =	sshll.u32 s26, $0x1;
	_ =	strace $0x80000049;
	[dreg:$0x1] =	wrdreg $0xFFFFFFFF  }
0xaa: {  	s28 =	simm.s32 $_size_execute0_lowered;
	s6 =	sadd.s32 s6, s8;
	[dreg:$0x0] =	wrdreg $0x0  }
0xab: {  	s8 =	sshll.u32 s28, $0x1;
	[dreg:$0x2] =	wrdreg s6  }
0xac: {  	[dreg:$0x3] =	wrdreg s8  }
0xad: {  	[dreg:$0x4] =	wrdreg $0xC0  }
0xae: {  	_ =	task [dreg:s10], $0x5FFFF  }
0xaf: {  	[dreg:$0x1] =	wrdreg $0xFFFFFFFF  }
0xb0: {  	[dreg:$0x0] =	wrdreg $0x60  }
0xb1: {  	[dreg:$0x2] =	wrdreg s2  }
0xb2: {  	[dreg:$0x3] =	wrdreg s24  }
0xb3: {  	[dreg:$0x4] =	wrdreg s18  }
0xb4: {  	[dreg:$0x5] =	wrdreg s4  }
0xb5: {  	[dreg:$0x6] =	wrdreg s5  }
0xb6: {  	[dreg:$0x7] =	wrdreg $0x10EC00  }
0xb7: {  	[dreg:$0x8] =	wrdreg $0x9  }
0xb8: {  	_ =	task.clear_ibuf [dreg:s10], $0x9FFFF;
	_ =	strace $0x90000049  }
0xb9: {  	s29 =	simm.s32 $0x9;
	_ =	strace $0x8000004B  }
0xba: {  	_ =	swait.ge [sflag:s29], $0x1  }
0xbb: {  	[sflag:s29] =	ssyncadd.s32 $0xFFFFFFFF  }
0xbc: {  	_ =	strace $0x9000004B  }
0xbd: {  	_ =	sfence  }
0xbe: {  	s30 =	sld [smem:$0x0];
	_ =	sdelay $0x2  }
0xbf: {  	s31 =	sshll.u32 s1, $0xD;
	s1 =	sshrl.u32 s1, $0x2  }
0xc0: {  	s3 =	sand.u32 $0x4000, s31;
	s1 =	sadd.s32 s1, s30  }
0xc1: {  	s0 =	sor.u32 s3, s0;
	s1 =	sshll.u32 s1, $0x11  }
0xc2: {  	s0 =	sor.u32 s1, s0  }
0xc3: {  	s0 =	sadd.s32 $0x8F2B, s0  }
0xc4: {  	[sflag:s0] =	ssyncadd.remote.s32 $0x1  }
0xc5: {  	_ =	sfence.sel $0xFFFF  }
0xc6: {  	[dreg:$0x0] =	wrdreg $0xFFFFFFFF;
	(pc) =	sbr.abs _section_cstart, $3  }
0xc7: {  	[dreg:$0x1] =	wrdreg $0xFFFFFFFF  }
0xc8: {  	_ =	task.clear_ibuf [dreg:s10], $0x2FFFF;
	_ =	strace $0x9FFFFFFF  }
0xc9: {  	(tm) =	ssettm $0x7FFFFFFF  }
tec
execute0_lowered:
.L_overlay_start_1:
0x0: {  	(tag) =	ssettag $0x1  }
0x1: {  	s3 =	rddreg [dreg:$0x0]  }
0x2: {  	s4 =	rddreg [dreg:$0x1]  }
0x3: {  	s0 =	srdreg.scid;
	s18 =	stileid.u32  }
0x4: {  	s5 =	rddreg [dreg:$0x2];
	s6 =	sand.u32 $0x1, s0;
	s0 =	smul.u32 $0xA000, s18  }
0x5: {  	s7 =	rddreg [dreg:$0x3];
	s11 =	smul.u32 $0x271, s18  }
0x6: {  	s1 =	rddreg [dreg:$0x4];
	s2 =	simm.s32 $0x0;
	s13 =	smul.u32 $0x2710, s18  }
0x7: {  	[smem:$0x7FF] =	sst s2;
	s10 =	sadd.s32 $0x1C00, s4;
	s26 =	smul.u32 $0x1388, s18  }
0x8: {  	s8 =	smul.u32 $0xA0000, s6;
	s9 =	sshll.u32 s6, $0x4;
	s6 =	ssub.s32 $0x2, s6  }
0x9: {  	s9 =	sor.u32 s18, s9;
	s12 =	sshrl.u32 s6, $0x1;
	s28 =	sadd.s32 $0x7D, s11  }
0xa: {  	s29 =	sshrl.u32 s13, $0x3;
	s13 =	sadd.s32 s3, s13;
	s8 =	sadd.s32 s0, s8  }
0xb: {  	s9 =	smul.u32 $0x4E2, s9;
	s6 =	ssub.s32 s6, s12;
	s30 =	sshll.u32 s28, $0x4  }
0xc: {  	[dreg:$0x9] =	wrdreg s13;
	s19 =	sadd.s32 s10, s29;
	s15 =	sshll.u32 s28, $0x1  }
0xd: {  	s12 =	sadd.s32 $0xFA, s11;
	s28 =	sshll.u32 s28, $0x3;
	s29 =	sadd.s32 s1, s26  }
0xe: {  	s8 =	sshrl.u32 s8, $0x3;
	s14 =	sadd.s32 s3, s30;
	s16 =	sshll.u32 s12, $0x4  }
0xf: {  	s20 =	sshll.u32 s12, $0x1;
	s31 =	smov.u32 s19;
	s5 =	sadd.s32 s5, s9  }
0x10: {  	s7 =	sadd.s32 s7, s9;
	[dreg:$0xa] =	wrdreg s14;
	s9 =	sshrl.u32 s30, $0x3  }
0x11: {  	s17 =	sadd.s32 s3, s16;
	s14 =	sadd.s32 $0x177, s11;
	[dreg:$0x7] =	wrdreg s5  }
0x12: {  	s13 =	sadd.s32 s10, s20;
	s11 =	sadd.s32 $0x1F4, s11;
	[dreg:$0x8] =	wrdreg s7  }
0x13: {  	s20 =	sshll.u32 s12, $0x3;
	s12 =	simm.s32 $0x2;
	[dreg:$0xc] =	wrdreg s17  }
0x14: {  	s7 =	sadd.s32 s10, s15;
	[dreg:$0xd] =	wrdreg s13;
	s21 =	sshll.u32 s14, $0x4  }
0x15: {  	s22 =	sshll.u32 s14, $0x1;
	s23 =	sshll.u32 s11, $0x4;
	s17 =	sadd.s32 $0xBC00, s4  }
0x16: {  	[dreg:$0xb] =	wrdreg s7;
	s7 =	sadd.s32 s10, s9;
	s9 =	sshrl.u32 s16, $0x3  }
0x17: {  	s15 =	sadd.s32 s3, s21;
	s13 =	sshrl.u32 s21, $0x3;
	s16 =	sshll.u32 s11, $0x1  }
0x18: {  	s3 =	sadd.s32 s3, s23;
	s25 =	sshrl.u32 s23, $0x3;
	[dreg:$0xe] =	wrdreg s15  }
0x19: {  	s30 =	sadd.s32 s17, s26;
	s21 =	sshll.u32 s14, $0x3;
	[dreg:$0x10] =	wrdreg s3  }
0x1a: {  	s15 =	sadd.s32 s10, s22;
	s24 =	sadd.s32 s10, s16;
	s16 =	rddreg [dreg:$0x5]  }
0x1b: {  	s23 =	smul.u32 $0x28000, s18;
	s14 =	simm.s32 $0x8220;
	[dreg:$0xf] =	wrdreg s15  }
0x1c: {  	s18 =	simm.s32 $0xC870;
	s9 =	sadd.s32 s10, s9;
	[dreg:$0x11] =	wrdreg s24  }
0x1d: {  	s13 =	sadd.s32 s10, s13;
	_ =	strace $0x8000004A;
	[dreg:$0x12] =	wrdreg s29  }
0x1e: {  	s3 =	sadd.s32 s10, s25;
	s7 =	sadd.s32 $0x5000, s7;
	[dreg:$0x13] =	wrdreg s30  }
0x1f: {  	s10 =	sadd.s32 s8, s4;
	s8 =	sadd.s32 s1, s28;
	[dreg:$0x14] =	wrdreg s7  }
0x20: {  	s4 =	sadd.s32 s17, s28;
	s22 =	sadd.s32 s1, s20;
	[dreg:$0x15] =	wrdreg s8  }
0x21: {  	s25 =	sadd.s32 s1, s21;
	s15 =	sadd.s32 $0x5000, s9;
	[dreg:$0x16] =	wrdreg s4  }
0x22: {  	s26 =	sadd.s32 s17, s21;
	s28 =	sshll.u32 s11, $0x3;
	[dreg:$0x17] =	wrdreg s15  }
0x23: {  	s11 =	sadd.s32 $0x5000, s19;
	s24 =	sadd.s32 $0x5000, s13;
	[dreg:$0x18] =	wrdreg s22  }
0x24: {  	s19 =	simm.s32 $0xD040;
	s21 =	simm.s32 $0x6220;
	[dreg:$0x1a] =	wrdreg s24  }
0x25: {  	s3 =	sadd.s32 $0x5000, s3;
	s13 =	sadd.s32 s17, s28;
	[dreg:$0x1b] =	wrdreg s25  }
0x26: {  	s0 =	sadd.s32 s0, s16;
	s9 =	sadd.s32 $0x1F600, s10;
	[dreg:$0x1c] =	wrdreg s26  }
0x27: {  	s4 =	sadd.s32 s17, s20;
	s29 =	sshrl.u32 s23, $0x2;
	[dreg:$0x1d] =	wrdreg s3  }
0x28: {  	s30 =	sadd.s32 s1, s28;
	s8 =	sadd.s32 $0x47600, s10;
	s10 =	smax.u32 s6, $0x1  }
0x29: {  	s15 =	simm.s32 $0xC0A0;
	s20 =	simm.s32 $0xEF80;
	s22 =	simm.s32 $0x50  }
0x2a: {  	s23 =	simm.s32 $0x4E20;
	[dreg:$0x19] =	wrdreg s4;
	s7 =	sadd.s32 s29, s16  }
0x2b: {  	s6 =	simm.s32 $0x1;
	[dreg:$0x1e] =	wrdreg s30;
	s3 =	sadd.s32 $0x2000, s7  }
0x2c: {  	v0 =	vimm.f32 $0.0e+00;
	s4 =	sadd.s32 $0x4000, s7;
	s5 =	sadd.s32 $0x6000, s7;
	s7 =	sadd.s32 $0x8000, s7  }
.LBB2_1:
0x2d: {  	s25 =	simm.s32 $0x100;
	s24 =	simm.s32 $0x0  }
.LBB2_2:
0x2e: {  	p0 =	sne.s32 s25, $0x7F00;
	[tilespmem:s24+$0x6250] =	vst v0;
	s26 =	smov.u32 s25;
	s25 =	sadd.s32 $0x100, s25  }
.Ltmp0:
0x2f: {  	[tilespmem:s24+$0x6240] =	vst v0;
	(pc) =	sbr.rel @p0 .LBB2_2-.Ltmp0, $3  }
0x30: {  	[tilespmem:s24+$0x6220] =	vst v0  }
0x31: {  	[tilespmem:s24+$0x6230] =	vst v0;
	_ =	sdelay $0x1  }
0x32: {  	s24 =	sshra.s32 s26, $0x2  }
0x33: {  	[tilespmem:s24+$0x6250] =	vst v0  }
0x34: {  	[tilespmem:s24+$0x6240] =	vst v0  }
0x35: {  	[tilespmem:s24+$0x6220] =	vst v0  }
0x36: {  	[tilespmem:s24+$0x6230] =	vst v0;
	s24 =	simm.s32 $0x0;
	s25 =	rddreg [dreg:$0x7]  }
0x37: {  	[tilespmem:s24], [sflag:$0x2] =	stream.linear.gather [hbm4b:s25+s24], $0x2710, $0x38;
	[tilespmem:$0x1AEC0] =	vst v63  }
0x38: {  	_ =	swait.ge [sflag:s12], $0x2710  }
0x39: {  	[sflag:s12] =	ssyncset.done $0x0  }
0x3a: {  	s26 =	simm.s32 $0x2710;
	s30 =	rddreg [dreg:$0x8];
	[sflag:s12] =	ssyncadd.s32 $0xFFFFD8F0  }
0x3b: {  	[tilespmem:s26], [sflag:$0x2] =	stream.linear.gather [hbm4b:s30+s24], $0x2710, $0x38;
	[tilespmem:$0x1AEC0] =	vst v63  }
0x3c: {  	_ =	swait.ge [sflag:s12], $0x2710  }
0x3d: {  	[sflag:s12] =	ssyncset.done $0x0  }
0x3e: {  	s26 =	rddreg [dreg:$0x9];
	[sflag:s12] =	ssyncadd.s32 $0xFFFFD8F0  }
0x3f: {  	[tilespmem:s14], [sflag:$0x2] =	stream.linear.gather [hbm4b:s26+s24], $0x3E80, $0x38;
	[tilespmem:$0x1AEC0] =	vst v63  }
0x40: {  	_ =	swait.ge [sflag:s12], $0x3E80  }
0x41: {  	[sflag:s12] =	ssyncset.done $0x0  }
0x42: {  	[sflag:s12] =	ssyncadd.s32 $0xFFFFC180  }
0x43: {  	[tilespmem:s15], [sflag:$0x2] =	stream.linear.gather [hbm4b:s31+s24], $0x7D0, $0x38;
	[tilespmem:$0x1AEC0] =	vst v63  }
0x44: {  	_ =	swait.ge [sflag:s12], $0x7D0  }
0x45: {  	[sflag:s12] =	ssyncset.done $0x0  }
0x46: {  	[sflag:s12] =	ssyncadd.s32 $0xFFFFF830  }
0x47: {  	[tilespmem:s18], [sflag:$0x2] =	stream.linear.gather [hbm4b:s11+s24], $0x7D0, $0x38;
	[tilespmem:$0x1AEC0] =	vst v63  }
0x48: {  	_ =	swait.ge [sflag:s12], $0x7D0  }
0x49: {  	[sflag:s12] =	ssyncset.done $0x0  }
0x4a: {  	s30 =	simm.s32 $0x0;
	[sflag:s12] =	ssyncadd.s32 $0xFFFFF830  }
0x4b: {  	v1 =	vld [tilespmem:s30+$0xC0A0]  }
0x4c: {  	v2 =	vld [tilespmem:s30+$0xC870];
	_ =	sdelay $0x4  }
0x4d: {  	v1 =	vadd.f32 v2, v1;
	_ =	sdelay $0x1  }
0x4e: {  	v2 =	vshra.s32 v1, $0x1;
	v3 =	vmul.f32 $5.000000000e-01, v1  }
0x4f: {  	v2 =	vsub.s32 $0x5F3759DF, v2  }
0x50: {  	v4 =	vmul.f32 v2, v3;
	_ =	sdelay $0x1  }
0x51: {  	v4 =	vmul.f32 v2, v4;
	_ =	sdelay $0x1  }
0x52: {  	v4 =	vsub.f32 $1.500000000e+00, v4;
	_ =	sdelay $0x1  }
0x53: {  	v2 =	vmul.f32 v2, v4;
	_ =	sdelay $0x1  }
0x54: {  	v4 =	vmul.f32 v2, v3;
	_ =	sdelay $0x1  }
0x55: {  	v4 =	vmul.f32 v4, v2;
	_ =	sdelay $0x1  }
0x56: {  	v4 =	vsub.f32 $1.500000000e+00, v4;
	_ =	sdelay $0x1  }
0x57: {  	v2 =	vmul.f32 v4, v2;
	_ =	sdelay $0x1  }
0x58: {  	v3 =	vmul.f32 v2, v3;
	_ =	sdelay $0x1  }
0x59: {  	v3 =	vmul.f32 v3, v2  }
0x5a: {  	s24 =	simm.s32 $0x8260  }
0x5b: {  	v63 =	vld [tilespmem:s24+$0xFFFFFFC0];
	v3 =	vsub.f32 $1.500000000e+00, v3;
	_ =	sdelay $0x1  }
0x5c: {  	v2 =	vmul.f32 v3, v2  }
0x5d: {  	vm0 =	vgt.f32 v1, $0.0e+00  }
0x5e: {  	v1 =	vnsel vm0, $0x3F800000, v2  }
0x5f: {  	v2 =	vmul.f32 v1, v63  }
0x60: {  	s25 =	simm.s32 $0xD060  }
0x61: {  	[tilespmem:s25+$0xFFFFFFE0] =	vst v2  }
0x62: {  	v2 =	vld [tilespmem:s24+$0xFFFFFFD0];
	_ =	sdelay $0x4  }
0x63: {  	v2 =	vmul.f32 v1, v2;
	_ =	sdelay $0x1  }
0x64: {  	[tilespmem:s25+$0xFFFFFFF0] =	vst v2  }
0x65: {  	v2 =	vld [tilespmem:s24+$0xFFFFFFE0];
	_ =	sdelay $0x4  }
0x66: {  	v2 =	vmul.f32 v1, v2;
	_ =	sdelay $0x1  }
0x67: {  	[tilespmem:s25+$0x0] =	vst v2  }
0x68: {  	v2 =	vld [tilespmem:s24+$0xFFFFFFF0];
	_ =	sdelay $0x4  }
0x69: {  	v2 =	vmul.f32 v1, v2;
	_ =	sdelay $0x1  }
0x6a: {  	[tilespmem:s25+$0x10] =	vst v2  }
0x6b: {  	v2 =	vld [tilespmem:s24+$0x0];
	_ =	sdelay $0x4  }
0x6c: {  	v2 =	vmul.f32 v1, v2  }
0x6d: {  	s26 =	simm.s32 $0xEFA0  }
0x6e: {  	[tilespmem:s26+$0xFFFFFFE0] =	vst v2  }
0x6f: {  	v2 =	vld [tilespmem:s24+$0x10];
	_ =	sdelay $0x4  }
0x70: {  	v2 =	vmul.f32 v1, v2;
	_ =	sdelay $0x1  }
0x71: {  	[tilespmem:s26+$0xFFFFFFF0] =	vst v2  }
0x72: {  	v2 =	vld [tilespmem:s24+$0x20];
	_ =	sdelay $0x4  }
0x73: {  	v2 =	vmul.f32 v1, v2;
	_ =	sdelay $0x1  }
0x74: {  	[tilespmem:s26+$0x0] =	vst v2  }
0x75: {  	v2 =	vld [tilespmem:s24+$0x30];
	_ =	sdelay $0x4  }
0x76: {  	s28 =	simm.s32 $0x40;
	s29 =	simm.s32 $0xEFA0;
	v1 =	vmul.f32 v1, v2  }
.LBB2_4:
0x77: {  	s24 =	sadd.s32 $0x80, s24;
	s26 =	sadd.s32 $0x40, s26;
	s25 =	sadd.s32 $0x40, s25  }
0x78: {  	s30 =	sshra.s32 s28, $0x2;
	p0 =	sne.s32 s28, $0x1F00;
	s28 =	sadd.s32 $0x40, s28;
	[tilespmem:s29+$0x10] =	vst v1  }
0x79: {  	s29 =	smov.u32 s26;
	v1 =	vld [tilespmem:s30+$0xC0A0]  }
0x7a: {  	v2 =	vld [tilespmem:s30+$0xC870];
	_ =	sdelay $0x4  }
0x7b: {  	v1 =	vadd.f32 v2, v1;
	_ =	sdelay $0x1  }
0x7c: {  	v2 =	vshra.s32 v1, $0x1;
	v3 =	vmul.f32 $5.000000000e-01, v1  }
0x7d: {  	v2 =	vsub.s32 $0x5F3759DF, v2  }
0x7e: {  	v4 =	vmul.f32 v2, v3;
	_ =	sdelay $0x1  }
0x7f: {  	v4 =	vmul.f32 v2, v4;
	_ =	sdelay $0x1  }
0x80: {  	v4 =	vsub.f32 $1.500000000e+00, v4;
	_ =	sdelay $0x1  }
0x81: {  	v2 =	vmul.f32 v2, v4;
	_ =	sdelay $0x1  }
0x82: {  	v4 =	vmul.f32 v2, v3;
	_ =	sdelay $0x1  }
0x83: {  	v4 =	vmul.f32 v4, v2;
	_ =	sdelay $0x1  }
0x84: {  	v4 =	vsub.f32 $1.500000000e+00, v4;
	_ =	sdelay $0x1  }
0x85: {  	v2 =	vmul.f32 v4, v2;
	_ =	sdelay $0x1  }
0x86: {  	v3 =	vmul.f32 v2, v3;
	_ =	sdelay $0x1  }
0x87: {  	v3 =	vmul.f32 v3, v2  }
0x88: {  	v4 =	vld [tilespmem:s24+$0xFFFFFFC0]  }
0x89: {  	v3 =	vsub.f32 $1.500000000e+00, v3;
	_ =	sdelay $0x1  }
0x8a: {  	vm0 =	vgt.f32 v1, $0.0e+00;
	v2 =	vmul.f32 v3, v2;
	_ =	sdelay $0x1  }
0x8b: {  	v1 =	vnsel vm0, $0x3F800000, v2  }
0x8c: {  	v2 =	vmul.f32 v1, v4;
	_ =	sdelay $0x1  }
0x8d: {  	[tilespmem:s25+$0xFFFFFFE0] =	vst v2  }
0x8e: {  	v2 =	vld [tilespmem:s24+$0xFFFFFFD0];
	_ =	sdelay $0x4  }
0x8f: {  	v2 =	vmul.f32 v1, v2;
	_ =	sdelay $0x1  }
0x90: {  	[tilespmem:s25+$0xFFFFFFF0] =	vst v2  }
0x91: {  	v2 =	vld [tilespmem:s24+$0xFFFFFFE0];
	_ =	sdelay $0x4  }
0x92: {  	v2 =	vmul.f32 v1, v2;
	_ =	sdelay $0x1  }
0x93: {  	[tilespmem:s25+$0x0] =	vst v2  }
0x94: {  	v2 =	vld [tilespmem:s24+$0xFFFFFFF0];
	_ =	sdelay $0x4  }
0x95: {  	v2 =	vmul.f32 v1, v2;
	_ =	sdelay $0x1  }
0x96: {  	[tilespmem:s25+$0x10] =	vst v2  }
0x97: {  	v2 =	vld [tilespmem:s24+$0x0];
	_ =	sdelay $0x4  }
0x98: {  	v2 =	vmul.f32 v1, v2;
	_ =	sdelay $0x1  }
0x99: {  	[tilespmem:s26+$0xFFFFFFE0] =	vst v2  }
0x9a: {  	v2 =	vld [tilespmem:s24+$0x10];
	_ =	sdelay $0x4  }
0x9b: {  	v2 =	vmul.f32 v1, v2;
	_ =	sdelay $0x1  }
0x9c: {  	[tilespmem:s26+$0xFFFFFFF0] =	vst v2  }
0x9d: {  	v2 =	vld [tilespmem:s24+$0x20];
	_ =	sdelay $0x4  }
0x9e: {  	v2 =	vmul.f32 v1, v2;
	_ =	sdelay $0x1  }
0x9f: {  	[tilespmem:s26+$0x0] =	vst v2  }
0xa0: {  	v2 =	vld [tilespmem:s24+$0x30]  }
.Ltmp1:
0xa1: {  	(pc) =	sbr.rel @p0 .LBB2_4-.Ltmp1, $2  }
0xa2: {  	_ =	sdelay $0x2  }
0xa3: {  	v1 =	vmul.f32 v1, v2  }
0xa4: {  	_ = 	snop  }
0xa5: {  	s24 =	simm.s32 $0x0;
	s25 =	rddreg [dreg:$0x12];
	[tilespmem:s29+$0x10] =	vst v1  }
0xa6: {  	[hbm4b:s25+s24] =	stream.linear.scatter [tilespmem:s19], [sflag:$0x2], $0x1F40, $0x38;
	[tilespmem:$0x1AEC0] =	vst v63  }
0xa7: {  	_ =	swait.ge [sflag:s12], $0x1F40  }
0xa8: {  	[sflag:s12] =	ssyncset.done $0x0  }
0xa9: {  	s30 =	rddreg [dreg:$0x13];
	[sflag:s12] =	ssyncadd.s32 $0xFFFFE0C0  }
0xaa: {  	[hbm4b:s30+s24] =	stream.linear.scatter [tilespmem:s20], [sflag:$0x2], $0x1F40, $0x38;
	[tilespmem:$0x1AEC0] =	vst v63  }
0xab: {  	_ =	swait.ge [sflag:s12], $0x1F40  }
0xac: {  	[sflag:s12] =	ssyncset.done $0x0  }
0xad: {  	s26 =	rddreg [dreg:$0xa];
	[sflag:s12] =	ssyncadd.s32 $0xFFFFE0C0  }
0xae: {  	[tilespmem:s14], [sflag:$0x2] =	stream.linear.gather [hbm4b:s26+s24], $0x3E80, $0x38;
	[tilespmem:$0x1AEC0] =	vst v63  }
0xaf: {  	_ =	swait.ge [sflag:s12], $0x3E80  }
0xb0: {  	[sflag:s12] =	ssyncset.done $0x0  }
0xb1: {  	s30 =	rddreg [dreg:$0xb];
	[sflag:s12] =	ssyncadd.s32 $0xFFFFC180  }
0xb2: {  	[tilespmem:s15], [sflag:$0x2] =	stream.linear.gather [hbm4b:s30+s24], $0x7D0, $0x38;
	[tilespmem:$0x1AEC0] =	vst v63  }
0xb3: {  	_ =	swait.ge [sflag:s12], $0x7D0  }
0xb4: {  	[sflag:s12] =	ssyncset.done $0x0  }
0xb5: {  	s26 =	rddreg [dreg:$0x14];
	[sflag:s12] =	ssyncadd.s32 $0xFFFFF830  }
0xb6: {  	[tilespmem:s18], [sflag:$0x2] =	stream.linear.gather [hbm4b:s26+s24], $0x7D0, $0x38;
	[tilespmem:$0x1AEC0] =	vst v63  }
0xb7: {  	_ =	swait.ge [sflag:s12], $0x7D0  }
0xb8: {  	[sflag:s12] =	ssyncset.done $0x0  }
0xb9: {  	s30 =	simm.s32 $0x0;
	[sflag:s12] =	ssyncadd.s32 $0xFFFFF830  }
0xba: {  	v1 =	vld [tilespmem:s30+$0xC0A0]  }
0xbb: {  	v2 =	vld [tilespmem:s30+$0xC870];
	_ =	sdelay $0x4  }
0xbc: {  	v1 =	vadd.f32 v2, v1;
	_ =	sdelay $0x1  }
0xbd: {  	v2 =	vshra.s32 v1, $0x1;
	v3 =	vmul.f32 $5.000000000e-01, v1  }
0xbe: {  	v2 =	vsub.s32 $0x5F3759DF, v2  }
0xbf: {  	v4 =	vmul.f32 v2, v3;
	_ =	sdelay $0x1  }
0xc0: {  	v4 =	vmul.f32 v2, v4;
	_ =	sdelay $0x1  }
0xc1: {  	v4 =	vsub.f32 $1.500000000e+00, v4;
	_ =	sdelay $0x1  }
0xc2: {  	v2 =	vmul.f32 v2, v4;
	_ =	sdelay $0x1  }
0xc3: {  	v4 =	vmul.f32 v2, v3;
	_ =	sdelay $0x1  }
0xc4: {  	v4 =	vmul.f32 v4, v2;
	_ =	sdelay $0x1  }
0xc5: {  	v4 =	vsub.f32 $1.500000000e+00, v4;
	_ =	sdelay $0x1  }
0xc6: {  	v2 =	vmul.f32 v4, v2;
	_ =	sdelay $0x1  }
0xc7: {  	v3 =	vmul.f32 v2, v3;
	_ =	sdelay $0x1  }
0xc8: {  	v3 =	vmul.f32 v3, v2  }
0xc9: {  	s24 =	simm.s32 $0x8260  }
0xca: {  	v63 =	vld [tilespmem:s24+$0xFFFFFFC0];
	v3 =	vsub.f32 $1.500000000e+00, v3;
	_ =	sdelay $0x1  }
0xcb: {  	v2 =	vmul.f32 v3, v2  }
0xcc: {  	vm0 =	vgt.f32 v1, $0.0e+00  }
0xcd: {  	v1 =	vnsel vm0, $0x3F800000, v2  }
0xce: {  	v2 =	vmul.f32 v1, v63  }
0xcf: {  	s25 =	simm.s32 $0xD060  }
0xd0: {  	[tilespmem:s25+$0xFFFFFFE0] =	vst v2  }
0xd1: {  	v2 =	vld [tilespmem:s24+$0xFFFFFFD0];
	_ =	sdelay $0x4  }
0xd2: {  	v2 =	vmul.f32 v1, v2;
	_ =	sdelay $0x1  }
0xd3: {  	[tilespmem:s25+$0xFFFFFFF0] =	vst v2  }
0xd4: {  	v2 =	vld [tilespmem:s24+$0xFFFFFFE0];
	_ =	sdelay $0x4  }
0xd5: {  	v2 =	vmul.f32 v1, v2;
	_ =	sdelay $0x1  }
0xd6: {  	[tilespmem:s25+$0x0] =	vst v2  }
0xd7: {  	v2 =	vld [tilespmem:s24+$0xFFFFFFF0];
	_ =	sdelay $0x4  }
0xd8: {  	v2 =	vmul.f32 v1, v2;
	_ =	sdelay $0x1  }
0xd9: {  	[tilespmem:s25+$0x10] =	vst v2  }
0xda: {  	v2 =	vld [tilespmem:s24+$0x0];
	_ =	sdelay $0x4  }
0xdb: {  	v2 =	vmul.f32 v1, v2  }
0xdc: {  	s26 =	simm.s32 $0xEFA0  }
0xdd: {  	[tilespmem:s26+$0xFFFFFFE0] =	vst v2  }
0xde: {  	v2 =	vld [tilespmem:s24+$0x10];
	_ =	sdelay $0x4  }
0xdf: {  	v2 =	vmul.f32 v1, v2;
	_ =	sdelay $0x1  }
0xe0: {  	[tilespmem:s26+$0xFFFFFFF0] =	vst v2  }
0xe1: {  	v2 =	vld [tilespmem:s24+$0x20];
	_ =	sdelay $0x4  }
0xe2: {  	v2 =	vmul.f32 v1, v2;
	_ =	sdelay $0x1  }
0xe3: {  	[tilespmem:s26+$0x0] =	vst v2  }
0xe4: {  	v2 =	vld [tilespmem:s24+$0x30];
	_ =	sdelay $0x4  }
0xe5: {  	s28 =	simm.s32 $0x40;
	s29 =	simm.s32 $0xEFA0;
	v1 =	vmul.f32 v1, v2  }
.LBB2_6:
0xe6: {  	s24 =	sadd.s32 $0x80, s24;
	s26 =	sadd.s32 $0x40, s26;
	s25 =	sadd.s32 $0x40, s25  }
0xe7: {  	s30 =	sshra.s32 s28, $0x2;
	p0 =	sne.s32 s28, $0x1F00;
	s28 =	sadd.s32 $0x40, s28;
	[tilespmem:s29+$0x10] =	vst v1  }
0xe8: {  	s29 =	smov.u32 s26;
	v1 =	vld [tilespmem:s30+$0xC0A0]  }
0xe9: {  	v2 =	vld [tilespmem:s30+$0xC870];
	_ =	sdelay $0x4  }
0xea: {  	v1 =	vadd.f32 v2, v1;
	_ =	sdelay $0x1  }
0xeb: {  	v2 =	vshra.s32 v1, $0x1;
	v3 =	vmul.f32 $5.000000000e-01, v1  }
0xec: {  	v2 =	vsub.s32 $0x5F3759DF, v2  }
0xed: {  	v4 =	vmul.f32 v2, v3;
	_ =	sdelay $0x1  }
0xee: {  	v4 =	vmul.f32 v2, v4;
	_ =	sdelay $0x1  }
0xef: {  	v4 =	vsub.f32 $1.500000000e+00, v4;
	_ =	sdelay $0x1  }
0xf0: {  	v2 =	vmul.f32 v2, v4;
	_ =	sdelay $0x1  }
0xf1: {  	v4 =	vmul.f32 v2, v3;
	_ =	sdelay $0x1  }
0xf2: {  	v4 =	vmul.f32 v4, v2;
	_ =	sdelay $0x1  }
0xf3: {  	v4 =	vsub.f32 $1.500000000e+00, v4;
	_ =	sdelay $0x1  }
0xf4: {  	v2 =	vmul.f32 v4, v2;
	_ =	sdelay $0x1  }
0xf5: {  	v3 =	vmul.f32 v2, v3;
	_ =	sdelay $0x1  }
0xf6: {  	v3 =	vmul.f32 v3, v2  }
0xf7: {  	v4 =	vld [tilespmem:s24+$0xFFFFFFC0]  }
0xf8: {  	v3 =	vsub.f32 $1.500000000e+00, v3;
	_ =	sdelay $0x1  }
0xf9: {  	vm0 =	vgt.f32 v1, $0.0e+00;
	v2 =	vmul.f32 v3, v2;
	_ =	sdelay $0x1  }
0xfa: {  	v1 =	vnsel vm0, $0x3F800000, v2  }
0xfb: {  	v2 =	vmul.f32 v1, v4;
	_ =	sdelay $0x1  }
0xfc: {  	[tilespmem:s25+$0xFFFFFFE0] =	vst v2  }
0xfd: {  	v2 =	vld [tilespmem:s24+$0xFFFFFFD0];
	_ =	sdelay $0x4  }
0xfe: {  	v2 =	vmul.f32 v1, v2;
	_ =	sdelay $0x1  }
0xff: {  	[tilespmem:s25+$0xFFFFFFF0] =	vst v2  }
0x100: {  	v2 =	vld [tilespmem:s24+$0xFFFFFFE0];
	_ =	sdelay $0x4  }
0x101: {  	v2 =	vmul.f32 v1, v2;
	_ =	sdelay $0x1  }
0x102: {  	[tilespmem:s25+$0x0] =	vst v2  }
0x103: {  	v2 =	vld [tilespmem:s24+$0xFFFFFFF0];
	_ =	sdelay $0x4  }
0x104: {  	v2 =	vmul.f32 v1, v2;
	_ =	sdelay $0x1  }
0x105: {  	[tilespmem:s25+$0x10] =	vst v2  }
0x106: {  	v2 =	vld [tilespmem:s24+$0x0];
	_ =	sdelay $0x4  }
0x107: {  	v2 =	vmul.f32 v1, v2;
	_ =	sdelay $0x1  }
0x108: {  	[tilespmem:s26+$0xFFFFFFE0] =	vst v2  }
0x109: {  	v2 =	vld [tilespmem:s24+$0x10];
	_ =	sdelay $0x4  }
0x10a: {  	v2 =	vmul.f32 v1, v2;
	_ =	sdelay $0x1  }
0x10b: {  	[tilespmem:s26+$0xFFFFFFF0] =	vst v2  }
0x10c: {  	v2 =	vld [tilespmem:s24+$0x20];
	_ =	sdelay $0x4  }
0x10d: {  	v2 =	vmul.f32 v1, v2;
	_ =	sdelay $0x1  }
0x10e: {  	[tilespmem:s26+$0x0] =	vst v2  }
0x10f: {  	v2 =	vld [tilespmem:s24+$0x30]  }
.Ltmp2:
0x110: {  	(pc) =	sbr.rel @p0 .LBB2_6-.Ltmp2, $2  }
0x111: {  	_ =	sdelay $0x2  }
0x112: {  	v1 =	vmul.f32 v1, v2  }
0x113: {  	_ = 	snop  }
0x114: {  	s24 =	simm.s32 $0x0;
	s25 =	rddreg [dreg:$0x15];
	[tilespmem:s29+$0x10] =	vst v1  }
0x115: {  	[hbm4b:s25+s24] =	stream.linear.scatter [tilespmem:s19], [sflag:$0x2], $0x1F40, $0x38;
	[tilespmem:$0x1AEC0] =	vst v63  }
0x116: {  	_ =	swait.ge [sflag:s12], $0x1F40  }
0x117: {  	[sflag:s12] =	ssyncset.done $0x0  }
0x118: {  	s30 =	rddreg [dreg:$0x16];
	[sflag:s12] =	ssyncadd.s32 $0xFFFFE0C0  }
0x119: {  	[hbm4b:s30+s24] =	stream.linear.scatter [tilespmem:s20], [sflag:$0x2], $0x1F40, $0x38;
	[tilespmem:$0x1AEC0] =	vst v63  }
0x11a: {  	_ =	swait.ge [sflag:s12], $0x1F40  }
0x11b: {  	[sflag:s12] =	ssyncset.done $0x0  }
0x11c: {  	s26 =	rddreg [dreg:$0xc];
	[sflag:s12] =	ssyncadd.s32 $0xFFFFE0C0  }
0x11d: {  	[tilespmem:s14], [sflag:$0x2] =	stream.linear.gather [hbm4b:s26+s24], $0x3E80, $0x38;
	[tilespmem:$0x1AEC0] =	vst v63  }
0x11e: {  	_ =	swait.ge [sflag:s12], $0x3E80  }
0x11f: {  	[sflag:s12] =	ssyncset.done $0x0  }
0x120: {  	s30 =	rddreg [dreg:$0xd];
	[sflag:s12] =	ssyncadd.s32 $0xFFFFC180  }
0x121: {  	[tilespmem:s15], [sflag:$0x2] =	stream.linear.gather [hbm4b:s30+s24], $0x7D0, $0x38;
	[tilespmem:$0x1AEC0] =	vst v63  }
0x122: {  	_ =	swait.ge [sflag:s12], $0x7D0  }
0x123: {  	[sflag:s12] =	ssyncset.done $0x0  }
0x124: {  	s26 =	rddreg [dreg:$0x17];
	[sflag:s12] =	ssyncadd.s32 $0xFFFFF830  }
0x125: {  	[tilespmem:s18], [sflag:$0x2] =	stream.linear.gather [hbm4b:s26+s24], $0x7D0, $0x38;
	[tilespmem:$0x1AEC0] =	vst v63  }
0x126: {  	_ =	swait.ge [sflag:s12], $0x7D0  }
0x127: {  	[sflag:s12] =	ssyncset.done $0x0  }
0x128: {  	s30 =	simm.s32 $0x0;
	[sflag:s12] =	ssyncadd.s32 $0xFFFFF830  }
0x129: {  	v1 =	vld [tilespmem:s30+$0xC0A0]  }
0x12a: {  	v2 =	vld [tilespmem:s30+$0xC870];
	_ =	sdelay $0x4  }
0x12b: {  	v1 =	vadd.f32 v2, v1;
	_ =	sdelay $0x1  }
0x12c: {  	v2 =	vshra.s32 v1, $0x1;
	v3 =	vmul.f32 $5.000000000e-01, v1  }
0x12d: {  	v2 =	vsub.s32 $0x5F3759DF, v2  }
0x12e: {  	v4 =	vmul.f32 v2, v3;
	_ =	sdelay $0x1  }
0x12f: {  	v4 =	vmul.f32 v2, v4;
	_ =	sdelay $0x1  }
0x130: {  	v4 =	vsub.f32 $1.500000000e+00, v4;
	_ =	sdelay $0x1  }
0x131: {  	v2 =	vmul.f32 v2, v4;
	_ =	sdelay $0x1  }
0x132: {  	v4 =	vmul.f32 v2, v3;
	_ =	sdelay $0x1  }
0x133: {  	v4 =	vmul.f32 v4, v2;
	_ =	sdelay $0x1  }
0x134: {  	v4 =	vsub.f32 $1.500000000e+00, v4;
	_ =	sdelay $0x1  }
0x135: {  	v2 =	vmul.f32 v4, v2;
	_ =	sdelay $0x1  }
0x136: {  	v3 =	vmul.f32 v2, v3;
	_ =	sdelay $0x1  }
0x137: {  	v3 =	vmul.f32 v3, v2  }
0x138: {  	s24 =	simm.s32 $0x8260  }
0x139: {  	v63 =	vld [tilespmem:s24+$0xFFFFFFC0];
	v3 =	vsub.f32 $1.500000000e+00, v3;
	_ =	sdelay $0x1  }
0x13a: {  	v2 =	vmul.f32 v3, v2  }
0x13b: {  	vm0 =	vgt.f32 v1, $0.0e+00  }
0x13c: {  	v1 =	vnsel vm0, $0x3F800000, v2  }
0x13d: {  	v2 =	vmul.f32 v1, v63  }
0x13e: {  	s25 =	simm.s32 $0xD060  }
0x13f: {  	[tilespmem:s25+$0xFFFFFFE0] =	vst v2  }
0x140: {  	v2 =	vld [tilespmem:s24+$0xFFFFFFD0];
	_ =	sdelay $0x4  }
0x141: {  	v2 =	vmul.f32 v1, v2;
	_ =	sdelay $0x1  }
0x142: {  	[tilespmem:s25+$0xFFFFFFF0] =	vst v2  }
0x143: {  	v2 =	vld [tilespmem:s24+$0xFFFFFFE0];
	_ =	sdelay $0x4  }
0x144: {  	v2 =	vmul.f32 v1, v2;
	_ =	sdelay $0x1  }
0x145: {  	[tilespmem:s25+$0x0] =	vst v2  }
0x146: {  	v2 =	vld [tilespmem:s24+$0xFFFFFFF0];
	_ =	sdelay $0x4  }
0x147: {  	v2 =	vmul.f32 v1, v2;
	_ =	sdelay $0x1  }
0x148: {  	[tilespmem:s25+$0x10] =	vst v2  }
0x149: {  	v2 =	vld [tilespmem:s24+$0x0];
	_ =	sdelay $0x4  }
0x14a: {  	v2 =	vmul.f32 v1, v2  }
0x14b: {  	s26 =	simm.s32 $0xEFA0  }
0x14c: {  	[tilespmem:s26+$0xFFFFFFE0] =	vst v2  }
0x14d: {  	v2 =	vld [tilespmem:s24+$0x10];
	_ =	sdelay $0x4  }
0x14e: {  	v2 =	vmul.f32 v1, v2;
	_ =	sdelay $0x1  }
0x14f: {  	[tilespmem:s26+$0xFFFFFFF0] =	vst v2  }
0x150: {  	v2 =	vld [tilespmem:s24+$0x20];
	_ =	sdelay $0x4  }
0x151: {  	v2 =	vmul.f32 v1, v2;
	_ =	sdelay $0x1  }
0x152: {  	[tilespmem:s26+$0x0] =	vst v2  }
0x153: {  	v2 =	vld [tilespmem:s24+$0x30];
	_ =	sdelay $0x4  }
0x154: {  	s28 =	simm.s32 $0x40;
	s29 =	simm.s32 $0xEFA0;
	v1 =	vmul.f32 v1, v2  }
.LBB2_8:
0x155: {  	s24 =	sadd.s32 $0x80, s24;
	s26 =	sadd.s32 $0x40, s26;
	s25 =	sadd.s32 $0x40, s25  }
0x156: {  	s30 =	sshra.s32 s28, $0x2;
	p0 =	sne.s32 s28, $0x1F00;
	s28 =	sadd.s32 $0x40, s28;
	[tilespmem:s29+$0x10] =	vst v1  }
0x157: {  	s29 =	smov.u32 s26;
	v1 =	vld [tilespmem:s30+$0xC0A0]  }
0x158: {  	v2 =	vld [tilespmem:s30+$0xC870];
	_ =	sdelay $0x4  }
0x159: {  	v1 =	vadd.f32 v2, v1;
	_ =	sdelay $0x1  }
0x15a: {  	v2 =	vshra.s32 v1, $0x1;
	v3 =	vmul.f32 $5.000000000e-01, v1  }
0x15b: {  	v2 =	vsub.s32 $0x5F3759DF, v2  }
0x15c: {  	v4 =	vmul.f32 v2, v3;
	_ =	sdelay $0x1  }
0x15d: {  	v4 =	vmul.f32 v2, v4;
	_ =	sdelay $0x1  }
0x15e: {  	v4 =	vsub.f32 $1.500000000e+00, v4;
	_ =	sdelay $0x1  }
0x15f: {  	v2 =	vmul.f32 v2, v4;
	_ =	sdelay $0x1  }
0x160: {  	v4 =	vmul.f32 v2, v3;
	_ =	sdelay $0x1  }
0x161: {  	v4 =	vmul.f32 v4, v2;
	_ =	sdelay $0x1  }
0x162: {  	v4 =	vsub.f32 $1.500000000e+00, v4;
	_ =	sdelay $0x1  }
0x163: {  	v2 =	vmul.f32 v4, v2;
	_ =	sdelay $0x1  }
0x164: {  	v3 =	vmul.f32 v2, v3;
	_ =	sdelay $0x1  }
0x165: {  	v3 =	vmul.f32 v3, v2  }
0x166: {  	v4 =	vld [tilespmem:s24+$0xFFFFFFC0]  }
0x167: {  	v3 =	vsub.f32 $1.500000000e+00, v3;
	_ =	sdelay $0x1  }
0x168: {  	vm0 =	vgt.f32 v1, $0.0e+00;
	v2 =	vmul.f32 v3, v2;
	_ =	sdelay $0x1  }
0x169: {  	v1 =	vnsel vm0, $0x3F800000, v2  }
0x16a: {  	v2 =	vmul.f32 v1, v4;
	_ =	sdelay $0x1  }
0x16b: {  	[tilespmem:s25+$0xFFFFFFE0] =	vst v2  }
0x16c: {  	v2 =	vld [tilespmem:s24+$0xFFFFFFD0];
	_ =	sdelay $0x4  }
0x16d: {  	v2 =	vmul.f32 v1, v2;
	_ =	sdelay $0x1  }
0x16e: {  	[tilespmem:s25+$0xFFFFFFF0] =	vst v2  }
0x16f: {  	v2 =	vld [tilespmem:s24+$0xFFFFFFE0];
	_ =	sdelay $0x4  }
0x170: {  	v2 =	vmul.f32 v1, v2;
	_ =	sdelay $0x1  }
0x171: {  	[tilespmem:s25+$0x0] =	vst v2  }
0x172: {  	v2 =	vld [tilespmem:s24+$0xFFFFFFF0];
	_ =	sdelay $0x4  }
0x173: {  	v2 =	vmul.f32 v1, v2;
	_ =	sdelay $0x1  }
0x174: {  	[tilespmem:s25+$0x10] =	vst v2  }
0x175: {  	v2 =	vld [tilespmem:s24+$0x0];
	_ =	sdelay $0x4  }
0x176: {  	v2 =	vmul.f32 v1, v2;
	_ =	sdelay $0x1  }
0x177: {  	[tilespmem:s26+$0xFFFFFFE0] =	vst v2  }
0x178: {  	v2 =	vld [tilespmem:s24+$0x10];
	_ =	sdelay $0x4  }
0x179: {  	v2 =	vmul.f32 v1, v2;
	_ =	sdelay $0x1  }
0x17a: {  	[tilespmem:s26+$0xFFFFFFF0] =	vst v2  }
0x17b: {  	v2 =	vld [tilespmem:s24+$0x20];
	_ =	sdelay $0x4  }
0x17c: {  	v2 =	vmul.f32 v1, v2;
	_ =	sdelay $0x1  }
0x17d: {  	[tilespmem:s26+$0x0] =	vst v2  }
0x17e: {  	v2 =	vld [tilespmem:s24+$0x30]  }
.Ltmp3:
0x17f: {  	(pc) =	sbr.rel @p0 .LBB2_8-.Ltmp3, $2  }
0x180: {  	_ =	sdelay $0x2  }
0x181: {  	v1 =	vmul.f32 v1, v2  }
0x182: {  	_ = 	snop  }
0x183: {  	s24 =	simm.s32 $0x0;
	s25 =	rddreg [dreg:$0x18];
	[tilespmem:s29+$0x10] =	vst v1  }
0x184: {  	[hbm4b:s25+s24] =	stream.linear.scatter [tilespmem:s19], [sflag:$0x2], $0x1F40, $0x38;
	[tilespmem:$0x1AEC0] =	vst v63  }
0x185: {  	_ =	swait.ge [sflag:s12], $0x1F40  }
0x186: {  	[sflag:s12] =	ssyncset.done $0x0  }
0x187: {  	s30 =	rddreg [dreg:$0x19];
	[sflag:s12] =	ssyncadd.s32 $0xFFFFE0C0  }
0x188: {  	[hbm4b:s30+s24] =	stream.linear.scatter [tilespmem:s20], [sflag:$0x2], $0x1F40, $0x38;
	[tilespmem:$0x1AEC0] =	vst v63  }
0x189: {  	_ =	swait.ge [sflag:s12], $0x1F40  }
0x18a: {  	[sflag:s12] =	ssyncset.done $0x0  }
0x18b: {  	s26 =	rddreg [dreg:$0xe];
	[sflag:s12] =	ssyncadd.s32 $0xFFFFE0C0  }
0x18c: {  	[tilespmem:s14], [sflag:$0x2] =	stream.linear.gather [hbm4b:s26+s24], $0x3E80, $0x38;
	[tilespmem:$0x1AEC0] =	vst v63  }
0x18d: {  	_ =	swait.ge [sflag:s12], $0x3E80  }
0x18e: {  	[sflag:s12] =	ssyncset.done $0x0  }
0x18f: {  	s30 =	rddreg [dreg:$0xf];
	[sflag:s12] =	ssyncadd.s32 $0xFFFFC180  }
0x190: {  	[tilespmem:s15], [sflag:$0x2] =	stream.linear.gather [hbm4b:s30+s24], $0x7D0, $0x38;
	[tilespmem:$0x1AEC0] =	vst v63  }
0x191: {  	_ =	swait.ge [sflag:s12], $0x7D0  }
0x192: {  	[sflag:s12] =	ssyncset.done $0x0  }
0x193: {  	s26 =	rddreg [dreg:$0x1a];
	[sflag:s12] =	ssyncadd.s32 $0xFFFFF830  }
0x194: {  	[tilespmem:s18], [sflag:$0x2] =	stream.linear.gather [hbm4b:s26+s24], $0x7D0, $0x38;
	[tilespmem:$0x1AEC0] =	vst v63  }
0x195: {  	_ =	swait.ge [sflag:s12], $0x7D0  }
0x196: {  	[sflag:s12] =	ssyncset.done $0x0  }
0x197: {  	s30 =	simm.s32 $0x0;
	[sflag:s12] =	ssyncadd.s32 $0xFFFFF830  }
0x198: {  	v1 =	vld [tilespmem:s30+$0xC0A0]  }
0x199: {  	v2 =	vld [tilespmem:s30+$0xC870];
	_ =	sdelay $0x4  }
0x19a: {  	v1 =	vadd.f32 v2, v1;
	_ =	sdelay $0x1  }
0x19b: {  	v2 =	vshra.s32 v1, $0x1;
	v3 =	vmul.f32 $5.000000000e-01, v1  }
0x19c: {  	v2 =	vsub.s32 $0x5F3759DF, v2  }
0x19d: {  	v4 =	vmul.f32 v2, v3;
	_ =	sdelay $0x1  }
0x19e: {  	v4 =	vmul.f32 v2, v4;
	_ =	sdelay $0x1  }
0x19f: {  	v4 =	vsub.f32 $1.500000000e+00, v4;
	_ =	sdelay $0x1  }
0x1a0: {  	v2 =	vmul.f32 v2, v4;
	_ =	sdelay $0x1  }
0x1a1: {  	v4 =	vmul.f32 v2, v3;
	_ =	sdelay $0x1  }
0x1a2: {  	v4 =	vmul.f32 v4, v2;
	_ =	sdelay $0x1  }
0x1a3: {  	v4 =	vsub.f32 $1.500000000e+00, v4;
	_ =	sdelay $0x1  }
0x1a4: {  	v2 =	vmul.f32 v4, v2;
	_ =	sdelay $0x1  }
0x1a5: {  	v3 =	vmul.f32 v2, v3;
	_ =	sdelay $0x1  }
0x1a6: {  	v3 =	vmul.f32 v3, v2  }
0x1a7: {  	s24 =	simm.s32 $0x8260  }
0x1a8: {  	v63 =	vld [tilespmem:s24+$0xFFFFFFC0];
	v3 =	vsub.f32 $1.500000000e+00, v3;
	_ =	sdelay $0x1  }
0x1a9: {  	v2 =	vmul.f32 v3, v2  }
0x1aa: {  	vm0 =	vgt.f32 v1, $0.0e+00  }
0x1ab: {  	v1 =	vnsel vm0, $0x3F800000, v2  }
0x1ac: {  	v2 =	vmul.f32 v1, v63  }
0x1ad: {  	s25 =	simm.s32 $0xD060  }
0x1ae: {  	[tilespmem:s25+$0xFFFFFFE0] =	vst v2  }
0x1af: {  	v2 =	vld [tilespmem:s24+$0xFFFFFFD0];
	_ =	sdelay $0x4  }
0x1b0: {  	v2 =	vmul.f32 v1, v2;
	_ =	sdelay $0x1  }
0x1b1: {  	[tilespmem:s25+$0xFFFFFFF0] =	vst v2  }
0x1b2: {  	v2 =	vld [tilespmem:s24+$0xFFFFFFE0];
	_ =	sdelay $0x4  }
0x1b3: {  	v2 =	vmul.f32 v1, v2;
	_ =	sdelay $0x1  }
0x1b4: {  	[tilespmem:s25+$0x0] =	vst v2  }
0x1b5: {  	v2 =	vld [tilespmem:s24+$0xFFFFFFF0];
	_ =	sdelay $0x4  }
0x1b6: {  	v2 =	vmul.f32 v1, v2;
	_ =	sdelay $0x1  }
0x1b7: {  	[tilespmem:s25+$0x10] =	vst v2  }
0x1b8: {  	v2 =	vld [tilespmem:s24+$0x0];
	_ =	sdelay $0x4  }
0x1b9: {  	v2 =	vmul.f32 v1, v2  }
0x1ba: {  	s26 =	simm.s32 $0xEFA0  }
0x1bb: {  	[tilespmem:s26+$0xFFFFFFE0] =	vst v2  }
0x1bc: {  	v2 =	vld [tilespmem:s24+$0x10];
	_ =	sdelay $0x4  }
0x1bd: {  	v2 =	vmul.f32 v1, v2;
	_ =	sdelay $0x1  }
0x1be: {  	[tilespmem:s26+$0xFFFFFFF0] =	vst v2  }
0x1bf: {  	v2 =	vld [tilespmem:s24+$0x20];
	_ =	sdelay $0x4  }
0x1c0: {  	v2 =	vmul.f32 v1, v2;
	_ =	sdelay $0x1  }
0x1c1: {  	[tilespmem:s26+$0x0] =	vst v2  }
0x1c2: {  	v2 =	vld [tilespmem:s24+$0x30];
	_ =	sdelay $0x4  }
0x1c3: {  	s28 =	simm.s32 $0x40;
	s29 =	simm.s32 $0xEFA0;
	v1 =	vmul.f32 v1, v2  }
.LBB2_10:
0x1c4: {  	s24 =	sadd.s32 $0x80, s24;
	s26 =	sadd.s32 $0x40, s26;
	s25 =	sadd.s32 $0x40, s25  }
0x1c5: {  	s30 =	sshra.s32 s28, $0x2;
	p0 =	sne.s32 s28, $0x1F00;
	s28 =	sadd.s32 $0x40, s28;
	[tilespmem:s29+$0x10] =	vst v1  }
0x1c6: {  	s29 =	smov.u32 s26;
	v1 =	vld [tilespmem:s30+$0xC0A0]  }
0x1c7: {  	v2 =	vld [tilespmem:s30+$0xC870];
	_ =	sdelay $0x4  }
0x1c8: {  	v1 =	vadd.f32 v2, v1;
	_ =	sdelay $0x1  }
0x1c9: {  	v2 =	vshra.s32 v1, $0x1;
	v3 =	vmul.f32 $5.000000000e-01, v1  }
0x1ca: {  	v2 =	vsub.s32 $0x5F3759DF, v2  }
0x1cb: {  	v4 =	vmul.f32 v2, v3;
	_ =	sdelay $0x1  }
0x1cc: {  	v4 =	vmul.f32 v2, v4;
	_ =	sdelay $0x1  }
0x1cd: {  	v4 =	vsub.f32 $1.500000000e+00, v4;
	_ =	sdelay $0x1  }
0x1ce: {  	v2 =	vmul.f32 v2, v4;
	_ =	sdelay $0x1  }
0x1cf: {  	v4 =	vmul.f32 v2, v3;
	_ =	sdelay $0x1  }
0x1d0: {  	v4 =	vmul.f32 v4, v2;
	_ =	sdelay $0x1  }
0x1d1: {  	v4 =	vsub.f32 $1.500000000e+00, v4;
	_ =	sdelay $0x1  }
0x1d2: {  	v2 =	vmul.f32 v4, v2;
	_ =	sdelay $0x1  }
0x1d3: {  	v3 =	vmul.f32 v2, v3;
	_ =	sdelay $0x1  }
0x1d4: {  	v3 =	vmul.f32 v3, v2  }
0x1d5: {  	v4 =	vld [tilespmem:s24+$0xFFFFFFC0]  }
0x1d6: {  	v3 =	vsub.f32 $1.500000000e+00, v3;
	_ =	sdelay $0x1  }
0x1d7: {  	vm0 =	vgt.f32 v1, $0.0e+00;
	v2 =	vmul.f32 v3, v2;
	_ =	sdelay $0x1  }
0x1d8: {  	v1 =	vnsel vm0, $0x3F800000, v2  }
0x1d9: {  	v2 =	vmul.f32 v1, v4;
	_ =	sdelay $0x1  }
0x1da: {  	[tilespmem:s25+$0xFFFFFFE0] =	vst v2  }
0x1db: {  	v2 =	vld [tilespmem:s24+$0xFFFFFFD0];
	_ =	sdelay $0x4  }
0x1dc: {  	v2 =	vmul.f32 v1, v2;
	_ =	sdelay $0x1  }
0x1dd: {  	[tilespmem:s25+$0xFFFFFFF0] =	vst v2  }
0x1de: {  	v2 =	vld [tilespmem:s24+$0xFFFFFFE0];
	_ =	sdelay $0x4  }
0x1df: {  	v2 =	vmul.f32 v1, v2;
	_ =	sdelay $0x1  }
0x1e0: {  	[tilespmem:s25+$0x0] =	vst v2  }
0x1e1: {  	v2 =	vld [tilespmem:s24+$0xFFFFFFF0];
	_ =	sdelay $0x4  }
0x1e2: {  	v2 =	vmul.f32 v1, v2;
	_ =	sdelay $0x1  }
0x1e3: {  	[tilespmem:s25+$0x10] =	vst v2  }
0x1e4: {  	v2 =	vld [tilespmem:s24+$0x0];
	_ =	sdelay $0x4  }
0x1e5: {  	v2 =	vmul.f32 v1, v2;
	_ =	sdelay $0x1  }
0x1e6: {  	[tilespmem:s26+$0xFFFFFFE0] =	vst v2  }
0x1e7: {  	v2 =	vld [tilespmem:s24+$0x10];
	_ =	sdelay $0x4  }
0x1e8: {  	v2 =	vmul.f32 v1, v2;
	_ =	sdelay $0x1  }
0x1e9: {  	[tilespmem:s26+$0xFFFFFFF0] =	vst v2  }
0x1ea: {  	v2 =	vld [tilespmem:s24+$0x20];
	_ =	sdelay $0x4  }
0x1eb: {  	v2 =	vmul.f32 v1, v2;
	_ =	sdelay $0x1  }
0x1ec: {  	[tilespmem:s26+$0x0] =	vst v2  }
0x1ed: {  	v2 =	vld [tilespmem:s24+$0x30]  }
.Ltmp4:
0x1ee: {  	(pc) =	sbr.rel @p0 .LBB2_10-.Ltmp4, $2  }
0x1ef: {  	_ =	sdelay $0x2  }
0x1f0: {  	v1 =	vmul.f32 v1, v2  }
0x1f1: {  	_ = 	snop  }
0x1f2: {  	s24 =	simm.s32 $0x0;
	s25 =	rddreg [dreg:$0x1b];
	[tilespmem:s29+$0x10] =	vst v1  }
0x1f3: {  	[hbm4b:s25+s24] =	stream.linear.scatter [tilespmem:s19], [sflag:$0x2], $0x1F40, $0x38;
	[tilespmem:$0x1AEC0] =	vst v63  }
0x1f4: {  	_ =	swait.ge [sflag:s12], $0x1F40  }
0x1f5: {  	[sflag:s12] =	ssyncset.done $0x0  }
0x1f6: {  	s30 =	rddreg [dreg:$0x1c];
	[sflag:s12] =	ssyncadd.s32 $0xFFFFE0C0  }
0x1f7: {  	[hbm4b:s30+s24] =	stream.linear.scatter [tilespmem:s20], [sflag:$0x2], $0x1F40, $0x38;
	[tilespmem:$0x1AEC0] =	vst v63  }
0x1f8: {  	_ =	swait.ge [sflag:s12], $0x1F40  }
0x1f9: {  	[sflag:s12] =	ssyncset.done $0x0  }
0x1fa: {  	s26 =	rddreg [dreg:$0x10];
	[sflag:s12] =	ssyncadd.s32 $0xFFFFE0C0  }
0x1fb: {  	[tilespmem:s14], [sflag:$0x2] =	stream.linear.gather [hbm4b:s26+s24], $0x3E80, $0x38;
	[tilespmem:$0x1AEC0] =	vst v63  }
0x1fc: {  	_ =	swait.ge [sflag:s12], $0x3E80  }
0x1fd: {  	[sflag:s12] =	ssyncset.done $0x0  }
0x1fe: {  	s30 =	rddreg [dreg:$0x11];
	[sflag:s12] =	ssyncadd.s32 $0xFFFFC180  }
0x1ff: {  	[tilespmem:s15], [sflag:$0x2] =	stream.linear.gather [hbm4b:s30+s24], $0x7D0, $0x38;
	[tilespmem:$0x1AEC0] =	vst v63  }
0x200: {  	_ =	swait.ge [sflag:s12], $0x7D0  }
0x201: {  	[sflag:s12] =	ssyncset.done $0x0  }
0x202: {  	s26 =	rddreg [dreg:$0x1d];
	[sflag:s12] =	ssyncadd.s32 $0xFFFFF830  }
0x203: {  	[tilespmem:s18], [sflag:$0x2] =	stream.linear.gather [hbm4b:s26+s24], $0x7D0, $0x38;
	[tilespmem:$0x1AEC0] =	vst v63  }
0x204: {  	_ =	swait.ge [sflag:s12], $0x7D0  }
0x205: {  	[sflag:s12] =	ssyncset.done $0x0  }
0x206: {  	s30 =	simm.s32 $0x0;
	[sflag:s12] =	ssyncadd.s32 $0xFFFFF830  }
0x207: {  	v1 =	vld [tilespmem:s30+$0xC0A0]  }
0x208: {  	v2 =	vld [tilespmem:s30+$0xC870];
	_ =	sdelay $0x4  }
0x209: {  	v1 =	vadd.f32 v2, v1;
	_ =	sdelay $0x1  }
0x20a: {  	v2 =	vshra.s32 v1, $0x1;
	v3 =	vmul.f32 $5.000000000e-01, v1  }
0x20b: {  	v2 =	vsub.s32 $0x5F3759DF, v2  }
0x20c: {  	v4 =	vmul.f32 v2, v3;
	_ =	sdelay $0x1  }
0x20d: {  	v4 =	vmul.f32 v2, v4;
	_ =	sdelay $0x1  }
0x20e: {  	v4 =	vsub.f32 $1.500000000e+00, v4;
	_ =	sdelay $0x1  }
0x20f: {  	v2 =	vmul.f32 v2, v4;
	_ =	sdelay $0x1  }
0x210: {  	v4 =	vmul.f32 v2, v3;
	_ =	sdelay $0x1  }
0x211: {  	v4 =	vmul.f32 v4, v2;
	_ =	sdelay $0x1  }
0x212: {  	v4 =	vsub.f32 $1.500000000e+00, v4;
	_ =	sdelay $0x1  }
0x213: {  	v2 =	vmul.f32 v4, v2;
	_ =	sdelay $0x1  }
0x214: {  	v3 =	vmul.f32 v2, v3;
	_ =	sdelay $0x1  }
0x215: {  	v3 =	vmul.f32 v3, v2  }
0x216: {  	s24 =	simm.s32 $0x8260  }
0x217: {  	v63 =	vld [tilespmem:s24+$0xFFFFFFC0];
	v3 =	vsub.f32 $1.500000000e+00, v3;
	_ =	sdelay $0x1  }
0x218: {  	v2 =	vmul.f32 v3, v2  }
0x219: {  	vm0 =	vgt.f32 v1, $0.0e+00  }
0x21a: {  	v1 =	vnsel vm0, $0x3F800000, v2  }
0x21b: {  	v2 =	vmul.f32 v1, v63  }
0x21c: {  	s25 =	simm.s32 $0xD060  }
0x21d: {  	[tilespmem:s25+$0xFFFFFFE0] =	vst v2  }
0x21e: {  	v2 =	vld [tilespmem:s24+$0xFFFFFFD0];
	_ =	sdelay $0x4  }
0x21f: {  	v2 =	vmul.f32 v1, v2;
	_ =	sdelay $0x1  }
0x220: {  	[tilespmem:s25+$0xFFFFFFF0] =	vst v2  }
0x221: {  	v2 =	vld [tilespmem:s24+$0xFFFFFFE0];
	_ =	sdelay $0x4  }
0x222: {  	v2 =	vmul.f32 v1, v2;
	_ =	sdelay $0x1  }
0x223: {  	[tilespmem:s25+$0x0] =	vst v2  }
0x224: {  	v2 =	vld [tilespmem:s24+$0xFFFFFFF0];
	_ =	sdelay $0x4  }
0x225: {  	v2 =	vmul.f32 v1, v2;
	_ =	sdelay $0x1  }
0x226: {  	[tilespmem:s25+$0x10] =	vst v2  }
0x227: {  	v2 =	vld [tilespmem:s24+$0x0];
	_ =	sdelay $0x4  }
0x228: {  	v2 =	vmul.f32 v1, v2  }
0x229: {  	s26 =	simm.s32 $0xEFA0  }
0x22a: {  	[tilespmem:s26+$0xFFFFFFE0] =	vst v2  }
0x22b: {  	v2 =	vld [tilespmem:s24+$0x10];
	_ =	sdelay $0x4  }
0x22c: {  	v2 =	vmul.f32 v1, v2;
	_ =	sdelay $0x1  }
0x22d: {  	[tilespmem:s26+$0xFFFFFFF0] =	vst v2  }
0x22e: {  	v2 =	vld [tilespmem:s24+$0x20];
	_ =	sdelay $0x4  }
0x22f: {  	v2 =	vmul.f32 v1, v2;
	_ =	sdelay $0x1  }
0x230: {  	[tilespmem:s26+$0x0] =	vst v2  }
0x231: {  	v2 =	vld [tilespmem:s24+$0x30];
	_ =	sdelay $0x4  }
0x232: {  	s28 =	simm.s32 $0x40;
	s29 =	simm.s32 $0xEFA0;
	v1 =	vmul.f32 v1, v2  }
.LBB2_12:
0x233: {  	s24 =	sadd.s32 $0x80, s24;
	s26 =	sadd.s32 $0x40, s26;
	s25 =	sadd.s32 $0x40, s25  }
0x234: {  	s30 =	sshra.s32 s28, $0x2;
	p0 =	sne.s32 s28, $0x1F00;
	s28 =	sadd.s32 $0x40, s28;
	[tilespmem:s29+$0x10] =	vst v1  }
0x235: {  	s29 =	smov.u32 s26;
	v1 =	vld [tilespmem:s30+$0xC0A0]  }
0x236: {  	v2 =	vld [tilespmem:s30+$0xC870];
	_ =	sdelay $0x4  }
0x237: {  	v1 =	vadd.f32 v2, v1;
	_ =	sdelay $0x1  }
0x238: {  	v2 =	vshra.s32 v1, $0x1;
	v3 =	vmul.f32 $5.000000000e-01, v1  }
0x239: {  	v2 =	vsub.s32 $0x5F3759DF, v2  }
0x23a: {  	v4 =	vmul.f32 v2, v3;
	_ =	sdelay $0x1  }
0x23b: {  	v4 =	vmul.f32 v2, v4;
	_ =	sdelay $0x1  }
0x23c: {  	v4 =	vsub.f32 $1.500000000e+00, v4;
	_ =	sdelay $0x1  }
0x23d: {  	v2 =	vmul.f32 v2, v4;
	_ =	sdelay $0x1  }
0x23e: {  	v4 =	vmul.f32 v2, v3;
	_ =	sdelay $0x1  }
0x23f: {  	v4 =	vmul.f32 v4, v2;
	_ =	sdelay $0x1  }
0x240: {  	v4 =	vsub.f32 $1.500000000e+00, v4;
	_ =	sdelay $0x1  }
0x241: {  	v2 =	vmul.f32 v4, v2;
	_ =	sdelay $0x1  }
0x242: {  	v3 =	vmul.f32 v2, v3;
	_ =	sdelay $0x1  }
0x243: {  	v3 =	vmul.f32 v3, v2  }
0x244: {  	v4 =	vld [tilespmem:s24+$0xFFFFFFC0]  }
0x245: {  	v3 =	vsub.f32 $1.500000000e+00, v3;
	_ =	sdelay $0x1  }
0x246: {  	vm0 =	vgt.f32 v1, $0.0e+00;
	v2 =	vmul.f32 v3, v2;
	_ =	sdelay $0x1  }
0x247: {  	v1 =	vnsel vm0, $0x3F800000, v2  }
0x248: {  	v2 =	vmul.f32 v1, v4;
	_ =	sdelay $0x1  }
0x249: {  	[tilespmem:s25+$0xFFFFFFE0] =	vst v2  }
0x24a: {  	v2 =	vld [tilespmem:s24+$0xFFFFFFD0];
	_ =	sdelay $0x4  }
0x24b: {  	v2 =	vmul.f32 v1, v2;
	_ =	sdelay $0x1  }
0x24c: {  	[tilespmem:s25+$0xFFFFFFF0] =	vst v2  }
0x24d: {  	v2 =	vld [tilespmem:s24+$0xFFFFFFE0];
	_ =	sdelay $0x4  }
0x24e: {  	v2 =	vmul.f32 v1, v2;
	_ =	sdelay $0x1  }
0x24f: {  	[tilespmem:s25+$0x0] =	vst v2  }
0x250: {  	v2 =	vld [tilespmem:s24+$0xFFFFFFF0];
	_ =	sdelay $0x4  }
0x251: {  	v2 =	vmul.f32 v1, v2;
	_ =	sdelay $0x1  }
0x252: {  	[tilespmem:s25+$0x10] =	vst v2  }
0x253: {  	v2 =	vld [tilespmem:s24+$0x0];
	_ =	sdelay $0x4  }
0x254: {  	v2 =	vmul.f32 v1, v2;
	_ =	sdelay $0x1  }
0x255: {  	[tilespmem:s26+$0xFFFFFFE0] =	vst v2  }
0x256: {  	v2 =	vld [tilespmem:s24+$0x10];
	_ =	sdelay $0x4  }
0x257: {  	v2 =	vmul.f32 v1, v2;
	_ =	sdelay $0x1  }
0x258: {  	[tilespmem:s26+$0xFFFFFFF0] =	vst v2  }
0x259: {  	v2 =	vld [tilespmem:s24+$0x20];
	_ =	sdelay $0x4  }
0x25a: {  	v2 =	vmul.f32 v1, v2;
	_ =	sdelay $0x1  }
0x25b: {  	[tilespmem:s26+$0x0] =	vst v2  }
0x25c: {  	v2 =	vld [tilespmem:s24+$0x30]  }
.Ltmp5:
0x25d: {  	(pc) =	sbr.rel @p0 .LBB2_12-.Ltmp5, $2  }
0x25e: {  	_ =	sdelay $0x2  }
0x25f: {  	v1 =	vmul.f32 v1, v2  }
0x260: {  	_ = 	snop  }
0x261: {  	s24 =	simm.s32 $0x0;
	s25 =	rddreg [dreg:$0x1e];
	[tilespmem:s29+$0x10] =	vst v1  }
0x262: {  	[hbm4b:s25+s24] =	stream.linear.scatter [tilespmem:s19], [sflag:$0x2], $0x1F40, $0x38;
	[tilespmem:$0x1AEC0] =	vst v63  }
0x263: {  	_ =	swait.ge [sflag:s12], $0x1F40  }
0x264: {  	[sflag:s12] =	ssyncset.done $0x0  }
0x265: {  	[sflag:s12] =	ssyncadd.s32 $0xFFFFE0C0  }
0x266: {  	[hbm4b:s13+s24] =	stream.linear.scatter [tilespmem:s20], [sflag:$0x2], $0x1F40, $0x38;
	[tilespmem:$0x1AEC0] =	vst v63  }
0x267: {  	_ =	swait.ge [sflag:s12], $0x1F40  }
0x268: {  	[sflag:s12] =	ssyncset.done $0x0  }
0x269: {  	[sflag:s12] =	ssyncadd.s32 $0xFFFFE0C0  }
0x26a: {  	[spmem:s0] =	stream.linear.scatter [tilespmem:s21], [sflag:$0x2], $0x2000, $0x38;
	[tilespmem:$0x1AEC0] =	vst v63  }
0x26b: {  	_ =	swait.ge [sflag:s12], $0x2000  }
0x26c: {  	[sflag:s12] =	ssyncset.done $0x0  }
0x26d: {  	[sflag:s12] =	ssyncadd.s32 $0xFFFFE000  }
0x26e: {  	[spmem:s3] =	stream.linear.scatter [tilespmem:s21], [sflag:$0x2], $0x2000, $0x38;
	[tilespmem:$0x1AEC0] =	vst v63  }
0x26f: {  	_ =	swait.ge [sflag:s12], $0x2000  }
0x270: {  	[sflag:s12] =	ssyncset.done $0x0  }
0x271: {  	[sflag:s12] =	ssyncadd.s32 $0xFFFFE000  }
0x272: {  	[spmem:s4] =	stream.linear.scatter [tilespmem:s21], [sflag:$0x2], $0x2000, $0x38;
	[tilespmem:$0x1AEC0] =	vst v63  }
0x273: {  	_ =	swait.ge [sflag:s12], $0x2000  }
0x274: {  	[sflag:s12] =	ssyncset.done $0x0  }
0x275: {  	[sflag:s12] =	ssyncadd.s32 $0xFFFFE000  }
0x276: {  	[spmem:s5] =	stream.linear.scatter [tilespmem:s21], [sflag:$0x2], $0x2000, $0x38;
	[tilespmem:$0x1AEC0] =	vst v63  }
0x277: {  	_ =	swait.ge [sflag:s12], $0x2000  }
0x278: {  	[sflag:s12] =	ssyncset.done $0x0  }
0x279: {  	[sflag:s12] =	ssyncadd.s32 $0xFFFFE000  }
0x27a: {  	[spmem:s7] =	stream.linear.scatter [tilespmem:s21], [sflag:$0x2], $0x2000, $0x38;
	[tilespmem:$0x1AEC0] =	vst v63  }
0x27b: {  	_ =	swait.ge [sflag:s12], $0x2000  }
0x27c: {  	[sflag:s12] =	ssyncset.done $0x0  }
0x27d: {  	[sflag:s12] =	ssyncadd.s32 $0xFFFFE000  }
0x27e: {  	s29 =	simm.s32 $0x0;
	[bflag:$0x0] =	sbarrier.arrive $0xFFFF  }
0x27f: {  	[tilespmem:s23], [sflag:$0x1] =	stream.indirect.gather [hbm4b:s1+s22], $0x40, s29, s22, $0xb8;
	[tilespmem:$0x1AEC0] =	vst v63  }
0x280: {  	_ =	swait.ge [sflag:s6], $0x1400  }
0x281: {  	[sflag:s6] =	ssyncset.done $0x0  }
0x282: {  	s30 =	simm.s32 $0x2710;
	[sflag:s6] =	ssyncadd.s32 $0xFFFFEC00  }
0x283: {  	[spmem:s16] =	stream.indirect.scatter.add.f32 [tilespmem:s23], [sflag:$0x2], $0x40, s30, s22, $0xb8;
	[tilespmem:$0x1AEC0] =	vst v63  }
0x284: {  	_ =	swait.ge [sflag:s12], $0x1400  }
0x285: {  	s25 =	simm.s32 $0x280;
	s24 =	simm.s32 $0x140;
	[sflag:s12] =	ssyncset.done $0x0  }
.LBB2_14:
0x286: {  	s26 =	sshra.s32 s24, $0x2  }
0x287: {  	[sflag:s12] =	ssyncadd.s32 $0xFFFFEC00;
	s24 =	smov.u32 s25;
	s28 =	sadd.s32 $0x140, s25  }
0x288: {  	[tilespmem:s23], [sflag:$0x1] =	stream.indirect.gather [hbm4b:s1+s22], $0x40, s26, s22, $0xb8;
	[tilespmem:$0x1AEC0] =	vst v63  }
0x289: {  	p0 =	sne.s32 s25, $0x9B00;
	_ =	swait.ge [sflag:s6], $0x1400  }
.Ltmp6:
0x28a: {  	[sflag:s6] =	ssyncset.done $0x0;
	(pc) =	sbr.rel @p0 .LBB2_14-.Ltmp6, $4  }
0x28b: {  	s25 =	sadd.s32 $0x2710, s26;
	[sflag:s6] =	ssyncadd.s32 $0xFFFFEC00  }
0x28c: {  	[spmem:s16] =	stream.indirect.scatter.add.f32 [tilespmem:s23], [sflag:$0x2], $0x40, s25, s22, $0xb8;
	[tilespmem:$0x1AEC0] =	vst v63  }
0x28d: {  	_ =	swait.ge [sflag:s12], $0x1400  }
0x28e: {  	s25 =	smov.u32 s28;
	[sflag:s12] =	ssyncset.done $0x0  }
0x28f: {  	s24 =	sshra.s32 s24, $0x2;
	[sflag:s12] =	ssyncadd.s32 $0xFFFFEC00  }
0x290: {  	[tilespmem:s23], [sflag:$0x1] =	stream.indirect.gather [hbm4b:s1+s22], $0x40, s24, s22, $0xb8;
	[tilespmem:$0x1AEC0] =	vst v63  }
0x291: {  	_ =	swait.ge [sflag:s6], $0x1400  }
0x292: {  	[sflag:s6] =	ssyncset.done $0x0  }
0x293: {  	s24 =	sadd.s32 $0x2710, s24;
	[sflag:s6] =	ssyncadd.s32 $0xFFFFEC00  }
0x294: {  	[spmem:s16] =	stream.indirect.scatter.add.f32 [tilespmem:s23], [sflag:$0x2], $0x40, s24, s22, $0xb8;
	[tilespmem:$0x1AEC0] =	vst v63  }
0x295: {  	_ =	swait.ge [sflag:s12], $0x1400  }
0x296: {  	s29 =	stileid.u32;
	[sflag:s12] =	ssyncset.done $0x0  }
0x297: {  	s24 =	sshll.u32 s29, $0x6;
	[sflag:s12] =	ssyncadd.s32 $0xFFFFEC00  }
0x298: {  	s25 =	sshrl.u32 s0, $0x3;
	s24 =	sor.u32 $0x1C02, s24;
	[bflag:$0x0] =	sbarrier.arrive $0xFFFF  }
0x299: {  	[hbm:s8], [sflag:s24] =	dma.local [spmem:s25], $0x1400  }
0x29a: {  	_ =	swait.ge [sflag:s12], $0x1400  }
0x29b: {  	[sflag:s12] =	ssyncset.done $0x0  }
0x29c: {  	[sflag:s12] =	ssyncadd.s32 $0xFFFFEC00  }
0x29d: {  	[spmem:s0] =	stream.linear.scatter [tilespmem:s21], [sflag:$0x2], $0x2000, $0x38;
	[tilespmem:$0x1AEC0] =	vst v63  }
0x29e: {  	_ =	swait.ge [sflag:s12], $0x2000  }
0x29f: {  	[sflag:s12] =	ssyncset.done $0x0  }
0x2a0: {  	[sflag:s12] =	ssyncadd.s32 $0xFFFFE000  }
0x2a1: {  	[spmem:s3] =	stream.linear.scatter [tilespmem:s21], [sflag:$0x2], $0x2000, $0x38;
	[tilespmem:$0x1AEC0] =	vst v63  }
0x2a2: {  	_ =	swait.ge [sflag:s12], $0x2000  }
0x2a3: {  	[sflag:s12] =	ssyncset.done $0x0  }
0x2a4: {  	[sflag:s12] =	ssyncadd.s32 $0xFFFFE000  }
0x2a5: {  	[spmem:s4] =	stream.linear.scatter [tilespmem:s21], [sflag:$0x2], $0x2000, $0x38;
	[tilespmem:$0x1AEC0] =	vst v63  }
0x2a6: {  	_ =	swait.ge [sflag:s12], $0x2000  }
0x2a7: {  	[sflag:s12] =	ssyncset.done $0x0  }
0x2a8: {  	[sflag:s12] =	ssyncadd.s32 $0xFFFFE000  }
0x2a9: {  	[spmem:s5] =	stream.linear.scatter [tilespmem:s21], [sflag:$0x2], $0x2000, $0x38;
	[tilespmem:$0x1AEC0] =	vst v63  }
0x2aa: {  	_ =	swait.ge [sflag:s12], $0x2000  }
0x2ab: {  	[sflag:s12] =	ssyncset.done $0x0  }
0x2ac: {  	[sflag:s12] =	ssyncadd.s32 $0xFFFFE000  }
0x2ad: {  	[spmem:s7] =	stream.linear.scatter [tilespmem:s21], [sflag:$0x2], $0x2000, $0x38;
	[tilespmem:$0x1AEC0] =	vst v63  }
0x2ae: {  	_ =	swait.ge [sflag:s12], $0x2000  }
0x2af: {  	[sflag:s12] =	ssyncset.done $0x0  }
0x2b0: {  	[sflag:s12] =	ssyncadd.s32 $0xFFFFE000  }
0x2b1: {  	s26 =	simm.s32 $0x0;
	[bflag:$0x0] =	sbarrier.arrive $0xFFFF  }
0x2b2: {  	[tilespmem:s23], [sflag:$0x1] =	stream.indirect.gather [hbm4b:s17+s22], $0x40, s26, s22, $0xb8;
	[tilespmem:$0x1AEC0] =	vst v63  }
0x2b3: {  	_ =	swait.ge [sflag:s6], $0x1400  }
0x2b4: {  	[sflag:s6] =	ssyncset.done $0x0  }
0x2b5: {  	s30 =	simm.s32 $0x2710;
	[sflag:s6] =	ssyncadd.s32 $0xFFFFEC00  }
0x2b6: {  	[spmem:s16] =	stream.indirect.scatter.add.f32 [tilespmem:s23], [sflag:$0x2], $0x40, s30, s22, $0xb8;
	[tilespmem:$0x1AEC0] =	vst v63  }
0x2b7: {  	_ =	swait.ge [sflag:s12], $0x1400  }
0x2b8: {  	s28 =	simm.s32 $0x280;
	s26 =	simm.s32 $0x140;
	[sflag:s12] =	ssyncset.done $0x0  }
.LBB2_16:
0x2b9: {  	s29 =	sshra.s32 s26, $0x2  }
0x2ba: {  	[sflag:s12] =	ssyncadd.s32 $0xFFFFEC00;
	s26 =	smov.u32 s28;
	s30 =	sadd.s32 $0x140, s28  }
0x2bb: {  	[tilespmem:s23], [sflag:$0x1] =	stream.indirect.gather [hbm4b:s17+s22], $0x40, s29, s22, $0xb8;
	[tilespmem:$0x1AEC0] =	vst v63  }
0x2bc: {  	p0 =	sne.s32 s28, $0x9B00;
	_ =	swait.ge [sflag:s6], $0x1400  }
.Ltmp7:
0x2bd: {  	[sflag:s6] =	ssyncset.done $0x0;
	(pc) =	sbr.rel @p0 .LBB2_16-.Ltmp7, $4  }
0x2be: {  	s28 =	sadd.s32 $0x2710, s29;
	[sflag:s6] =	ssyncadd.s32 $0xFFFFEC00  }
0x2bf: {  	[spmem:s16] =	stream.indirect.scatter.add.f32 [tilespmem:s23], [sflag:$0x2], $0x40, s28, s22, $0xb8;
	[tilespmem:$0x1AEC0] =	vst v63  }
0x2c0: {  	_ =	swait.ge [sflag:s12], $0x1400  }
0x2c1: {  	s28 =	smov.u32 s30;
	[sflag:s12] =	ssyncset.done $0x0  }
0x2c2: {  	s26 =	sshra.s32 s26, $0x2;
	[sflag:s12] =	ssyncadd.s32 $0xFFFFEC00  }
0x2c3: {  	[tilespmem:s23], [sflag:$0x1] =	stream.indirect.gather [hbm4b:s17+s22], $0x40, s26, s22, $0xb8;
	[tilespmem:$0x1AEC0] =	vst v63  }
0x2c4: {  	_ =	swait.ge [sflag:s6], $0x1400  }
0x2c5: {  	[sflag:s6] =	ssyncset.done $0x0  }
0x2c6: {  	s26 =	sadd.s32 $0x2710, s26;
	[sflag:s6] =	ssyncadd.s32 $0xFFFFEC00  }
0x2c7: {  	[spmem:s16] =	stream.indirect.scatter.add.f32 [tilespmem:s23], [sflag:$0x2], $0x40, s26, s22, $0xb8;
	[tilespmem:$0x1AEC0] =	vst v63  }
0x2c8: {  	_ =	swait.ge [sflag:s12], $0x1400  }
0x2c9: {  	s2 =	sadd.s32 $0x1, s2;
	[sflag:s12] =	ssyncset.done $0x0  }
0x2ca: {  	p0 =	sne.s32 s2, s10;
	[sflag:s12] =	ssyncadd.s32 $0xFFFFEC00  }
.Ltmp8:
0x2cb: {  	[bflag:$0x0] =	sbarrier.arrive $0xFFFF;
	(pc) =	sbr.rel @p0 .LBB2_1-.Ltmp8, $4  }
0x2cc: {  	[hbm:s9], [sflag:s24] =	dma.local [spmem:s25], $0x1400  }
0x2cd: {  	_ =	swait.ge [sflag:s12], $0x1400  }
0x2ce: {  	[sflag:s12] =	ssyncset.done $0x0  }
0x2cf: {  	[sflag:s12] =	ssyncadd.s32 $0xFFFFEC00  }
0x2d0: {  	_ =	sfence.sel $0x180000  }
0x2d1: {  	[bflag:$0x0] =	sbarrier.arrive $0xFFFF  }
0x2d2: {  	_ =	strace $0x9000004A  }
0x2d3: {  	s0 =	stileid.u32;
	[bflag:$0x2] =	sbarrier.arrive $0xFFFF  }
0x2d4: {  	p0 =	sne.s32 s0, $0x0;
	s0 =	rddreg [dreg:$0x6]  }
0x2d5: {  	s0 =	sadd.s32 @!p0 $0x100000, s0  }
0x2d6: {  	[sflag:s0] =	ssyncadd.tile.s32 @!p0 $0x1;
	_ =	shalt  }
.Lfunc_end2:
_tile_overlayer_lowered:
.L_overlay_start_2:
0x2d7: {  	(tag) =	ssettag $0x2  }
0x2d8: {  	s0 =	rddreg [dreg:$0x0];
	s2 =	stileid.u32  }
0x2d9: {  	s1 =	rddreg [dreg:$0x1];
	p0 =	sne.s32 s2, $0x0  }
0x2da: {  	s3 =	rddreg [dreg:$0x2];
	[bflag:$0x3] =	sbarrier.arrive $0xFFFF;
	s2 =	simm.s32 @!p0 $0x1C02  }
0x2db: {  	[timem:s3], [sflag:s2] =	dma.local @!p0 [hbm:s0], s1  }
0x2dc: {  	s0 =	simm.s32 @!p0 $0x2  }
0x2dd: {  	_ =	swait.ge @!p0 [sflag:s0], s1  }
0x2de: {  	s1 =	ssub.s32 @!p0 $0x0, s1;
	[sflag:s0] =	ssyncset.done @!p0 $0x0  }
0x2df: {  	[sflag:s0] =	ssyncadd.s32 @!p0 s1  }
0x2e0: {  	[bflag:$0x3] =	sbarrier.arrive $0xFFFF  }
0x2e1: {  	_ =	shalt  }

</sc_bundles>
